<compile_context>
chip_gen: v7x
topology: tpu7x:2x2x1
jax: 0.10.2.dev20260603
libtpu: 0.0.44.dev20260713+nightly
codegen_flags: <defaults>
</compile_context>

<pallas_src>
import functools

import jax
import jax.numpy as jnp
from jax import lax
from jax.experimental import pallas as pl
from jax.experimental.pallas import tpu as pltpu
from jax.experimental.pallas import tpu_sc as plsc

N = 10000
E = 320000
D_IN = 128
HID = 16
D_OUT = 128

NC = 2
NS = 16
NW = NC * NS
EPW = E // NW
CH = 80
NCHUNK = EPW // CH
NBUF = 5
ROWS_PT = N // NS

_mesh = plsc.VectorSubcoreMesh(
    core_axis_name="c", subcore_axis_name="s", num_cores=NC, num_subcores=NS)

_sc_params = pltpu.CompilerParams(use_tc_tiling_on_sc=False)


def _edge_loop(table_ref, srcs_v, dsts_v, rows_v, gsem, ssem, acc_sh):
  del ssem
  for b in range(NBUF):
    pltpu.async_copy(table_ref.at[srcs_v.at[b]], rows_v.at[b], gsem.at[b])

  @pl.loop(0, NCHUNK // NBUF)
  def _group(g):
    for b in range(NBUF):
      j = g * NBUF + b
      pltpu.make_async_copy(table_ref.at[srcs_v.at[b]], rows_v.at[b],
                            gsem.at[b]).wait()
      pltpu.sync_copy(rows_v.at[b], acc_sh.at[dsts_v.at[j]], add=True)
      jn = j + NBUF

      @pl.when(jn < NCHUNK)
      def _():
        pltpu.async_copy(table_ref.at[srcs_v.at[jn]], rows_v.at[b],
                         gsem.at[b])


def _make_sc_deg():
  out_type = jax.ShapeDtypeStruct((NC, N, HID), jnp.float32)
  scratch = [
      pltpu.VMEM((NCHUNK, CH), jnp.int32),
      pltpu.VMEM((CH, HID), jnp.float32),
      pltpu.VMEM_SHARED((N, HID), jnp.float32),
      pltpu.SemaphoreType.DMA,
  ]
  K = 25

  @functools.partial(pl.kernel, out_type=out_type, mesh=_mesh,
                     scratch_types=scratch, compiler_params=_sc_params)
  def sc_deg(dst2d_hbm, zeros_hbm, ones_hbm, deg_out,
             dsts_v, ones_v, deg_sh, ssem):
    c = lax.axis_index("c")
    s = lax.axis_index("s")
    wid = s * NC + c
    r0 = s * ROWS_PT

    pltpu.sync_copy(dst2d_hbm.at[pl.ds(wid * NCHUNK, NCHUNK)], dsts_v)
    pltpu.sync_copy(zeros_hbm, deg_sh.at[pl.ds(r0, ROWS_PT)])
    pltpu.sync_copy(ones_hbm, ones_v)
    plsc.subcore_barrier()

    @pl.loop(0, NCHUNK // K)
    def _grp(g):
      @pl.loop(0, K)
      def _fire(i):
        pltpu.async_copy(ones_v, deg_sh.at[dsts_v.at[g * K + i]], ssem,
                         add=True)

      @pl.loop(0, K)
      def _drain(i):
        pltpu.make_async_copy(ones_v, deg_sh.at[dsts_v.at[g * K + i]],
                              ssem).wait()

    plsc.subcore_barrier()
    pltpu.sync_copy(deg_sh.at[pl.ds(r0, ROWS_PT)],
                    deg_out.at[c, pl.ds(r0, ROWS_PT)])

  return sc_deg


def _make_sc_pass1():
  out_type = jax.ShapeDtypeStruct((NC, N, HID), jnp.float32)
  scratch = [
      pltpu.VMEM((NCHUNK, CH), jnp.int32),
      pltpu.VMEM((NCHUNK, CH), jnp.int32),
      pltpu.VMEM((NBUF, CH, HID), jnp.float32),
      pltpu.VMEM_SHARED((N, HID), jnp.float32),
      pltpu.SemaphoreType.DMA((NBUF,)),
      pltpu.SemaphoreType.DMA((NBUF,)),
  ]

  @functools.partial(pl.kernel, out_type=out_type, mesh=_mesh,
                     scratch_types=scratch, compiler_params=_sc_params)
  def sc_pass1(table_hbm, src2d_hbm, dst2d_hbm, zeros_hbm,
               agg_out,
               srcs_v, dsts_v, rows_v, acc_sh, gsem, ssem):
    c = lax.axis_index("c")
    s = lax.axis_index("s")
    wid = s * NC + c
    r0 = s * ROWS_PT

    c0 = wid * NCHUNK
    pltpu.sync_copy(src2d_hbm.at[pl.ds(c0, NCHUNK)], srcs_v)
    pltpu.sync_copy(dst2d_hbm.at[pl.ds(c0, NCHUNK)], dsts_v)
    pltpu.sync_copy(zeros_hbm, acc_sh.at[pl.ds(r0, ROWS_PT)])
    plsc.subcore_barrier()

    _edge_loop(table_hbm, srcs_v, dsts_v, rows_v, gsem, ssem, acc_sh)

    plsc.subcore_barrier()
    pltpu.sync_copy(acc_sh.at[pl.ds(r0, ROWS_PT)],
                    agg_out.at[c, pl.ds(r0, ROWS_PT)])

  return sc_pass1


def _make_sc_pass2():
  out_type = jax.ShapeDtypeStruct((NC, N, HID), jnp.float32)
  scratch = [
      pltpu.VMEM((NCHUNK, CH), jnp.int32),
      pltpu.VMEM((NCHUNK, CH), jnp.int32),
      pltpu.VMEM((NBUF, CH, HID), jnp.float32),
      pltpu.VMEM((ROWS_PT, HID), jnp.float32),
      pltpu.VMEM((ROWS_PT, HID), jnp.float32),
      pltpu.VMEM((ROWS_PT, HID), jnp.float32),
      pltpu.VMEM((ROWS_PT, HID), jnp.float32),
      pltpu.VMEM((ROWS_PT, HID), jnp.float32),
      pltpu.VMEM((ROWS_PT, HID), jnp.float32),
      pltpu.VMEM((HID,), jnp.float32),
      pltpu.VMEM_SHARED((N, HID), jnp.float32),
      pltpu.VMEM_SHARED((N, HID), jnp.float32),
      pltpu.SemaphoreType.DMA((NBUF,)),
      pltpu.SemaphoreType.DMA((NBUF,)),
  ]

  @functools.partial(pl.kernel, out_type=out_type, mesh=_mesh,
                     scratch_types=scratch, compiler_params=_sc_params)
  def sc_pass2(agg1_hbm, deg_hbm, b1_hbm, src2d_hbm, dst2d_hbm, zeros_hbm,
               agg_out,
               srcs_v, dsts_v, rows_v, a0_v, a1_v, d0_v, d1_v, h_v, inv_v,
               b1_v, h_sh, acc_sh, gsem, ssem):
    c = lax.axis_index("c")
    s = lax.axis_index("s")
    wid = s * NC + c
    r0 = s * ROWS_PT

    c0 = wid * NCHUNK
    pltpu.sync_copy(src2d_hbm.at[pl.ds(c0, NCHUNK)], srcs_v)
    pltpu.sync_copy(dst2d_hbm.at[pl.ds(c0, NCHUNK)], dsts_v)
    pltpu.sync_copy(zeros_hbm, acc_sh.at[pl.ds(r0, ROWS_PT)])
    pltpu.sync_copy(agg1_hbm.at[0, pl.ds(r0, ROWS_PT)], a0_v)
    pltpu.sync_copy(agg1_hbm.at[1, pl.ds(r0, ROWS_PT)], a1_v)
    pltpu.sync_copy(deg_hbm.at[0, pl.ds(r0, ROWS_PT)], d0_v)
    pltpu.sync_copy(deg_hbm.at[1, pl.ds(r0, ROWS_PT)], d1_v)
    pltpu.sync_copy(b1_hbm, b1_v)

    b1_row = b1_v[...]

    @pl.loop(0, ROWS_PT)
    def _mk_h(r):
      d = d0_v[r] + d1_v[r]
      inv = 1.0 / jnp.maximum(d, 1.0)
      h = jnp.maximum((a0_v[r] + a1_v[r]) * inv + b1_row, 0.0)
      h_v[r] = h
      inv_v[r] = inv

    pltpu.sync_copy(h_v, h_sh.at[pl.ds(r0, ROWS_PT)])
    plsc.subcore_barrier()

    _edge_loop(h_sh, srcs_v, dsts_v, rows_v, gsem, ssem, acc_sh)

    plsc.subcore_barrier()

    a2_v = d1_v
    pltpu.sync_copy(acc_sh.at[pl.ds(r0, ROWS_PT)], a2_v)

    @pl.loop(0, ROWS_PT)
    def _scale(r):
      a2_v[r] = a2_v[r] * inv_v[r]

    pltpu.sync_copy(a2_v, agg_out.at[c, pl.ds(r0, ROWS_PT)])

  return sc_pass2


_sc_deg = _make_sc_deg()
_sc_pass1 = _make_sc_pass1()
_sc_pass2 = _make_sc_pass2()

_RB = 1000


def _mm1_body(x_ref, w_ref, o_ref):
  o_ref[...] = jnp.dot(x_ref[...], w_ref[...],
                       preferred_element_type=jnp.float32)


def _out_body(agg_ref, w2_ref, b2_ref, o_ref):
  a = agg_ref[0] + agg_ref[1]
  o = jnp.dot(a, w2_ref[...], preferred_element_type=jnp.float32)
  o = o + b2_ref[...]
  m = jnp.max(o, axis=1, keepdims=True)
  lse = jnp.log(jnp.sum(jnp.exp(o - m), axis=1, keepdims=True)) + m
  o_ref[...] = o - lse


def kernel(x, edge_index, W1, b1, W2, b2):
  src = edge_index[0].reshape(E // CH, CH)
  dst = edge_index[1].reshape(E // CH, CH)
  zeros_st = jnp.zeros((ROWS_PT, HID), jnp.float32)
  ones_st = jnp.ones((CH, HID), jnp.float32)

  grid = N // _RB

  degp = _sc_deg(dst, zeros_st, ones_st)

  y = pl.pallas_call(
      _mm1_body,
      grid=(grid,),
      in_specs=[pl.BlockSpec((_RB, D_IN), lambda i: (i, 0)),
                pl.BlockSpec((D_IN, HID), lambda i: (0, 0))],
      out_specs=pl.BlockSpec((_RB, HID), lambda i: (i, 0)),
      out_shape=jax.ShapeDtypeStruct((N, HID), jnp.float32),
  )(x, W1)

  agg1p = _sc_pass1(y, src, dst, zeros_st)

  agg2p = _sc_pass2(agg1p, degp, b1, src, dst, zeros_st)

  out = pl.pallas_call(
      _out_body,
      grid=(grid,),
      in_specs=[pl.BlockSpec((NC, _RB, HID), lambda i: (0, i, 0)),
                pl.BlockSpec((HID, D_OUT), lambda i: (0, 0)),
                pl.BlockSpec((1, D_OUT), lambda i: (0, 0))],
      out_specs=pl.BlockSpec((_RB, D_OUT), lambda i: (i, 0)),
      out_shape=jax.ShapeDtypeStruct((N, D_OUT), jnp.float32),
  )(agg2p, W2, b2.reshape(1, D_OUT))

  return out

# --- scband reference (transcript-rebuilt; emitter-appended) ---
"""Pipeline reference for scband-sagenet-82016695484547 (READ-ONLY COPY).

The authoritative reference and input builder live on the scoring server;
editing this copy changes nothing except your own understanding.
"""

import jax, jax.numpy as jnp
import numpy as np

N = 10000
E = 320000
D_IN = 128
HID = 16
D_OUT = 128


def setup_inputs(seed: int = 0) -> dict:
    key = jax.random.key(seed)
    k1, k2, k3, k4, k5, k6 = jax.random.split(key, 6)
    x = jax.random.normal(k1, (N, D_IN), dtype=jnp.float32)
    edge_index = jax.random.randint(k2, (2, E), 0, N, dtype=jnp.int32)
    # SAGEConv layer 1: in_channels=128 -> 16 ; layer 2: 16 -> out_channels=128
    W1 = jax.random.normal(k3, (D_IN, HID), dtype=jnp.float32) * (1.0 / np.sqrt(D_IN))
    b1 = jnp.zeros((HID,), dtype=jnp.float32)
    W2 = jax.random.normal(k4, (HID, D_OUT), dtype=jnp.float32) * (1.0 / np.sqrt(HID))
    b2 = jnp.zeros((D_OUT,), dtype=jnp.float32)
    return {"x": x, "edge_index": edge_index, "W1": W1, "b1": b1, "W2": W2, "b2": b2}


def reference(x, edge_index, W1, b1, W2, b2):
    # SAGENet forward (eval mode: dropout = identity).
    # Both data_flow blocks simplified to the same full-graph bipartite block
    # (n_id = res_n_id = all nodes), matching old PyG SAGEConv with
    # normalize=False, concat=False and tuple input (x, None):
    #   out = mean_{j in N(i)} x_j @ W + b   (no self loops since x is a tuple)
    src = edge_index[0]
    dst = edge_index[1]
    deg = jax.ops.segment_sum(jnp.ones((E,), dtype=jnp.float32), dst, num_segments=N)
    inv_deg = 1.0 / jnp.maximum(deg, 1.0)

    # layer 1: gather source feats, mean-scatter to dst, linear, relu
    msg1 = jnp.take(x, src, axis=0)
    agg1 = jax.ops.segment_sum(msg1, dst, num_segments=N) * inv_deg[:, None]
    h = jax.nn.relu(agg1 @ W1 + b1)

    # dropout(p=0.5) identity in eval

    # layer 2
    msg2 = jnp.take(h, src, axis=0)
    agg2 = jax.ops.segment_sum(msg2, dst, num_segments=N) * inv_deg[:, None]
    out = agg2 @ W2 + b2
    return jax.nn.log_softmax(out, axis=1)

if __name__ == "__main__":
    import jax
    _d = setup_inputs()
    print(jax.jit(kernel)(*tuple(_d.values())))

</pallas_src>

<mosaic_0001>
#map = affine_map<(d0, d1) -> (0, 0)>
#map1 = affine_map<(d0, d1) -> (0, 0, 0)>
module attributes {stable_mosaic.version = 14 : i64} {
  func.func @sc_deg(%arg0: i32, %arg1: i32, %arg2: memref<4000x80xi32, #tpu.memory_space<hbm>>, %arg3: memref<625x16xf32, #tpu.memory_space<hbm>>, %arg4: memref<80x16xf32, #tpu.memory_space<hbm>>, %arg5: memref<2x10000x16xf32, #tpu.memory_space<hbm>>, %arg6: memref<125x80xi32, #tpu.memory_space<vmem>>, %arg7: memref<80x16xf32, #tpu.memory_space<vmem>>, %arg8: memref<10000x16xf32, #tpu.memory_space<vmem_shared>>, %arg9: memref<!tpu.dma_semaphore, #tpu.memory_space<semaphore_mem>>) attributes {dimension_semantics = [#tpu.dimension_semantics<core_parallel>, #tpu.dimension_semantics<subcore_parallel>], iteration_bounds = array<i64: 2, 16>, scalar_prefetch = 0 : i64, scratch_operands = 4 : i64, tpu.core_type = #tpu.core_type<sc_vector_subcore>, window_params = [{transform_indices = #map}, {transform_indices = #map}, {transform_indices = #map}, {transform_indices = #map1}]} {
    %mul3A = arith.constant 2 : i32
    %mul3A_0 = arith.muli %arg1, %mul3A : i32
    %add3A = arith.addi %mul3A_0, %arg0 : i32
    %mul3A_1 = arith.constant 625 : i32
    %mul3A_2 = arith.muli %arg1, %mul3A_1 : i32
    %mul3A_3 = arith.constant 125 : i32
    %mul3A_4 = arith.muli %add3A, %mul3A_3 : i32
    "tpu.region"() ({
      %run_scoped3A = tpu.sem_alloc : memref<!tpu.dma_semaphore, #tpu.memory_space<semaphore_mem>>
      %dma_start3A = arith.constant 0 : i32
      %dma_start3A_10 = tpu.memref_slice %arg2[%mul3A_4, %dma_start3A] : memref<4000x80xi32, #tpu.memory_space<hbm>> -> memref<125x80xi32, #tpu.memory_space<hbm>>
      %dma_start3A_11 = arith.constant 0 : i32
      %dma_start3A_12 = tpu.memref_slice %arg2[%mul3A_4, %dma_start3A_11] : memref<4000x80xi32, #tpu.memory_space<hbm>> -> memref<125x80xi32, #tpu.memory_space<hbm>>
      tpu.enqueue_dma source(%dma_start3A_12 : memref<125x80xi32, #tpu.memory_space<hbm>>) target(%arg6 : memref<125x80xi32, #tpu.memory_space<vmem>>) target_semaphore(%run_scoped3A : memref<!tpu.dma_semaphore, #tpu.memory_space<semaphore_mem>>)
      %dma_wait3A = arith.constant 0 : i32
      %dma_wait3A_13 = tpu.memref_slice %arg2[%mul3A_4, %dma_wait3A] : memref<4000x80xi32, #tpu.memory_space<hbm>> -> memref<125x80xi32, #tpu.memory_space<hbm>>
      %dma_wait3A_14 = arith.constant 0 : i32
      %dma_wait3A_15 = tpu.memref_slice %arg2[%mul3A_4, %dma_wait3A_14] : memref<4000x80xi32, #tpu.memory_space<hbm>> -> memref<125x80xi32, #tpu.memory_space<hbm>>
      tpu.wait_dma2 semaphore(%run_scoped3A : memref<!tpu.dma_semaphore, #tpu.memory_space<semaphore_mem>>) src(%dma_wait3A_15 : memref<125x80xi32, #tpu.memory_space<hbm>>) dst(%arg6 : memref<125x80xi32, #tpu.memory_space<vmem>>)
      tpu.yield
    }) : () -> ()
    "tpu.region"() ({
      %run_scoped3A = tpu.sem_alloc : memref<!tpu.dma_semaphore, #tpu.memory_space<semaphore_mem>>
      %dma_start3A = arith.constant 0 : i32
      %dma_start3A_10 = tpu.memref_slice %arg8[%mul3A_2, %dma_start3A] : memref<10000x16xf32, #tpu.memory_space<vmem_shared>> -> memref<625x16xf32, #tpu.memory_space<vmem_shared>>
      tpu.enqueue_dma source(%arg3 : memref<625x16xf32, #tpu.memory_space<hbm>>) target(%dma_start3A_10 : memref<625x16xf32, #tpu.memory_space<vmem_shared>>) target_semaphore(%run_scoped3A : memref<!tpu.dma_semaphore, #tpu.memory_space<semaphore_mem>>)
      %dma_wait3A = arith.constant 0 : i32
      %dma_wait3A_11 = tpu.memref_slice %arg8[%mul3A_2, %dma_wait3A] : memref<10000x16xf32, #tpu.memory_space<vmem_shared>> -> memref<625x16xf32, #tpu.memory_space<vmem_shared>>
      tpu.wait_dma2 semaphore(%run_scoped3A : memref<!tpu.dma_semaphore, #tpu.memory_space<semaphore_mem>>) src(%arg3 : memref<625x16xf32, #tpu.memory_space<hbm>>) dst(%dma_wait3A_11 : memref<625x16xf32, #tpu.memory_space<vmem_shared>>)
      tpu.yield
    }) : () -> ()
    "tpu.region"() ({
      %run_scoped3A = tpu.sem_alloc : memref<!tpu.dma_semaphore, #tpu.memory_space<semaphore_mem>>
      tpu.enqueue_dma source(%arg4 : memref<80x16xf32, #tpu.memory_space<hbm>>) target(%arg7 : memref<80x16xf32, #tpu.memory_space<vmem>>) target_semaphore(%run_scoped3A : memref<!tpu.dma_semaphore, #tpu.memory_space<semaphore_mem>>)
      tpu.wait_dma2 semaphore(%run_scoped3A : memref<!tpu.dma_semaphore, #tpu.memory_space<semaphore_mem>>) src(%arg4 : memref<80x16xf32, #tpu.memory_space<hbm>>) dst(%arg7 : memref<80x16xf32, #tpu.memory_space<vmem>>)
      tpu.yield
    }) : () -> ()
    %barrier3A = arith.constant 0 : index
    tpu.barrier barrier_id(%barrier3A)
    %scan3A = arith.constant 0 : i32
    %scan3A_5 = arith.constant 5 : i32
    %scan3A_6 = arith.addi %scan3A, %scan3A_5 : i32
    %scan3A_7 = arith.constant 1 : i32
    scf.for %scan3A_10 = %scan3A to %scan3A_6 step %scan3A_7  : i32 {
      %mul3A_11 = arith.constant 1 : i32
      %mul3A_12 = arith.muli %scan3A_10, %mul3A_11 : i32
      %add3A_13 = arith.constant 0 : i32
      %add3A_14 = arith.addi %add3A_13, %mul3A_12 : i32
      %scan3A_15 = arith.constant 0 : i32
      %scan3A_16 = arith.constant 25 : i32
      %scan3A_17 = arith.addi %scan3A_15, %scan3A_16 : i32
      %scan3A_18 = arith.constant 1 : i32
      scf.for %scan3A_25 = %scan3A_15 to %scan3A_17 step %scan3A_18  : i32 {
        %mul3A_26 = arith.constant 1 : i32
        %mul3A_27 = arith.muli %scan3A_25, %mul3A_26 : i32
        %add3A_28 = arith.constant 0 : i32
        %add3A_29 = arith.addi %add3A_28, %mul3A_27 : i32
        %mul3A_30 = arith.constant 25 : i32
        %mul3A_31 = arith.muli %add3A_14, %mul3A_30 : i32
        %add3A_32 = arith.addi %mul3A_31, %add3A_29 : i32
        %dma_start3A = arith.constant 0 : i32
        %dma_start3A_33 = tpu.memref_slice %arg6[%add3A_32, %dma_start3A] : memref<125x80xi32, #tpu.memory_space<vmem>> -> memref<1x80xi32, #tpu.memory_space<vmem>>
        %dma_start3A_34 = tpu.memref_squeeze %dma_start3A_33 : memref<1x80xi32, #tpu.memory_space<vmem>> -> memref<80xi32, #tpu.memory_space<vmem>>
        %dma_start3A_35 = arith.constant 0 : i32
        %dma_start3A_36 = arith.constant 0 : i32
        %dma_start3A_37 = tpu.memref_slice %arg8[%dma_start3A_35, %dma_start3A_36] : memref<10000x16xf32, #tpu.memory_space<vmem_shared>> -> memref<10000x16xf32, #tpu.memory_space<vmem_shared>>
        tpu.enqueue_indirect_dma source(%arg7 : memref<80x16xf32, #tpu.memory_space<vmem>>) target(%dma_start3A_37 : memref<10000x16xf32, #tpu.memory_space<vmem_shared>>) offsets(%dma_start3A_34 : memref<80xi32, #tpu.memory_space<vmem>>) semaphore(%arg9 : memref<!tpu.dma_semaphore, #tpu.memory_space<semaphore_mem>>) {add = true}
      }
      %scan3A_19 = arith.constant 25 : i32
      %scan3A_20 = arith.constant 0 : i32
      %scan3A_21 = arith.constant 25 : i32
      %scan3A_22 = arith.addi %scan3A_20, %scan3A_21 : i32
      %scan3A_23 = arith.constant 1 : i32
      scf.for %scan3A_25 = %scan3A_20 to %scan3A_22 step %scan3A_23  : i32 {
        %mul3A_26 = arith.constant 1 : i32
        %mul3A_27 = arith.muli %scan3A_25, %mul3A_26 : i32
        %add3A_28 = arith.constant 0 : i32
        %add3A_29 = arith.addi %add3A_28, %mul3A_27 : i32
        %mul3A_30 = arith.constant 25 : i32
        %mul3A_31 = arith.muli %add3A_14, %mul3A_30 : i32
        %add3A_32 = arith.addi %mul3A_31, %add3A_29 : i32
        %dma_wait3A = arith.constant 0 : i32
        %dma_wait3A_33 = tpu.memref_slice %arg6[%add3A_32, %dma_wait3A] : memref<125x80xi32, #tpu.memory_space<vmem>> -> memref<1x80xi32, #tpu.memory_space<vmem>>
        %dma_wait3A_34 = tpu.memref_squeeze %dma_wait3A_33 : memref<1x80xi32, #tpu.memory_space<vmem>> -> memref<80xi32, #tpu.memory_space<vmem>>
        %dma_wait3A_35 = arith.constant 0 : i32
        %dma_wait3A_36 = arith.constant 0 : i32
        %dma_wait3A_37 = tpu.memref_slice %arg8[%dma_wait3A_35, %dma_wait3A_36] : memref<10000x16xf32, #tpu.memory_space<vmem_shared>> -> memref<10000x16xf32, #tpu.memory_space<vmem_shared>>
        tpu.wait_indirect_dma semaphore(%arg9 : memref<!tpu.dma_semaphore, #tpu.memory_space<semaphore_mem>>) src(%arg7 : memref<80x16xf32, #tpu.memory_space<vmem>>) dst(%dma_wait3A_37 : memref<10000x16xf32, #tpu.memory_space<vmem_shared>>)
      }
      %scan3A_24 = arith.constant 25 : i32
    }
    %scan3A_8 = arith.constant 5 : i32
    %barrier3A_9 = arith.constant 0 : index
    tpu.barrier barrier_id(%barrier3A_9)
    "tpu.region"() ({
      %run_scoped3A = tpu.sem_alloc : memref<!tpu.dma_semaphore, #tpu.memory_space<semaphore_mem>>
      %dma_start3A = arith.constant 0 : i32
      %dma_start3A_10 = tpu.memref_slice %arg5[%arg0, %mul3A_2, %dma_start3A] : memref<2x10000x16xf32, #tpu.memory_space<hbm>> -> memref<1x625x16xf32, #tpu.memory_space<hbm>>
      %dma_start3A_11 = tpu.memref_squeeze %dma_start3A_10 : memref<1x625x16xf32, #tpu.memory_space<hbm>> -> memref<625x16xf32, #tpu.memory_space<hbm>>
      %dma_start3A_12 = arith.constant 0 : i32
      %dma_start3A_13 = tpu.memref_slice %arg8[%mul3A_2, %dma_start3A_12] : memref<10000x16xf32, #tpu.memory_space<vmem_shared>> -> memref<625x16xf32, #tpu.memory_space<vmem_shared>>
      tpu.enqueue_dma source(%dma_start3A_13 : memref<625x16xf32, #tpu.memory_space<vmem_shared>>) target(%dma_start3A_11 : memref<625x16xf32, #tpu.memory_space<hbm>>) target_semaphore(%run_scoped3A : memref<!tpu.dma_semaphore, #tpu.memory_space<semaphore_mem>>)
      %dma_wait3A = arith.constant 0 : i32
      %dma_wait3A_14 = tpu.memref_slice %arg5[%arg0, %mul3A_2, %dma_wait3A] : memref<2x10000x16xf32, #tpu.memory_space<hbm>> -> memref<1x625x16xf32, #tpu.memory_space<hbm>>
      %dma_wait3A_15 = tpu.memref_squeeze %dma_wait3A_14 : memref<1x625x16xf32, #tpu.memory_space<hbm>> -> memref<625x16xf32, #tpu.memory_space<hbm>>
      %dma_wait3A_16 = arith.constant 0 : i32
      %dma_wait3A_17 = tpu.memref_slice %arg8[%mul3A_2, %dma_wait3A_16] : memref<10000x16xf32, #tpu.memory_space<vmem_shared>> -> memref<625x16xf32, #tpu.memory_space<vmem_shared>>
      tpu.wait_dma2 semaphore(%run_scoped3A : memref<!tpu.dma_semaphore, #tpu.memory_space<semaphore_mem>>) src(%dma_wait3A_17 : memref<625x16xf32, #tpu.memory_space<vmem_shared>>) dst(%dma_wait3A_15 : memref<625x16xf32, #tpu.memory_space<hbm>>)
      tpu.yield
    }) : () -> ()
    return
  }
}

#map = affine_map<(d0, d1) -> (0, 0, 0)>
#map1 = affine_map<(d0, d1) -> (0)>
#map2 = affine_map<(d0, d1) -> (0, 0)>
module attributes {stable_mosaic.version = 14 : i64} {
  func.func @sc_pass2(%arg0: i32, %arg1: i32, %arg2: memref<2x10000x16xf32, #tpu.memory_space<hbm>>, %arg3: memref<2x10000x16xf32, #tpu.memory_space<hbm>>, %arg4: memref<16xf32, #tpu.memory_space<hbm>>, %arg5: memref<4000x80xi32, #tpu.memory_space<hbm>>, %arg6: memref<4000x80xi32, #tpu.memory_space<hbm>>, %arg7: memref<625x16xf32, #tpu.memory_space<hbm>>, %arg8: memref<2x10000x16xf32, #tpu.memory_space<hbm>>, %arg9: memref<125x80xi32, #tpu.memory_space<vmem>>, %arg10: memref<125x80xi32, #tpu.memory_space<vmem>>, %arg11: memref<5x80x16xf32, #tpu.memory_space<vmem>>, %arg12: memref<625x16xf32, #tpu.memory_space<vmem>>, %arg13: memref<625x16xf32, #tpu.memory_space<vmem>>, %arg14: memref<625x16xf32, #tpu.memory_space<vmem>>, %arg15: memref<625x16xf32, #tpu.memory_space<vmem>>, %arg16: memref<625x16xf32, #tpu.memory_space<vmem>>, %arg17: memref<625x16xf32, #tpu.memory_space<vmem>>, %arg18: memref<16xf32, #tpu.memory_space<vmem>>, %arg19: memref<10000x16xf32, #tpu.memory_space<vmem_shared>>, %arg20: memref<10000x16xf32, #tpu.memory_space<vmem_shared>>, %arg21: memref<5x!tpu.dma_semaphore, #tpu.memory_space<semaphore_mem>>, %arg22: memref<5x!tpu.dma_semaphore, #tpu.memory_space<semaphore_mem>>) attributes {dimension_semantics = [#tpu.dimension_semantics<core_parallel>, #tpu.dimension_semantics<subcore_parallel>], iteration_bounds = array<i64: 2, 16>, scalar_prefetch = 0 : i64, scratch_operands = 14 : i64, tpu.core_type = #tpu.core_type<sc_vector_subcore>, window_params = [{transform_indices = #map}, {transform_indices = #map}, {transform_indices = #map1}, {transform_indices = #map2}, {transform_indices = #map2}, {transform_indices = #map2}, {transform_indices = #map}]} {
    %mul3A = arith.constant 2 : i32
    %mul3A_0 = arith.muli %arg1, %mul3A : i32
    %add3A = arith.addi %mul3A_0, %arg0 : i32
    %mul3A_1 = arith.constant 625 : i32
    %mul3A_2 = arith.muli %arg1, %mul3A_1 : i32
    %mul3A_3 = arith.constant 125 : i32
    %mul3A_4 = arith.muli %add3A, %mul3A_3 : i32
    "tpu.region"() ({
      %run_scoped3A_99 = tpu.sem_alloc : memref<!tpu.dma_semaphore, #tpu.memory_space<semaphore_mem>>
      %dma_start3A_100 = arith.constant 0 : i32
      %dma_start3A_101 = tpu.memref_slice %arg5[%mul3A_4, %dma_start3A_100] : memref<4000x80xi32, #tpu.memory_space<hbm>> -> memref<125x80xi32, #tpu.memory_space<hbm>>
      %dma_start3A_102 = arith.constant 0 : i32
      %dma_start3A_103 = tpu.memref_slice %arg5[%mul3A_4, %dma_start3A_102] : memref<4000x80xi32, #tpu.memory_space<hbm>> -> memref<125x80xi32, #tpu.memory_space<hbm>>
      tpu.enqueue_dma source(%dma_start3A_103 : memref<125x80xi32, #tpu.memory_space<hbm>>) target(%arg9 : memref<125x80xi32, #tpu.memory_space<vmem>>) target_semaphore(%run_scoped3A_99 : memref<!tpu.dma_semaphore, #tpu.memory_space<semaphore_mem>>)
      %dma_wait3A = arith.constant 0 : i32
      %dma_wait3A_104 = tpu.memref_slice %arg5[%mul3A_4, %dma_wait3A] : memref<4000x80xi32, #tpu.memory_space<hbm>> -> memref<125x80xi32, #tpu.memory_space<hbm>>
      %dma_wait3A_105 = arith.constant 0 : i32
      %dma_wait3A_106 = tpu.memref_slice %arg5[%mul3A_4, %dma_wait3A_105] : memref<4000x80xi32, #tpu.memory_space<hbm>> -> memref<125x80xi32, #tpu.memory_space<hbm>>
      tpu.wait_dma2 semaphore(%run_scoped3A_99 : memref<!tpu.dma_semaphore, #tpu.memory_space<semaphore_mem>>) src(%dma_wait3A_106 : memref<125x80xi32, #tpu.memory_space<hbm>>) dst(%arg9 : memref<125x80xi32, #tpu.memory_space<vmem>>)
      tpu.yield
    }) : () -> ()
    "tpu.region"() ({
      %run_scoped3A_99 = tpu.sem_alloc : memref<!tpu.dma_semaphore, #tpu.memory_space<semaphore_mem>>
      %dma_start3A_100 = arith.constant 0 : i32
      %dma_start3A_101 = tpu.memref_slice %arg6[%mul3A_4, %dma_start3A_100] : memref<4000x80xi32, #tpu.memory_space<hbm>> -> memref<125x80xi32, #tpu.memory_space<hbm>>
      %dma_start3A_102 = arith.constant 0 : i32
      %dma_start3A_103 = tpu.memref_slice %arg6[%mul3A_4, %dma_start3A_102] : memref<4000x80xi32, #tpu.memory_space<hbm>> -> memref<125x80xi32, #tpu.memory_space<hbm>>
      tpu.enqueue_dma source(%dma_start3A_103 : memref<125x80xi32, #tpu.memory_space<hbm>>) target(%arg10 : memref<125x80xi32, #tpu.memory_space<vmem>>) target_semaphore(%run_scoped3A_99 : memref<!tpu.dma_semaphore, #tpu.memory_space<semaphore_mem>>)
      %dma_wait3A = arith.constant 0 : i32
      %dma_wait3A_104 = tpu.memref_slice %arg6[%mul3A_4, %dma_wait3A] : memref<4000x80xi32, #tpu.memory_space<hbm>> -> memref<125x80xi32, #tpu.memory_space<hbm>>
      %dma_wait3A_105 = arith.constant 0 : i32
      %dma_wait3A_106 = tpu.memref_slice %arg6[%mul3A_4, %dma_wait3A_105] : memref<4000x80xi32, #tpu.memory_space<hbm>> -> memref<125x80xi32, #tpu.memory_space<hbm>>
      tpu.wait_dma2 semaphore(%run_scoped3A_99 : memref<!tpu.dma_semaphore, #tpu.memory_space<semaphore_mem>>) src(%dma_wait3A_106 : memref<125x80xi32, #tpu.memory_space<hbm>>) dst(%arg10 : memref<125x80xi32, #tpu.memory_space<vmem>>)
      tpu.yield
    }) : () -> ()
    "tpu.region"() ({
      %run_scoped3A_99 = tpu.sem_alloc : memref<!tpu.dma_semaphore, #tpu.memory_space<semaphore_mem>>
      %dma_start3A_100 = arith.constant 0 : i32
      %dma_start3A_101 = tpu.memref_slice %arg20[%mul3A_2, %dma_start3A_100] : memref<10000x16xf32, #tpu.memory_space<vmem_shared>> -> memref<625x16xf32, #tpu.memory_space<vmem_shared>>
      tpu.enqueue_dma source(%arg7 : memref<625x16xf32, #tpu.memory_space<hbm>>) target(%dma_start3A_101 : memref<625x16xf32, #tpu.memory_space<vmem_shared>>) target_semaphore(%run_scoped3A_99 : memref<!tpu.dma_semaphore, #tpu.memory_space<semaphore_mem>>)
      %dma_wait3A = arith.constant 0 : i32
      %dma_wait3A_102 = tpu.memref_slice %arg20[%mul3A_2, %dma_wait3A] : memref<10000x16xf32, #tpu.memory_space<vmem_shared>> -> memref<625x16xf32, #tpu.memory_space<vmem_shared>>
      tpu.wait_dma2 semaphore(%run_scoped3A_99 : memref<!tpu.dma_semaphore, #tpu.memory_space<semaphore_mem>>) src(%arg7 : memref<625x16xf32, #tpu.memory_space<hbm>>) dst(%dma_wait3A_102 : memref<625x16xf32, #tpu.memory_space<vmem_shared>>)
      tpu.yield
    }) : () -> ()
    %run_scoped3A = arith.constant 0 : i32
    "tpu.region"() ({
      %run_scoped3A_99 = tpu.sem_alloc : memref<!tpu.dma_semaphore, #tpu.memory_space<semaphore_mem>>
      %dma_start3A_100 = arith.constant 0 : i32
      %dma_start3A_101 = tpu.memref_slice %arg2[%run_scoped3A, %mul3A_2, %dma_start3A_100] : memref<2x10000x16xf32, #tpu.memory_space<hbm>> -> memref<1x625x16xf32, #tpu.memory_space<hbm>>
      %dma_start3A_102 = tpu.memref_squeeze %dma_start3A_101 : memref<1x625x16xf32, #tpu.memory_space<hbm>> -> memref<625x16xf32, #tpu.memory_space<hbm>>
      %dma_start3A_103 = arith.constant 0 : i32
      %dma_start3A_104 = tpu.memref_slice %arg2[%run_scoped3A, %mul3A_2, %dma_start3A_103] : memref<2x10000x16xf32, #tpu.memory_space<hbm>> -> memref<1x625x16xf32, #tpu.memory_space<hbm>>
      %dma_start3A_105 = tpu.memref_squeeze %dma_start3A_104 : memref<1x625x16xf32, #tpu.memory_space<hbm>> -> memref<625x16xf32, #tpu.memory_space<hbm>>
      tpu.enqueue_dma source(%dma_start3A_105 : memref<625x16xf32, #tpu.memory_space<hbm>>) target(%arg12 : memref<625x16xf32, #tpu.memory_space<vmem>>) target_semaphore(%run_scoped3A_99 : memref<!tpu.dma_semaphore, #tpu.memory_space<semaphore_mem>>)
      %dma_wait3A = arith.constant 0 : i32
      %dma_wait3A_106 = tpu.memref_slice %arg2[%run_scoped3A, %mul3A_2, %dma_wait3A] : memref<2x10000x16xf32, #tpu.memory_space<hbm>> -> memref<1x625x16xf32, #tpu.memory_space<hbm>>
      %dma_wait3A_107 = tpu.memref_squeeze %dma_wait3A_106 : memref<1x625x16xf32, #tpu.memory_space<hbm>> -> memref<625x16xf32, #tpu.memory_space<hbm>>
      %dma_wait3A_108 = arith.constant 0 : i32
      %dma_wait3A_109 = tpu.memref_slice %arg2[%run_scoped3A, %mul3A_2, %dma_wait3A_108] : memref<2x10000x16xf32, #tpu.memory_space<hbm>> -> memref<1x625x16xf32, #tpu.memory_space<hbm>>
      %dma_wait3A_110 = tpu.memref_squeeze %dma_wait3A_109 : memref<1x625x16xf32, #tpu.memory_space<hbm>> -> memref<625x16xf32, #tpu.memory_space<hbm>>
      tpu.wait_dma2 semaphore(%run_scoped3A_99 : memref<!tpu.dma_semaphore, #tpu.memory_space<semaphore_mem>>) src(%dma_wait3A_110 : memref<625x16xf32, #tpu.memory_space<hbm>>) dst(%arg12 : memref<625x16xf32, #tpu.memory_space<vmem>>)
      tpu.yield
    }) : () -> ()
    %run_scoped3A_5 = arith.constant 1 : i32
    "tpu.region"() ({
      %run_scoped3A_99 = tpu.sem_alloc : memref<!tpu.dma_semaphore, #tpu.memory_space<semaphore_mem>>
      %dma_start3A_100 = arith.constant 0 : i32
      %dma_start3A_101 = tpu.memref_slice %arg2[%run_scoped3A_5, %mul3A_2, %dma_start3A_100] : memref<2x10000x16xf32, #tpu.memory_space<hbm>> -> memref<1x625x16xf32, #tpu.memory_space<hbm>>
      %dma_start3A_102 = tpu.memref_squeeze %dma_start3A_101 : memref<1x625x16xf32, #tpu.memory_space<hbm>> -> memref<625x16xf32, #tpu.memory_space<hbm>>
      %dma_start3A_103 = arith.constant 0 : i32
      %dma_start3A_104 = tpu.memref_slice %arg2[%run_scoped3A_5, %mul3A_2, %dma_start3A_103] : memref<2x10000x16xf32, #tpu.memory_space<hbm>> -> memref<1x625x16xf32, #tpu.memory_space<hbm>>
      %dma_start3A_105 = tpu.memref_squeeze %dma_start3A_104 : memref<1x625x16xf32, #tpu.memory_space<hbm>> -> memref<625x16xf32, #tpu.memory_space<hbm>>
      tpu.enqueue_dma source(%dma_start3A_105 : memref<625x16xf32, #tpu.memory_space<hbm>>) target(%arg13 : memref<625x16xf32, #tpu.memory_space<vmem>>) target_semaphore(%run_scoped3A_99 : memref<!tpu.dma_semaphore, #tpu.memory_space<semaphore_mem>>)
      %dma_wait3A = arith.constant 0 : i32
      %dma_wait3A_106 = tpu.memref_slice %arg2[%run_scoped3A_5, %mul3A_2, %dma_wait3A] : memref<2x10000x16xf32, #tpu.memory_space<hbm>> -> memref<1x625x16xf32, #tpu.memory_space<hbm>>
      %dma_wait3A_107 = tpu.memref_squeeze %dma_wait3A_106 : memref<1x625x16xf32, #tpu.memory_space<hbm>> -> memref<625x16xf32, #tpu.memory_space<hbm>>
      %dma_wait3A_108 = arith.constant 0 : i32
      %dma_wait3A_109 = tpu.memref_slice %arg2[%run_scoped3A_5, %mul3A_2, %dma_wait3A_108] : memref<2x10000x16xf32, #tpu.memory_space<hbm>> -> memref<1x625x16xf32, #tpu.memory_space<hbm>>
      %dma_wait3A_110 = tpu.memref_squeeze %dma_wait3A_109 : memref<1x625x16xf32, #tpu.memory_space<hbm>> -> memref<625x16xf32, #tpu.memory_space<hbm>>
      tpu.wait_dma2 semaphore(%run_scoped3A_99 : memref<!tpu.dma_semaphore, #tpu.memory_space<semaphore_mem>>) src(%dma_wait3A_110 : memref<625x16xf32, #tpu.memory_space<hbm>>) dst(%arg13 : memref<625x16xf32, #tpu.memory_space<vmem>>)
      tpu.yield
    }) : () -> ()
    %run_scoped3A_6 = arith.constant 0 : i32
    "tpu.region"() ({
      %run_scoped3A_99 = tpu.sem_alloc : memref<!tpu.dma_semaphore, #tpu.memory_space<semaphore_mem>>
      %dma_start3A_100 = arith.constant 0 : i32
      %dma_start3A_101 = tpu.memref_slice %arg3[%run_scoped3A_6, %mul3A_2, %dma_start3A_100] : memref<2x10000x16xf32, #tpu.memory_space<hbm>> -> memref<1x625x16xf32, #tpu.memory_space<hbm>>
      %dma_start3A_102 = tpu.memref_squeeze %dma_start3A_101 : memref<1x625x16xf32, #tpu.memory_space<hbm>> -> memref<625x16xf32, #tpu.memory_space<hbm>>
      %dma_start3A_103 = arith.constant 0 : i32
      %dma_start3A_104 = tpu.memref_slice %arg3[%run_scoped3A_6, %mul3A_2, %dma_start3A_103] : memref<2x10000x16xf32, #tpu.memory_space<hbm>> -> memref<1x625x16xf32, #tpu.memory_space<hbm>>
      %dma_start3A_105 = tpu.memref_squeeze %dma_start3A_104 : memref<1x625x16xf32, #tpu.memory_space<hbm>> -> memref<625x16xf32, #tpu.memory_space<hbm>>
      tpu.enqueue_dma source(%dma_start3A_105 : memref<625x16xf32, #tpu.memory_space<hbm>>) target(%arg14 : memref<625x16xf32, #tpu.memory_space<vmem>>) target_semaphore(%run_scoped3A_99 : memref<!tpu.dma_semaphore, #tpu.memory_space<semaphore_mem>>)
      %dma_wait3A = arith.constant 0 : i32
      %dma_wait3A_106 = tpu.memref_slice %arg3[%run_scoped3A_6, %mul3A_2, %dma_wait3A] : memref<2x10000x16xf32, #tpu.memory_space<hbm>> -> memref<1x625x16xf32, #tpu.memory_space<hbm>>
      %dma_wait3A_107 = tpu.memref_squeeze %dma_wait3A_106 : memref<1x625x16xf32, #tpu.memory_space<hbm>> -> memref<625x16xf32, #tpu.memory_space<hbm>>
      %dma_wait3A_108 = arith.constant 0 : i32
      %dma_wait3A_109 = tpu.memref_slice %arg3[%run_scoped3A_6, %mul3A_2, %dma_wait3A_108] : memref<2x10000x16xf32, #tpu.memory_space<hbm>> -> memref<1x625x16xf32, #tpu.memory_space<hbm>>
      %dma_wait3A_110 = tpu.memref_squeeze %dma_wait3A_109 : memref<1x625x16xf32, #tpu.memory_space<hbm>> -> memref<625x16xf32, #tpu.memory_space<hbm>>
      tpu.wait_dma2 semaphore(%run_scoped3A_99 : memref<!tpu.dma_semaphore, #tpu.memory_space<semaphore_mem>>) src(%dma_wait3A_110 : memref<625x16xf32, #tpu.memory_space<hbm>>) dst(%arg14 : memref<625x16xf32, #tpu.memory_space<vmem>>)
      tpu.yield
    }) : () -> ()
    %run_scoped3A_7 = arith.constant 1 : i32
    "tpu.region"() ({
      %run_scoped3A_99 = tpu.sem_alloc : memref<!tpu.dma_semaphore, #tpu.memory_space<semaphore_mem>>
      %dma_start3A_100 = arith.constant 0 : i32
      %dma_start3A_101 = tpu.memref_slice %arg3[%run_scoped3A_7, %mul3A_2, %dma_start3A_100] : memref<2x10000x16xf32, #tpu.memory_space<hbm>> -> memref<1x625x16xf32, #tpu.memory_space<hbm>>
      %dma_start3A_102 = tpu.memref_squeeze %dma_start3A_101 : memref<1x625x16xf32, #tpu.memory_space<hbm>> -> memref<625x16xf32, #tpu.memory_space<hbm>>
      %dma_start3A_103 = arith.constant 0 : i32
      %dma_start3A_104 = tpu.memref_slice %arg3[%run_scoped3A_7, %mul3A_2, %dma_start3A_103] : memref<2x10000x16xf32, #tpu.memory_space<hbm>> -> memref<1x625x16xf32, #tpu.memory_space<hbm>>
      %dma_start3A_105 = tpu.memref_squeeze %dma_start3A_104 : memref<1x625x16xf32, #tpu.memory_space<hbm>> -> memref<625x16xf32, #tpu.memory_space<hbm>>
      tpu.enqueue_dma source(%dma_start3A_105 : memref<625x16xf32, #tpu.memory_space<hbm>>) target(%arg15 : memref<625x16xf32, #tpu.memory_space<vmem>>) target_semaphore(%run_scoped3A_99 : memref<!tpu.dma_semaphore, #tpu.memory_space<semaphore_mem>>)
      %dma_wait3A = arith.constant 0 : i32
      %dma_wait3A_106 = tpu.memref_slice %arg3[%run_scoped3A_7, %mul3A_2, %dma_wait3A] : memref<2x10000x16xf32, #tpu.memory_space<hbm>> -> memref<1x625x16xf32, #tpu.memory_space<hbm>>
      %dma_wait3A_107 = tpu.memref_squeeze %dma_wait3A_106 : memref<1x625x16xf32, #tpu.memory_space<hbm>> -> memref<625x16xf32, #tpu.memory_space<hbm>>
      %dma_wait3A_108 = arith.constant 0 : i32
      %dma_wait3A_109 = tpu.memref_slice %arg3[%run_scoped3A_7, %mul3A_2, %dma_wait3A_108] : memref<2x10000x16xf32, #tpu.memory_space<hbm>> -> memref<1x625x16xf32, #tpu.memory_space<hbm>>
      %dma_wait3A_110 = tpu.memref_squeeze %dma_wait3A_109 : memref<1x625x16xf32, #tpu.memory_space<hbm>> -> memref<625x16xf32, #tpu.memory_space<hbm>>
      tpu.wait_dma2 semaphore(%run_scoped3A_99 : memref<!tpu.dma_semaphore, #tpu.memory_space<semaphore_mem>>) src(%dma_wait3A_110 : memref<625x16xf32, #tpu.memory_space<hbm>>) dst(%arg15 : memref<625x16xf32, #tpu.memory_space<vmem>>)
      tpu.yield
    }) : () -> ()
    "tpu.region"() ({
      %run_scoped3A_99 = tpu.sem_alloc : memref<!tpu.dma_semaphore, #tpu.memory_space<semaphore_mem>>
      tpu.enqueue_dma source(%arg4 : memref<16xf32, #tpu.memory_space<hbm>>) target(%arg18 : memref<16xf32, #tpu.memory_space<vmem>>) target_semaphore(%run_scoped3A_99 : memref<!tpu.dma_semaphore, #tpu.memory_space<semaphore_mem>>)
      tpu.wait_dma2 semaphore(%run_scoped3A_99 : memref<!tpu.dma_semaphore, #tpu.memory_space<semaphore_mem>>) src(%arg4 : memref<16xf32, #tpu.memory_space<hbm>>) dst(%arg18 : memref<16xf32, #tpu.memory_space<vmem>>)
      tpu.yield
    }) : () -> ()
    %get3A = arith.constant 0 : index
    %get3A_8 = tpu.vector_load %arg18[%get3A] {strides = array<i32>} : memref<16xf32, #tpu.memory_space<vmem>>, vector<16xf32>,
    %get3A_9 = vector.shape_cast %get3A_8 : vector<16xf32> to vector<16xf32>
    %scan3A = arith.constant 0 : i32
    %scan3A_10 = arith.constant 625 : i32
    %scan3A_11 = arith.addi %scan3A, %scan3A_10 : i32
    %scan3A_12 = arith.constant 1 : i32
    scf.for %scan3A_99 = %scan3A to %scan3A_11 step %scan3A_12  : i32 {
      %mul3A_100 = arith.constant 1 : i32
      %mul3A_101 = arith.muli %scan3A_99, %mul3A_100 : i32
      %add3A_102 = arith.constant 0 : i32
      %add3A_103 = arith.addi %add3A_102, %mul3A_101 : i32
      %get3A_104 = arith.index_cast %add3A_103 : i32 to index
      %get3A_105 = arith.constant 0 : index
      %get3A_106 = tpu.vector_load %arg14[%get3A_104, %get3A_105] {strides = array<i32>} : memref<625x16xf32, #tpu.memory_space<vmem>>, vector<1x16xf32>,
      %get3A_107 = vector.shape_cast %get3A_106 : vector<1x16xf32> to vector<16xf32>
      %get3A_108 = arith.index_cast %add3A_103 : i32 to index
      %get3A_109 = arith.constant 0 : index
      %get3A_110 = tpu.vector_load %arg15[%get3A_108, %get3A_109] {strides = array<i32>} : memref<625x16xf32, #tpu.memory_space<vmem>>, vector<1x16xf32>,
      %get3A_111 = vector.shape_cast %get3A_110 : vector<1x16xf32> to vector<16xf32>
      %add3A_112 = arith.addf %get3A_107, %get3A_111 : vector<16xf32>
      %max3A = arith.constant 1.000000e+00 : f32
      %max3A_113 = vector.broadcast %max3A : f32 to vector<16xf32>
      %max3A_114 = arith.maximumf %add3A_112, %max3A_113 : vector<16xf32>
      %div3A = arith.constant 1.000000e+00 : f32
      %div3A_115 = vector.broadcast %div3A : f32 to vector<16xf32>
      %div3A_116 = arith.divf %div3A_115, %max3A_114 : vector<16xf32>
      %get3A_117 = arith.index_cast %add3A_103 : i32 to index
      %get3A_118 = arith.constant 0 : index
      %get3A_119 = tpu.vector_load %arg12[%get3A_117, %get3A_118] {strides = array<i32>} : memref<625x16xf32, #tpu.memory_space<vmem>>, vector<1x16xf32>,
      %get3A_120 = vector.shape_cast %get3A_119 : vector<1x16xf32> to vector<16xf32>
      %get3A_121 = arith.index_cast %add3A_103 : i32 to index
      %get3A_122 = arith.constant 0 : index
      %get3A_123 = tpu.vector_load %arg13[%get3A_121, %get3A_122] {strides = array<i32>} : memref<625x16xf32, #tpu.memory_space<vmem>>, vector<1x16xf32>,
      %get3A_124 = vector.shape_cast %get3A_123 : vector<1x16xf32> to vector<16xf32>
      %add3A_125 = arith.addf %get3A_120, %get3A_124 : vector<16xf32>
      %mul3A_126 = arith.mulf %add3A_125, %div3A_116 : vector<16xf32>
      %add3A_127 = arith.addf %mul3A_126, %get3A_9 : vector<16xf32>
      %max3A_128 = arith.constant 0.000000e+00 : f32
      %max3A_129 = vector.broadcast %max3A_128 : f32 to vector<16xf32>
      %max3A_130 = arith.maximumf %add3A_127, %max3A_129 : vector<16xf32>
      %swap3A = arith.index_cast %add3A_103 : i32 to index
      %swap3A_131 = arith.constant 0 : index
      %swap3A_132 = tpu.vector_load %arg16[%swap3A, %swap3A_131] {strides = array<i32>} : memref<625x16xf32, #tpu.memory_space<vmem>>, vector<1x16xf32>,
      %swap3A_133 = vector.shape_cast %swap3A_132 : vector<1x16xf32> to vector<16xf32>
      %swap3A_134 = vector.shape_cast %max3A_130 : vector<16xf32> to vector<1x16xf32>
      tpu.vector_store %arg16[%swap3A, %swap3A_131], %swap3A_134 {strides = array<i32>} : memref<625x16xf32, #tpu.memory_space<vmem>>, vector<1x16xf32>,
      %swap3A_135 = arith.index_cast %add3A_103 : i32 to index
      %swap3A_136 = arith.constant 0 : index
      %swap3A_137 = tpu.vector_load %arg17[%swap3A_135, %swap3A_136] {strides = array<i32>} : memref<625x16xf32, #tpu.memory_space<vmem>>, vector<1x16xf32>,
      %swap3A_138 = vector.shape_cast %swap3A_137 : vector<1x16xf32> to vector<16xf32>
      %swap3A_139 = vector.shape_cast %div3A_116 : vector<16xf32> to vector<1x16xf32>
      tpu.vector_store %arg17[%swap3A_135, %swap3A_136], %swap3A_139 {strides = array<i32>} : memref<625x16xf32, #tpu.memory_space<vmem>>, vector<1x16xf32>,
    }
    %scan3A_13 = arith.constant 625 : i32
    "tpu.region"() ({
      %run_scoped3A_99 = tpu.sem_alloc : memref<!tpu.dma_semaphore, #tpu.memory_space<semaphore_mem>>
      %dma_start3A_100 = arith.constant 0 : i32
      %dma_start3A_101 = tpu.memref_slice %arg19[%mul3A_2, %dma_start3A_100] : memref<10000x16xf32, #tpu.memory_space<vmem_shared>> -> memref<625x16xf32, #tpu.memory_space<vmem_shared>>
      %dma_start3A_102 = arith.constant 0 : i32
      %dma_start3A_103 = tpu.memref_slice %arg19[%mul3A_2, %dma_start3A_102] : memref<10000x16xf32, #tpu.memory_space<vmem_shared>> -> memref<625x16xf32, #tpu.memory_space<vmem_shared>>
      tpu.enqueue_dma source(%arg16 : memref<625x16xf32, #tpu.memory_space<vmem>>) target(%dma_start3A_103 : memref<625x16xf32, #tpu.memory_space<vmem_shared>>) target_semaphore(%run_scoped3A_99 : memref<!tpu.dma_semaphore, #tpu.memory_space<semaphore_mem>>)
      %dma_wait3A = arith.constant 0 : i32
      %dma_wait3A_104 = tpu.memref_slice %arg19[%mul3A_2, %dma_wait3A] : memref<10000x16xf32, #tpu.memory_space<vmem_shared>> -> memref<625x16xf32, #tpu.memory_space<vmem_shared>>
      %dma_wait3A_105 = arith.constant 0 : i32
      %dma_wait3A_106 = tpu.memref_slice %arg19[%mul3A_2, %dma_wait3A_105] : memref<10000x16xf32, #tpu.memory_space<vmem_shared>> -> memref<625x16xf32, #tpu.memory_space<vmem_shared>>
      tpu.wait_dma2 semaphore(%run_scoped3A_99 : memref<!tpu.dma_semaphore, #tpu.memory_space<semaphore_mem>>) src(%arg16 : memref<625x16xf32, #tpu.memory_space<vmem>>) dst(%dma_wait3A_106 : memref<625x16xf32, #tpu.memory_space<vmem_shared>>)
      tpu.yield
    }) : () -> ()
    %barrier3A = arith.constant 0 : index
    tpu.barrier barrier_id(%barrier3A)
    %dma_start3A = arith.constant 0 : i32
    %dma_start3A_14 = arith.constant 0 : i32
    %dma_start3A_15 = arith.constant 0 : i32
    %dma_start3A_16 = arith.constant 0 : i32
    %dma_start3A_17 = arith.constant 0 : i32
    %dma_start3A_18 = tpu.memref_slice %arg11[%dma_start3A_14, %dma_start3A_16, %dma_start3A_17] : memref<5x80x16xf32, #tpu.memory_space<vmem>> -> memref<1x80x16xf32, #tpu.memory_space<vmem>>
    %dma_start3A_19 = tpu.memref_squeeze %dma_start3A_18 : memref<1x80x16xf32, #tpu.memory_space<vmem>> -> memref<80x16xf32, #tpu.memory_space<vmem>>
    %dma_start3A_20 = arith.constant 0 : i32
    %dma_start3A_21 = tpu.memref_slice %arg9[%dma_start3A, %dma_start3A_20] : memref<125x80xi32, #tpu.memory_space<vmem>> -> memref<1x80xi32, #tpu.memory_space<vmem>>
    %dma_start3A_22 = tpu.memref_squeeze %dma_start3A_21 : memref<1x80xi32, #tpu.memory_space<vmem>> -> memref<80xi32, #tpu.memory_space<vmem>>
    %dma_start3A_23 = arith.constant 0 : i32
    %dma_start3A_24 = arith.constant 0 : i32
    %dma_start3A_25 = tpu.memref_slice %arg19[%dma_start3A_23, %dma_start3A_24] : memref<10000x16xf32, #tpu.memory_space<vmem_shared>> -> memref<10000x16xf32, #tpu.memory_space<vmem_shared>>
    %dma_start3A_26 = tpu.memref_slice %arg21[%dma_start3A_15] : memref<5x!tpu.dma_semaphore, #tpu.memory_space<semaphore_mem>> -> memref<1x!tpu.dma_semaphore, #tpu.memory_space<semaphore_mem>>
    %dma_start3A_27 = tpu.memref_squeeze %dma_start3A_26 : memref<1x!tpu.dma_semaphore, #tpu.memory_space<semaphore_mem>> -> memref<!tpu.dma_semaphore, #tpu.memory_space<semaphore_mem>>
    tpu.enqueue_indirect_dma source(%dma_start3A_25 : memref<10000x16xf32, #tpu.memory_space<vmem_shared>>) target(%dma_start3A_19 : memref<80x16xf32, #tpu.memory_space<vmem>>) offsets(%dma_start3A_22 : memref<80xi32, #tpu.memory_space<vmem>>) semaphore(%dma_start3A_27 : memref<!tpu.dma_semaphore, #tpu.memory_space<semaphore_mem>>)
    %dma_start3A_28 = arith.constant 1 : i32
    %dma_start3A_29 = arith.constant 1 : i32
    %dma_start3A_30 = arith.constant 1 : i32
    %dma_start3A_31 = arith.constant 0 : i32
    %dma_start3A_32 = arith.constant 0 : i32
    %dma_start3A_33 = tpu.memref_slice %arg11[%dma_start3A_29, %dma_start3A_31, %dma_start3A_32] : memref<5x80x16xf32, #tpu.memory_space<vmem>> -> memref<1x80x16xf32, #tpu.memory_space<vmem>>
    %dma_start3A_34 = tpu.memref_squeeze %dma_start3A_33 : memref<1x80x16xf32, #tpu.memory_space<vmem>> -> memref<80x16xf32, #tpu.memory_space<vmem>>
    %dma_start3A_35 = arith.constant 0 : i32
    %dma_start3A_36 = tpu.memref_slice %arg9[%dma_start3A_28, %dma_start3A_35] : memref<125x80xi32, #tpu.memory_space<vmem>> -> memref<1x80xi32, #tpu.memory_space<vmem>>
    %dma_start3A_37 = tpu.memref_squeeze %dma_start3A_36 : memref<1x80xi32, #tpu.memory_space<vmem>> -> memref<80xi32, #tpu.memory_space<vmem>>
    %dma_start3A_38 = arith.constant 0 : i32
    %dma_start3A_39 = arith.constant 0 : i32
    %dma_start3A_40 = tpu.memref_slice %arg19[%dma_start3A_38, %dma_start3A_39] : memref<10000x16xf32, #tpu.memory_space<vmem_shared>> -> memref<10000x16xf32, #tpu.memory_space<vmem_shared>>
    %dma_start3A_41 = tpu.memref_slice %arg21[%dma_start3A_30] : memref<5x!tpu.dma_semaphore, #tpu.memory_space<semaphore_mem>> -> memref<1x!tpu.dma_semaphore, #tpu.memory_space<semaphore_mem>>
    %dma_start3A_42 = tpu.memref_squeeze %dma_start3A_41 : memref<1x!tpu.dma_semaphore, #tpu.memory_space<semaphore_mem>> -> memref<!tpu.dma_semaphore, #tpu.memory_space<semaphore_mem>>
    tpu.enqueue_indirect_dma source(%dma_start3A_40 : memref<10000x16xf32, #tpu.memory_space<vmem_shared>>) target(%dma_start3A_34 : memref<80x16xf32, #tpu.memory_space<vmem>>) offsets(%dma_start3A_37 : memref<80xi32, #tpu.memory_space<vmem>>) semaphore(%dma_start3A_42 : memref<!tpu.dma_semaphore, #tpu.memory_space<semaphore_mem>>)
    %dma_start3A_43 = arith.constant 2 : i32
    %dma_start3A_44 = arith.constant 2 : i32
    %dma_start3A_45 = arith.constant 2 : i32
    %dma_start3A_46 = arith.constant 0 : i32
    %dma_start3A_47 = arith.constant 0 : i32
    %dma_start3A_48 = tpu.memref_slice %arg11[%dma_start3A_44, %dma_start3A_46, %dma_start3A_47] : memref<5x80x16xf32, #tpu.memory_space<vmem>> -> memref<1x80x16xf32, #tpu.memory_space<vmem>>
    %dma_start3A_49 = tpu.memref_squeeze %dma_start3A_48 : memref<1x80x16xf32, #tpu.memory_space<vmem>> -> memref<80x16xf32, #tpu.memory_space<vmem>>
    %dma_start3A_50 = arith.constant 0 : i32
    %dma_start3A_51 = tpu.memref_slice %arg9[%dma_start3A_43, %dma_start3A_50] : memref<125x80xi32, #tpu.memory_space<vmem>> -> memref<1x80xi32, #tpu.memory_space<vmem>>
    %dma_start3A_52 = tpu.memref_squeeze %dma_start3A_51 : memref<1x80xi32, #tpu.memory_space<vmem>> -> memref<80xi32, #tpu.memory_space<vmem>>
    %dma_start3A_53 = arith.constant 0 : i32
    %dma_start3A_54 = arith.constant 0 : i32
    %dma_start3A_55 = tpu.memref_slice %arg19[%dma_start3A_53, %dma_start3A_54] : memref<10000x16xf32, #tpu.memory_space<vmem_shared>> -> memref<10000x16xf32, #tpu.memory_space<vmem_shared>>
    %dma_start3A_56 = tpu.memref_slice %arg21[%dma_start3A_45] : memref<5x!tpu.dma_semaphore, #tpu.memory_space<semaphore_mem>> -> memref<1x!tpu.dma_semaphore, #tpu.memory_space<semaphore_mem>>
    %dma_start3A_57 = tpu.memref_squeeze %dma_start3A_56 : memref<1x!tpu.dma_semaphore, #tpu.memory_space<semaphore_mem>> -> memref<!tpu.dma_semaphore, #tpu.memory_space<semaphore_mem>>
    tpu.enqueue_indirect_dma source(%dma_start3A_55 : memref<10000x16xf32, #tpu.memory_space<vmem_shared>>) target(%dma_start3A_49 : memref<80x16xf32, #tpu.memory_space<vmem>>) offsets(%dma_start3A_52 : memref<80xi32, #tpu.memory_space<vmem>>) semaphore(%dma_start3A_57 : memref<!tpu.dma_semaphore, #tpu.memory_space<semaphore_mem>>)
    %dma_start3A_58 = arith.constant 3 : i32
    %dma_start3A_59 = arith.constant 3 : i32
    %dma_start3A_60 = arith.constant 3 : i32
    %dma_start3A_61 = arith.constant 0 : i32
    %dma_start3A_62 = arith.constant 0 : i32
    %dma_start3A_63 = tpu.memref_slice %arg11[%dma_start3A_59, %dma_start3A_61, %dma_start3A_62] : memref<5x80x16xf32, #tpu.memory_space<vmem>> -> memref<1x80x16xf32, #tpu.memory_space<vmem>>
    %dma_start3A_64 = tpu.memref_squeeze %dma_start3A_63 : memref<1x80x16xf32, #tpu.memory_space<vmem>> -> memref<80x16xf32, #tpu.memory_space<vmem>>
    %dma_start3A_65 = arith.constant 0 : i32
    %dma_start3A_66 = tpu.memref_slice %arg9[%dma_start3A_58, %dma_start3A_65] : memref<125x80xi32, #tpu.memory_space<vmem>> -> memref<1x80xi32, #tpu.memory_space<vmem>>
    %dma_start3A_67 = tpu.memref_squeeze %dma_start3A_66 : memref<1x80xi32, #tpu.memory_space<vmem>> -> memref<80xi32, #tpu.memory_space<vmem>>
    %dma_start3A_68 = arith.constant 0 : i32
    %dma_start3A_69 = arith.constant 0 : i32
    %dma_start3A_70 = tpu.memref_slice %arg19[%dma_start3A_68, %dma_start3A_69] : memref<10000x16xf32, #tpu.memory_space<vmem_shared>> -> memref<10000x16xf32, #tpu.memory_space<vmem_shared>>
    %dma_start3A_71 = tpu.memref_slice %arg21[%dma_start3A_60] : memref<5x!tpu.dma_semaphore, #tpu.memory_space<semaphore_mem>> -> memref<1x!tpu.dma_semaphore, #tpu.memory_space<semaphore_mem>>
    %dma_start3A_72 = tpu.memref_squeeze %dma_start3A_71 : memref<1x!tpu.dma_semaphore, #tpu.memory_space<semaphore_mem>> -> memref<!tpu.dma_semaphore, #tpu.memory_space<semaphore_mem>>
    tpu.enqueue_indirect_dma source(%dma_start3A_70 : memref<10000x16xf32, #tpu.memory_space<vmem_shared>>) target(%dma_start3A_64 : memref<80x16xf32, #tpu.memory_space<vmem>>) offsets(%dma_start3A_67 : memref<80xi32, #tpu.memory_space<vmem>>) semaphore(%dma_start3A_72 : memref<!tpu.dma_semaphore, #tpu.memory_space<semaphore_mem>>)
    %dma_start3A_73 = arith.constant 4 : i32
    %dma_start3A_74 = arith.constant 4 : i32
    %dma_start3A_75 = arith.constant 4 : i32
    %dma_start3A_76 = arith.constant 0 : i32
    %dma_start3A_77 = arith.constant 0 : i32
    %dma_start3A_78 = tpu.memref_slice %arg11[%dma_start3A_74, %dma_start3A_76, %dma_start3A_77] : memref<5x80x16xf32, #tpu.memory_space<vmem>> -> memref<1x80x16xf32, #tpu.memory_space<vmem>>
    %dma_start3A_79 = tpu.memref_squeeze %dma_start3A_78 : memref<1x80x16xf32, #tpu.memory_space<vmem>> -> memref<80x16xf32, #tpu.memory_space<vmem>>
    %dma_start3A_80 = arith.constant 0 : i32
    %dma_start3A_81 = tpu.memref_slice %arg9[%dma_start3A_73, %dma_start3A_80] : memref<125x80xi32, #tpu.memory_space<vmem>> -> memref<1x80xi32, #tpu.memory_space<vmem>>
    %dma_start3A_82 = tpu.memref_squeeze %dma_start3A_81 : memref<1x80xi32, #tpu.memory_space<vmem>> -> memref<80xi32, #tpu.memory_space<vmem>>
    %dma_start3A_83 = arith.constant 0 : i32
    %dma_start3A_84 = arith.constant 0 : i32
    %dma_start3A_85 = tpu.memref_slice %arg19[%dma_start3A_83, %dma_start3A_84] : memref<10000x16xf32, #tpu.memory_space<vmem_shared>> -> memref<10000x16xf32, #tpu.memory_space<vmem_shared>>
    %dma_start3A_86 = tpu.memref_slice %arg21[%dma_start3A_75] : memref<5x!tpu.dma_semaphore, #tpu.memory_space<semaphore_mem>> -> memref<1x!tpu.dma_semaphore, #tpu.memory_space<semaphore_mem>>
    %dma_start3A_87 = tpu.memref_squeeze %dma_start3A_86 : memref<1x!tpu.dma_semaphore, #tpu.memory_space<semaphore_mem>> -> memref<!tpu.dma_semaphore, #tpu.memory_space<semaphore_mem>>
    tpu.enqueue_indirect_dma source(%dma_start3A_85 : memref<10000x16xf32, #tpu.memory_space<vmem_shared>>) target(%dma_start3A_79 : memref<80x16xf32, #tpu.memory_space<vmem>>) offsets(%dma_start3A_82 : memref<80xi32, #tpu.memory_space<vmem>>) semaphore(%dma_start3A_87 : memref<!tpu.dma_semaphore, #tpu.memory_space<semaphore_mem>>)
    %scan3A_88 = arith.constant 0 : i32
    %scan3A_89 = arith.constant 25 : i32
    %scan3A_90 = arith.addi %scan3A_88, %scan3A_89 : i32
    %scan3A_91 = arith.constant 1 : i32
    scf.for %scan3A_99 = %scan3A_88 to %scan3A_90 step %scan3A_91  : i32 {
      %mul3A_100 = arith.constant 1 : i32
      %mul3A_101 = arith.muli %scan3A_99, %mul3A_100 : i32
      %add3A_102 = arith.constant 0 : i32
      %add3A_103 = arith.addi %add3A_102, %mul3A_101 : i32
      %mul3A_104 = arith.constant 5 : i32
      %mul3A_105 = arith.muli %add3A_103, %mul3A_104 : i32
      %add3A_106 = arith.constant 0 : i32
      %add3A_107 = arith.addi %mul3A_105, %add3A_106 : i32
      %dma_wait3A = arith.constant 0 : i32
      %dma_wait3A_108 = arith.constant 0 : i32
      %dma_wait3A_109 = arith.constant 0 : i32
      %dma_wait3A_110 = arith.constant 0 : i32
      %dma_wait3A_111 = arith.constant 0 : i32
      %dma_wait3A_112 = tpu.memref_slice %arg11[%dma_wait3A_108, %dma_wait3A_110, %dma_wait3A_111] : memref<5x80x16xf32, #tpu.memory_space<vmem>> -> memref<1x80x16xf32, #tpu.memory_space<vmem>>
      %dma_wait3A_113 = tpu.memref_squeeze %dma_wait3A_112 : memref<1x80x16xf32, #tpu.memory_space<vmem>> -> memref<80x16xf32, #tpu.memory_space<vmem>>
      %dma_wait3A_114 = arith.constant 0 : i32
      %dma_wait3A_115 = tpu.memref_slice %arg9[%dma_wait3A, %dma_wait3A_114] : memref<125x80xi32, #tpu.memory_space<vmem>> -> memref<1x80xi32, #tpu.memory_space<vmem>>
      %dma_wait3A_116 = tpu.memref_squeeze %dma_wait3A_115 : memref<1x80xi32, #tpu.memory_space<vmem>> -> memref<80xi32, #tpu.memory_space<vmem>>
      %dma_wait3A_117 = arith.constant 0 : i32
      %dma_wait3A_118 = arith.constant 0 : i32
      %dma_wait3A_119 = tpu.memref_slice %arg19[%dma_wait3A_117, %dma_wait3A_118] : memref<10000x16xf32, #tpu.memory_space<vmem_shared>> -> memref<10000x16xf32, #tpu.memory_space<vmem_shared>>
      %dma_wait3A_120 = tpu.memref_slice %arg21[%dma_wait3A_109] : memref<5x!tpu.dma_semaphore, #tpu.memory_space<semaphore_mem>> -> memref<1x!tpu.dma_semaphore, #tpu.memory_space<semaphore_mem>>
      %dma_wait3A_121 = tpu.memref_squeeze %dma_wait3A_120 : memref<1x!tpu.dma_semaphore, #tpu.memory_space<semaphore_mem>> -> memref<!tpu.dma_semaphore, #tpu.memory_space<semaphore_mem>>
      tpu.wait_indirect_dma semaphore(%dma_wait3A_121 : memref<!tpu.dma_semaphore, #tpu.memory_space<semaphore_mem>>) src(%dma_wait3A_119 : memref<10000x16xf32, #tpu.memory_space<vmem_shared>>) dst(%dma_wait3A_113 : memref<80x16xf32, #tpu.memory_space<vmem>>)
      %run_scoped3A_122 = arith.constant 0 : i32
      "tpu.region"() ({
        %run_scoped3A_235 = tpu.sem_alloc : memref<!tpu.dma_semaphore, #tpu.memory_space<semaphore_mem>>
        %dma_start3A_236 = arith.constant 0 : i32
        %dma_start3A_237 = arith.constant 0 : i32
        %dma_start3A_238 = tpu.memref_slice %arg11[%run_scoped3A_122, %dma_start3A_236, %dma_start3A_237] : memref<5x80x16xf32, #tpu.memory_space<vmem>> -> memref<1x80x16xf32, #tpu.memory_space<vmem>>
        %dma_start3A_239 = tpu.memref_squeeze %dma_start3A_238 : memref<1x80x16xf32, #tpu.memory_space<vmem>> -> memref<80x16xf32, #tpu.memory_space<vmem>>
        %dma_start3A_240 = arith.constant 0 : i32
        %dma_start3A_241 = tpu.memref_slice %arg10[%add3A_107, %dma_start3A_240] : memref<125x80xi32, #tpu.memory_space<vmem>> -> memref<1x80xi32, #tpu.memory_space<vmem>>
        %dma_start3A_242 = tpu.memref_squeeze %dma_start3A_241 : memref<1x80xi32, #tpu.memory_space<vmem>> -> memref<80xi32, #tpu.memory_space<vmem>>
        %dma_start3A_243 = arith.constant 0 : i32
        %dma_start3A_244 = arith.constant 0 : i32
        %dma_start3A_245 = tpu.memref_slice %arg20[%dma_start3A_243, %dma_start3A_244] : memref<10000x16xf32, #tpu.memory_space<vmem_shared>> -> memref<10000x16xf32, #tpu.memory_space<vmem_shared>>
        tpu.enqueue_indirect_dma source(%dma_start3A_239 : memref<80x16xf32, #tpu.memory_space<vmem>>) target(%dma_start3A_245 : memref<10000x16xf32, #tpu.memory_space<vmem_shared>>) offsets(%dma_start3A_242 : memref<80xi32, #tpu.memory_space<vmem>>) semaphore(%run_scoped3A_235 : memref<!tpu.dma_semaphore, #tpu.memory_space<semaphore_mem>>) {add = true}
        %dma_wait3A_246 = arith.constant 0 : i32
        %dma_wait3A_247 = arith.constant 0 : i32
        %dma_wait3A_248 = tpu.memref_slice %arg11[%run_scoped3A_122, %dma_wait3A_246, %dma_wait3A_247] : memref<5x80x16xf32, #tpu.memory_space<vmem>> -> memref<1x80x16xf32, #tpu.memory_space<vmem>>
        %dma_wait3A_249 = tpu.memref_squeeze %dma_wait3A_248 : memref<1x80x16xf32, #tpu.memory_space<vmem>> -> memref<80x16xf32, #tpu.memory_space<vmem>>
        %dma_wait3A_250 = arith.constant 0 : i32
        %dma_wait3A_251 = tpu.memref_slice %arg10[%add3A_107, %dma_wait3A_250] : memref<125x80xi32, #tpu.memory_space<vmem>> -> memref<1x80xi32, #tpu.memory_space<vmem>>
        %dma_wait3A_252 = tpu.memref_squeeze %dma_wait3A_251 : memref<1x80xi32, #tpu.memory_space<vmem>> -> memref<80xi32, #tpu.memory_space<vmem>>
        %dma_wait3A_253 = arith.constant 0 : i32
        %dma_wait3A_254 = arith.constant 0 : i32
        %dma_wait3A_255 = tpu.memref_slice %arg20[%dma_wait3A_253, %dma_wait3A_254] : memref<10000x16xf32, #tpu.memory_space<vmem_shared>> -> memref<10000x16xf32, #tpu.memory_space<vmem_shared>>
        tpu.wait_indirect_dma semaphore(%run_scoped3A_235 : memref<!tpu.dma_semaphore, #tpu.memory_space<semaphore_mem>>) src(%dma_wait3A_249 : memref<80x16xf32, #tpu.memory_space<vmem>>) dst(%dma_wait3A_255 : memref<10000x16xf32, #tpu.memory_space<vmem_shared>>)
        tpu.yield
      }) : () -> ()
      %add3A_123 = arith.constant 5 : i32
      %add3A_124 = arith.addi %add3A_107, %add3A_123 : i32
      %lt3A = arith.constant 125 : i32
      %lt3A_125 = arith.cmpi slt, %add3A_124, %lt3A : i32
      %convert_element_type3A = arith.extui %lt3A_125 : i1 to i32
      %cond3A = arith.constant 0 : i32
      %cond3A_126 = arith.cmpi ne, %convert_element_type3A, %cond3A : i32
      scf.if %cond3A_126 {
        %dma_start3A_235 = arith.constant 0 : i32
        %dma_start3A_236 = arith.constant 0 : i32
        %dma_start3A_237 = arith.constant 0 : i32
        %dma_start3A_238 = arith.constant 0 : i32
        %dma_start3A_239 = tpu.memref_slice %arg11[%dma_start3A_235, %dma_start3A_237, %dma_start3A_238] : memref<5x80x16xf32, #tpu.memory_space<vmem>> -> memref<1x80x16xf32, #tpu.memory_space<vmem>>
        %dma_start3A_240 = tpu.memref_squeeze %dma_start3A_239 : memref<1x80x16xf32, #tpu.memory_space<vmem>> -> memref<80x16xf32, #tpu.memory_space<vmem>>
        %dma_start3A_241 = arith.constant 0 : i32
        %dma_start3A_242 = tpu.memref_slice %arg9[%add3A_124, %dma_start3A_241] : memref<125x80xi32, #tpu.memory_space<vmem>> -> memref<1x80xi32, #tpu.memory_space<vmem>>
        %dma_start3A_243 = tpu.memref_squeeze %dma_start3A_242 : memref<1x80xi32, #tpu.memory_space<vmem>> -> memref<80xi32, #tpu.memory_space<vmem>>
        %dma_start3A_244 = arith.constant 0 : i32
        %dma_start3A_245 = arith.constant 0 : i32
        %dma_start3A_246 = tpu.memref_slice %arg19[%dma_start3A_244, %dma_start3A_245] : memref<10000x16xf32, #tpu.memory_space<vmem_shared>> -> memref<10000x16xf32, #tpu.memory_space<vmem_shared>>
        %dma_start3A_247 = tpu.memref_slice %arg21[%dma_start3A_236] : memref<5x!tpu.dma_semaphore, #tpu.memory_space<semaphore_mem>> -> memref<1x!tpu.dma_semaphore, #tpu.memory_space<semaphore_mem>>
        %dma_start3A_248 = tpu.memref_squeeze %dma_start3A_247 : memref<1x!tpu.dma_semaphore, #tpu.memory_space<semaphore_mem>> -> memref<!tpu.dma_semaphore, #tpu.memory_space<semaphore_mem>>
        tpu.enqueue_indirect_dma source(%dma_start3A_246 : memref<10000x16xf32, #tpu.memory_space<vmem_shared>>) target(%dma_start3A_240 : memref<80x16xf32, #tpu.memory_space<vmem>>) offsets(%dma_start3A_243 : memref<80xi32, #tpu.memory_space<vmem>>) semaphore(%dma_start3A_248 : memref<!tpu.dma_semaphore, #tpu.memory_space<semaphore_mem>>)
      } else {
      }
      %mul3A_127 = arith.constant 5 : i32
      %mul3A_128 = arith.muli %add3A_103, %mul3A_127 : i32
      %add3A_129 = arith.constant 1 : i32
      %add3A_130 = arith.addi %mul3A_128, %add3A_129 : i32
      %dma_wait3A_131 = arith.constant 1 : i32
      %dma_wait3A_132 = arith.constant 1 : i32
      %dma_wait3A_133 = arith.constant 1 : i32
      %dma_wait3A_134 = arith.constant 0 : i32
      %dma_wait3A_135 = arith.constant 0 : i32
      %dma_wait3A_136 = tpu.memref_slice %arg11[%dma_wait3A_132, %dma_wait3A_134, %dma_wait3A_135] : memref<5x80x16xf32, #tpu.memory_space<vmem>> -> memref<1x80x16xf32, #tpu.memory_space<vmem>>
      %dma_wait3A_137 = tpu.memref_squeeze %dma_wait3A_136 : memref<1x80x16xf32, #tpu.memory_space<vmem>> -> memref<80x16xf32, #tpu.memory_space<vmem>>
      %dma_wait3A_138 = arith.constant 0 : i32
      %dma_wait3A_139 = tpu.memref_slice %arg9[%dma_wait3A_131, %dma_wait3A_138] : memref<125x80xi32, #tpu.memory_space<vmem>> -> memref<1x80xi32, #tpu.memory_space<vmem>>
      %dma_wait3A_140 = tpu.memref_squeeze %dma_wait3A_139 : memref<1x80xi32, #tpu.memory_space<vmem>> -> memref<80xi32, #tpu.memory_space<vmem>>
      %dma_wait3A_141 = arith.constant 0 : i32
      %dma_wait3A_142 = arith.constant 0 : i32
      %dma_wait3A_143 = tpu.memref_slice %arg19[%dma_wait3A_141, %dma_wait3A_142] : memref<10000x16xf32, #tpu.memory_space<vmem_shared>> -> memref<10000x16xf32, #tpu.memory_space<vmem_shared>>
      %dma_wait3A_144 = tpu.memref_slice %arg21[%dma_wait3A_133] : memref<5x!tpu.dma_semaphore, #tpu.memory_space<semaphore_mem>> -> memref<1x!tpu.dma_semaphore, #tpu.memory_space<semaphore_mem>>
      %dma_wait3A_145 = tpu.memref_squeeze %dma_wait3A_144 : memref<1x!tpu.dma_semaphore, #tpu.memory_space<semaphore_mem>> -> memref<!tpu.dma_semaphore, #tpu.memory_space<semaphore_mem>>
      tpu.wait_indirect_dma semaphore(%dma_wait3A_145 : memref<!tpu.dma_semaphore, #tpu.memory_space<semaphore_mem>>) src(%dma_wait3A_143 : memref<10000x16xf32, #tpu.memory_space<vmem_shared>>) dst(%dma_wait3A_137 : memref<80x16xf32, #tpu.memory_space<vmem>>)
      %run_scoped3A_146 = arith.constant 1 : i32
      "tpu.region"() ({
        %run_scoped3A_235 = tpu.sem_alloc : memref<!tpu.dma_semaphore, #tpu.memory_space<semaphore_mem>>
        %dma_start3A_236 = arith.constant 0 : i32
        %dma_start3A_237 = arith.constant 0 : i32
        %dma_start3A_238 = tpu.memref_slice %arg11[%run_scoped3A_146, %dma_start3A_236, %dma_start3A_237] : memref<5x80x16xf32, #tpu.memory_space<vmem>> -> memref<1x80x16xf32, #tpu.memory_space<vmem>>
        %dma_start3A_239 = tpu.memref_squeeze %dma_start3A_238 : memref<1x80x16xf32, #tpu.memory_space<vmem>> -> memref<80x16xf32, #tpu.memory_space<vmem>>
        %dma_start3A_240 = arith.constant 0 : i32
        %dma_start3A_241 = tpu.memref_slice %arg10[%add3A_130, %dma_start3A_240] : memref<125x80xi32, #tpu.memory_space<vmem>> -> memref<1x80xi32, #tpu.memory_space<vmem>>
        %dma_start3A_242 = tpu.memref_squeeze %dma_start3A_241 : memref<1x80xi32, #tpu.memory_space<vmem>> -> memref<80xi32, #tpu.memory_space<vmem>>
        %dma_start3A_243 = arith.constant 0 : i32
        %dma_start3A_244 = arith.constant 0 : i32
        %dma_start3A_245 = tpu.memref_slice %arg20[%dma_start3A_243, %dma_start3A_244] : memref<10000x16xf32, #tpu.memory_space<vmem_shared>> -> memref<10000x16xf32, #tpu.memory_space<vmem_shared>>
        tpu.enqueue_indirect_dma source(%dma_start3A_239 : memref<80x16xf32, #tpu.memory_space<vmem>>) target(%dma_start3A_245 : memref<10000x16xf32, #tpu.memory_space<vmem_shared>>) offsets(%dma_start3A_242 : memref<80xi32, #tpu.memory_space<vmem>>) semaphore(%run_scoped3A_235 : memref<!tpu.dma_semaphore, #tpu.memory_space<semaphore_mem>>) {add = true}
        %dma_wait3A_246 = arith.constant 0 : i32
        %dma_wait3A_247 = arith.constant 0 : i32
        %dma_wait3A_248 = tpu.memref_slice %arg11[%run_scoped3A_146, %dma_wait3A_246, %dma_wait3A_247] : memref<5x80x16xf32, #tpu.memory_space<vmem>> -> memref<1x80x16xf32, #tpu.memory_space<vmem>>
        %dma_wait3A_249 = tpu.memref_squeeze %dma_wait3A_248 : memref<1x80x16xf32, #tpu.memory_space<vmem>> -> memref<80x16xf32, #tpu.memory_space<vmem>>
        %dma_wait3A_250 = arith.constant 0 : i32
        %dma_wait3A_251 = tpu.memref_slice %arg10[%add3A_130, %dma_wait3A_250] : memref<125x80xi32, #tpu.memory_space<vmem>> -> memref<1x80xi32, #tpu.memory_space<vmem>>
        %dma_wait3A_252 = tpu.memref_squeeze %dma_wait3A_251 : memref<1x80xi32, #tpu.memory_space<vmem>> -> memref<80xi32, #tpu.memory_space<vmem>>
        %dma_wait3A_253 = arith.constant 0 : i32
        %dma_wait3A_254 = arith.constant 0 : i32
        %dma_wait3A_255 = tpu.memref_slice %arg20[%dma_wait3A_253, %dma_wait3A_254] : memref<10000x16xf32, #tpu.memory_space<vmem_shared>> -> memref<10000x16xf32, #tpu.memory_space<vmem_shared>>
        tpu.wait_indirect_dma semaphore(%run_scoped3A_235 : memref<!tpu.dma_semaphore, #tpu.memory_space<semaphore_mem>>) src(%dma_wait3A_249 : memref<80x16xf32, #tpu.memory_space<vmem>>) dst(%dma_wait3A_255 : memref<10000x16xf32, #tpu.memory_space<vmem_shared>>)
        tpu.yield
      }) : () -> ()
      %add3A_147 = arith.constant 5 : i32
      %add3A_148 = arith.addi %add3A_130, %add3A_147 : i32
      %lt3A_149 = arith.constant 125 : i32
      %lt3A_150 = arith.cmpi slt, %add3A_148, %lt3A_149 : i32
      %convert_element_type3A_151 = arith.extui %lt3A_150 : i1 to i32
      %cond3A_152 = arith.constant 0 : i32
      %cond3A_153 = arith.cmpi ne, %convert_element_type3A_151, %cond3A_152 : i32
      scf.if %cond3A_153 {
        %dma_start3A_235 = arith.constant 1 : i32
        %dma_start3A_236 = arith.constant 1 : i32
        %dma_start3A_237 = arith.constant 0 : i32
        %dma_start3A_238 = arith.constant 0 : i32
        %dma_start3A_239 = tpu.memref_slice %arg11[%dma_start3A_235, %dma_start3A_237, %dma_start3A_238] : memref<5x80x16xf32, #tpu.memory_space<vmem>> -> memref<1x80x16xf32, #tpu.memory_space<vmem>>
        %dma_start3A_240 = tpu.memref_squeeze %dma_start3A_239 : memref<1x80x16xf32, #tpu.memory_space<vmem>> -> memref<80x16xf32, #tpu.memory_space<vmem>>
        %dma_start3A_241 = arith.constant 0 : i32
        %dma_start3A_242 = tpu.memref_slice %arg9[%add3A_148, %dma_start3A_241] : memref<125x80xi32, #tpu.memory_space<vmem>> -> memref<1x80xi32, #tpu.memory_space<vmem>>
        %dma_start3A_243 = tpu.memref_squeeze %dma_start3A_242 : memref<1x80xi32, #tpu.memory_space<vmem>> -> memref<80xi32, #tpu.memory_space<vmem>>
        %dma_start3A_244 = arith.constant 0 : i32
        %dma_start3A_245 = arith.constant 0 : i32
        %dma_start3A_246 = tpu.memref_slice %arg19[%dma_start3A_244, %dma_start3A_245] : memref<10000x16xf32, #tpu.memory_space<vmem_shared>> -> memref<10000x16xf32, #tpu.memory_space<vmem_shared>>
        %dma_start3A_247 = tpu.memref_slice %arg21[%dma_start3A_236] : memref<5x!tpu.dma_semaphore, #tpu.memory_space<semaphore_mem>> -> memref<1x!tpu.dma_semaphore, #tpu.memory_space<semaphore_mem>>
        %dma_start3A_248 = tpu.memref_squeeze %dma_start3A_247 : memref<1x!tpu.dma_semaphore, #tpu.memory_space<semaphore_mem>> -> memref<!tpu.dma_semaphore, #tpu.memory_space<semaphore_mem>>
        tpu.enqueue_indirect_dma source(%dma_start3A_246 : memref<10000x16xf32, #tpu.memory_space<vmem_shared>>) target(%dma_start3A_240 : memref<80x16xf32, #tpu.memory_space<vmem>>) offsets(%dma_start3A_243 : memref<80xi32, #tpu.memory_space<vmem>>) semaphore(%dma_start3A_248 : memref<!tpu.dma_semaphore, #tpu.memory_space<semaphore_mem>>)
      } else {
      }
      %mul3A_154 = arith.constant 5 : i32
      %mul3A_155 = arith.muli %add3A_103, %mul3A_154 : i32
      %add3A_156 = arith.constant 2 : i32
      %add3A_157 = arith.addi %mul3A_155, %add3A_156 : i32
      %dma_wait3A_158 = arith.constant 2 : i32
      %dma_wait3A_159 = arith.constant 2 : i32
      %dma_wait3A_160 = arith.constant 2 : i32
      %dma_wait3A_161 = arith.constant 0 : i32
      %dma_wait3A_162 = arith.constant 0 : i32
      %dma_wait3A_163 = tpu.memref_slice %arg11[%dma_wait3A_159, %dma_wait3A_161, %dma_wait3A_162] : memref<5x80x16xf32, #tpu.memory_space<vmem>> -> memref<1x80x16xf32, #tpu.memory_space<vmem>>
      %dma_wait3A_164 = tpu.memref_squeeze %dma_wait3A_163 : memref<1x80x16xf32, #tpu.memory_space<vmem>> -> memref<80x16xf32, #tpu.memory_space<vmem>>
      %dma_wait3A_165 = arith.constant 0 : i32
      %dma_wait3A_166 = tpu.memref_slice %arg9[%dma_wait3A_158, %dma_wait3A_165] : memref<125x80xi32, #tpu.memory_space<vmem>> -> memref<1x80xi32, #tpu.memory_space<vmem>>
      %dma_wait3A_167 = tpu.memref_squeeze %dma_wait3A_166 : memref<1x80xi32, #tpu.memory_space<vmem>> -> memref<80xi32, #tpu.memory_space<vmem>>
      %dma_wait3A_168 = arith.constant 0 : i32
      %dma_wait3A_169 = arith.constant 0 : i32
      %dma_wait3A_170 = tpu.memref_slice %arg19[%dma_wait3A_168, %dma_wait3A_169] : memref<10000x16xf32, #tpu.memory_space<vmem_shared>> -> memref<10000x16xf32, #tpu.memory_space<vmem_shared>>
      %dma_wait3A_171 = tpu.memref_slice %arg21[%dma_wait3A_160] : memref<5x!tpu.dma_semaphore, #tpu.memory_space<semaphore_mem>> -> memref<1x!tpu.dma_semaphore, #tpu.memory_space<semaphore_mem>>
      %dma_wait3A_172 = tpu.memref_squeeze %dma_wait3A_171 : memref<1x!tpu.dma_semaphore, #tpu.memory_space<semaphore_mem>> -> memref<!tpu.dma_semaphore, #tpu.memory_space<semaphore_mem>>
      tpu.wait_indirect_dma semaphore(%dma_wait3A_172 : memref<!tpu.dma_semaphore, #tpu.memory_space<semaphore_mem>>) src(%dma_wait3A_170 : memref<10000x16xf32, #tpu.memory_space<vmem_shared>>) dst(%dma_wait3A_164 : memref<80x16xf32, #tpu.memory_space<vmem>>)
      %run_scoped3A_173 = arith.constant 2 : i32
      "tpu.region"() ({
        %run_scoped3A_235 = tpu.sem_alloc : memref<!tpu.dma_semaphore, #tpu.memory_space<semaphore_mem>>
        %dma_start3A_236 = arith.constant 0 : i32
        %dma_start3A_237 = arith.constant 0 : i32
        %dma_start3A_238 = tpu.memref_slice %arg11[%run_scoped3A_173, %dma_start3A_236, %dma_start3A_237] : memref<5x80x16xf32, #tpu.memory_space<vmem>> -> memref<1x80x16xf32, #tpu.memory_space<vmem>>
        %dma_start3A_239 = tpu.memref_squeeze %dma_start3A_238 : memref<1x80x16xf32, #tpu.memory_space<vmem>> -> memref<80x16xf32, #tpu.memory_space<vmem>>
        %dma_start3A_240 = arith.constant 0 : i32
        %dma_start3A_241 = tpu.memref_slice %arg10[%add3A_157, %dma_start3A_240] : memref<125x80xi32, #tpu.memory_space<vmem>> -> memref<1x80xi32, #tpu.memory_space<vmem>>
        %dma_start3A_242 = tpu.memref_squeeze %dma_start3A_241 : memref<1x80xi32, #tpu.memory_space<vmem>> -> memref<80xi32, #tpu.memory_space<vmem>>
        %dma_start3A_243 = arith.constant 0 : i32
        %dma_start3A_244 = arith.constant 0 : i32
        %dma_start3A_245 = tpu.memref_slice %arg20[%dma_start3A_243, %dma_start3A_244] : memref<10000x16xf32, #tpu.memory_space<vmem_shared>> -> memref<10000x16xf32, #tpu.memory_space<vmem_shared>>
        tpu.enqueue_indirect_dma source(%dma_start3A_239 : memref<80x16xf32, #tpu.memory_space<vmem>>) target(%dma_start3A_245 : memref<10000x16xf32, #tpu.memory_space<vmem_shared>>) offsets(%dma_start3A_242 : memref<80xi32, #tpu.memory_space<vmem>>) semaphore(%run_scoped3A_235 : memref<!tpu.dma_semaphore, #tpu.memory_space<semaphore_mem>>) {add = true}
        %dma_wait3A_246 = arith.constant 0 : i32
        %dma_wait3A_247 = arith.constant 0 : i32
        %dma_wait3A_248 = tpu.memref_slice %arg11[%run_scoped3A_173, %dma_wait3A_246, %dma_wait3A_247] : memref<5x80x16xf32, #tpu.memory_space<vmem>> -> memref<1x80x16xf32, #tpu.memory_space<vmem>>
        %dma_wait3A_249 = tpu.memref_squeeze %dma_wait3A_248 : memref<1x80x16xf32, #tpu.memory_space<vmem>> -> memref<80x16xf32, #tpu.memory_space<vmem>>
        %dma_wait3A_250 = arith.constant 0 : i32
        %dma_wait3A_251 = tpu.memref_slice %arg10[%add3A_157, %dma_wait3A_250] : memref<125x80xi32, #tpu.memory_space<vmem>> -> memref<1x80xi32, #tpu.memory_space<vmem>>
        %dma_wait3A_252 = tpu.memref_squeeze %dma_wait3A_251 : memref<1x80xi32, #tpu.memory_space<vmem>> -> memref<80xi32, #tpu.memory_space<vmem>>
        %dma_wait3A_253 = arith.constant 0 : i32
        %dma_wait3A_254 = arith.constant 0 : i32
        %dma_wait3A_255 = tpu.memref_slice %arg20[%dma_wait3A_253, %dma_wait3A_254] : memref<10000x16xf32, #tpu.memory_space<vmem_shared>> -> memref<10000x16xf32, #tpu.memory_space<vmem_shared>>
        tpu.wait_indirect_dma semaphore(%run_scoped3A_235 : memref<!tpu.dma_semaphore, #tpu.memory_space<semaphore_mem>>) src(%dma_wait3A_249 : memref<80x16xf32, #tpu.memory_space<vmem>>) dst(%dma_wait3A_255 : memref<10000x16xf32, #tpu.memory_space<vmem_shared>>)
        tpu.yield
      }) : () -> ()
      %add3A_174 = arith.constant 5 : i32
      %add3A_175 = arith.addi %add3A_157, %add3A_174 : i32
      %lt3A_176 = arith.constant 125 : i32
      %lt3A_177 = arith.cmpi slt, %add3A_175, %lt3A_176 : i32
      %convert_element_type3A_178 = arith.extui %lt3A_177 : i1 to i32
      %cond3A_179 = arith.constant 0 : i32
      %cond3A_180 = arith.cmpi ne, %convert_element_type3A_178, %cond3A_179 : i32
      scf.if %cond3A_180 {
        %dma_start3A_235 = arith.constant 2 : i32
        %dma_start3A_236 = arith.constant 2 : i32
        %dma_start3A_237 = arith.constant 0 : i32
        %dma_start3A_238 = arith.constant 0 : i32
        %dma_start3A_239 = tpu.memref_slice %arg11[%dma_start3A_235, %dma_start3A_237, %dma_start3A_238] : memref<5x80x16xf32, #tpu.memory_space<vmem>> -> memref<1x80x16xf32, #tpu.memory_space<vmem>>
        %dma_start3A_240 = tpu.memref_squeeze %dma_start3A_239 : memref<1x80x16xf32, #tpu.memory_space<vmem>> -> memref<80x16xf32, #tpu.memory_space<vmem>>
        %dma_start3A_241 = arith.constant 0 : i32
        %dma_start3A_242 = tpu.memref_slice %arg9[%add3A_175, %dma_start3A_241] : memref<125x80xi32, #tpu.memory_space<vmem>> -> memref<1x80xi32, #tpu.memory_space<vmem>>
        %dma_start3A_243 = tpu.memref_squeeze %dma_start3A_242 : memref<1x80xi32, #tpu.memory_space<vmem>> -> memref<80xi32, #tpu.memory_space<vmem>>
        %dma_start3A_244 = arith.constant 0 : i32
        %dma_start3A_245 = arith.constant 0 : i32
        %dma_start3A_246 = tpu.memref_slice %arg19[%dma_start3A_244, %dma_start3A_245] : memref<10000x16xf32, #tpu.memory_space<vmem_shared>> -> memref<10000x16xf32, #tpu.memory_space<vmem_shared>>
        %dma_start3A_247 = tpu.memref_slice %arg21[%dma_start3A_236] : memref<5x!tpu.dma_semaphore, #tpu.memory_space<semaphore_mem>> -> memref<1x!tpu.dma_semaphore, #tpu.memory_space<semaphore_mem>>
        %dma_start3A_248 = tpu.memref_squeeze %dma_start3A_247 : memref<1x!tpu.dma_semaphore, #tpu.memory_space<semaphore_mem>> -> memref<!tpu.dma_semaphore, #tpu.memory_space<semaphore_mem>>
        tpu.enqueue_indirect_dma source(%dma_start3A_246 : memref<10000x16xf32, #tpu.memory_space<vmem_shared>>) target(%dma_start3A_240 : memref<80x16xf32, #tpu.memory_space<vmem>>) offsets(%dma_start3A_243 : memref<80xi32, #tpu.memory_space<vmem>>) semaphore(%dma_start3A_248 : memref<!tpu.dma_semaphore, #tpu.memory_space<semaphore_mem>>)
      } else {
      }
      %mul3A_181 = arith.constant 5 : i32
      %mul3A_182 = arith.muli %add3A_103, %mul3A_181 : i32
      %add3A_183 = arith.constant 3 : i32
      %add3A_184 = arith.addi %mul3A_182, %add3A_183 : i32
      %dma_wait3A_185 = arith.constant 3 : i32
      %dma_wait3A_186 = arith.constant 3 : i32
      %dma_wait3A_187 = arith.constant 3 : i32
      %dma_wait3A_188 = arith.constant 0 : i32
      %dma_wait3A_189 = arith.constant 0 : i32
      %dma_wait3A_190 = tpu.memref_slice %arg11[%dma_wait3A_186, %dma_wait3A_188, %dma_wait3A_189] : memref<5x80x16xf32, #tpu.memory_space<vmem>> -> memref<1x80x16xf32, #tpu.memory_space<vmem>>
      %dma_wait3A_191 = tpu.memref_squeeze %dma_wait3A_190 : memref<1x80x16xf32, #tpu.memory_space<vmem>> -> memref<80x16xf32, #tpu.memory_space<vmem>>
      %dma_wait3A_192 = arith.constant 0 : i32
      %dma_wait3A_193 = tpu.memref_slice %arg9[%dma_wait3A_185, %dma_wait3A_192] : memref<125x80xi32, #tpu.memory_space<vmem>> -> memref<1x80xi32, #tpu.memory_space<vmem>>
      %dma_wait3A_194 = tpu.memref_squeeze %dma_wait3A_193 : memref<1x80xi32, #tpu.memory_space<vmem>> -> memref<80xi32, #tpu.memory_space<vmem>>
      %dma_wait3A_195 = arith.constant 0 : i32
      %dma_wait3A_196 = arith.constant 0 : i32
      %dma_wait3A_197 = tpu.memref_slice %arg19[%dma_wait3A_195, %dma_wait3A_196] : memref<10000x16xf32, #tpu.memory_space<vmem_shared>> -> memref<10000x16xf32, #tpu.memory_space<vmem_shared>>
      %dma_wait3A_198 = tpu.memref_slice %arg21[%dma_wait3A_187] : memref<5x!tpu.dma_semaphore, #tpu.memory_space<semaphore_mem>> -> memref<1x!tpu.dma_semaphore, #tpu.memory_space<semaphore_mem>>
      %dma_wait3A_199 = tpu.memref_squeeze %dma_wait3A_198 : memref<1x!tpu.dma_semaphore, #tpu.memory_space<semaphore_mem>> -> memref<!tpu.dma_semaphore, #tpu.memory_space<semaphore_mem>>
      tpu.wait_indirect_dma semaphore(%dma_wait3A_199 : memref<!tpu.dma_semaphore, #tpu.memory_space<semaphore_mem>>) src(%dma_wait3A_197 : memref<10000x16xf32, #tpu.memory_space<vmem_shared>>) dst(%dma_wait3A_191 : memref<80x16xf32, #tpu.memory_space<vmem>>)
      %run_scoped3A_200 = arith.constant 3 : i32
      "tpu.region"() ({
        %run_scoped3A_235 = tpu.sem_alloc : memref<!tpu.dma_semaphore, #tpu.memory_space<semaphore_mem>>
        %dma_start3A_236 = arith.constant 0 : i32
        %dma_start3A_237 = arith.constant 0 : i32
        %dma_start3A_238 = tpu.memref_slice %arg11[%run_scoped3A_200, %dma_start3A_236, %dma_start3A_237] : memref<5x80x16xf32, #tpu.memory_space<vmem>> -> memref<1x80x16xf32, #tpu.memory_space<vmem>>
        %dma_start3A_239 = tpu.memref_squeeze %dma_start3A_238 : memref<1x80x16xf32, #tpu.memory_space<vmem>> -> memref<80x16xf32, #tpu.memory_space<vmem>>
        %dma_start3A_240 = arith.constant 0 : i32
        %dma_start3A_241 = tpu.memref_slice %arg10[%add3A_184, %dma_start3A_240] : memref<125x80xi32, #tpu.memory_space<vmem>> -> memref<1x80xi32, #tpu.memory_space<vmem>>
        %dma_start3A_242 = tpu.memref_squeeze %dma_start3A_241 : memref<1x80xi32, #tpu.memory_space<vmem>> -> memref<80xi32, #tpu.memory_space<vmem>>
        %dma_start3A_243 = arith.constant 0 : i32
        %dma_start3A_244 = arith.constant 0 : i32
        %dma_start3A_245 = tpu.memref_slice %arg20[%dma_start3A_243, %dma_start3A_244] : memref<10000x16xf32, #tpu.memory_space<vmem_shared>> -> memref<10000x16xf32, #tpu.memory_space<vmem_shared>>
        tpu.enqueue_indirect_dma source(%dma_start3A_239 : memref<80x16xf32, #tpu.memory_space<vmem>>) target(%dma_start3A_245 : memref<10000x16xf32, #tpu.memory_space<vmem_shared>>) offsets(%dma_start3A_242 : memref<80xi32, #tpu.memory_space<vmem>>) semaphore(%run_scoped3A_235 : memref<!tpu.dma_semaphore, #tpu.memory_space<semaphore_mem>>) {add = true}
        %dma_wait3A_246 = arith.constant 0 : i32
        %dma_wait3A_247 = arith.constant 0 : i32
        %dma_wait3A_248 = tpu.memref_slice %arg11[%run_scoped3A_200, %dma_wait3A_246, %dma_wait3A_247] : memref<5x80x16xf32, #tpu.memory_space<vmem>> -> memref<1x80x16xf32, #tpu.memory_space<vmem>>
        %dma_wait3A_249 = tpu.memref_squeeze %dma_wait3A_248 : memref<1x80x16xf32, #tpu.memory_space<vmem>> -> memref<80x16xf32, #tpu.memory_space<vmem>>
        %dma_wait3A_250 = arith.constant 0 : i32
        %dma_wait3A_251 = tpu.memref_slice %arg10[%add3A_184, %dma_wait3A_250] : memref<125x80xi32, #tpu.memory_space<vmem>> -> memref<1x80xi32, #tpu.memory_space<vmem>>
        %dma_wait3A_252 = tpu.memref_squeeze %dma_wait3A_251 : memref<1x80xi32, #tpu.memory_space<vmem>> -> memref<80xi32, #tpu.memory_space<vmem>>
        %dma_wait3A_253 = arith.constant 0 : i32
        %dma_wait3A_254 = arith.constant 0 : i32
        %dma_wait3A_255 = tpu.memref_slice %arg20[%dma_wait3A_253, %dma_wait3A_254] : memref<10000x16xf32, #tpu.memory_space<vmem_shared>> -> memref<10000x16xf32, #tpu.memory_space<vmem_shared>>
        tpu.wait_indirect_dma semaphore(%run_scoped3A_235 : memref<!tpu.dma_semaphore, #tpu.memory_space<semaphore_mem>>) src(%dma_wait3A_249 : memref<80x16xf32, #tpu.memory_space<vmem>>) dst(%dma_wait3A_255 : memref<10000x16xf32, #tpu.memory_space<vmem_shared>>)
        tpu.yield
      }) : () -> ()
      %add3A_201 = arith.constant 5 : i32
      %add3A_202 = arith.addi %add3A_184, %add3A_201 : i32
      %lt3A_203 = arith.constant 125 : i32
      %lt3A_204 = arith.cmpi slt, %add3A_202, %lt3A_203 : i32
      %convert_element_type3A_205 = arith.extui %lt3A_204 : i1 to i32
      %cond3A_206 = arith.constant 0 : i32
      %cond3A_207 = arith.cmpi ne, %convert_element_type3A_205, %cond3A_206 : i32
      scf.if %cond3A_207 {
        %dma_start3A_235 = arith.constant 3 : i32
        %dma_start3A_236 = arith.constant 3 : i32
        %dma_start3A_237 = arith.constant 0 : i32
        %dma_start3A_238 = arith.constant 0 : i32
        %dma_start3A_239 = tpu.memref_slice %arg11[%dma_start3A_235, %dma_start3A_237, %dma_start3A_238] : memref<5x80x16xf32, #tpu.memory_space<vmem>> -> memref<1x80x16xf32, #tpu.memory_space<vmem>>
        %dma_start3A_240 = tpu.memref_squeeze %dma_start3A_239 : memref<1x80x16xf32, #tpu.memory_space<vmem>> -> memref<80x16xf32, #tpu.memory_space<vmem>>
        %dma_start3A_241 = arith.constant 0 : i32
        %dma_start3A_242 = tpu.memref_slice %arg9[%add3A_202, %dma_start3A_241] : memref<125x80xi32, #tpu.memory_space<vmem>> -> memref<1x80xi32, #tpu.memory_space<vmem>>
        %dma_start3A_243 = tpu.memref_squeeze %dma_start3A_242 : memref<1x80xi32, #tpu.memory_space<vmem>> -> memref<80xi32, #tpu.memory_space<vmem>>
        %dma_start3A_244 = arith.constant 0 : i32
        %dma_start3A_245 = arith.constant 0 : i32
        %dma_start3A_246 = tpu.memref_slice %arg19[%dma_start3A_244, %dma_start3A_245] : memref<10000x16xf32, #tpu.memory_space<vmem_shared>> -> memref<10000x16xf32, #tpu.memory_space<vmem_shared>>
        %dma_start3A_247 = tpu.memref_slice %arg21[%dma_start3A_236] : memref<5x!tpu.dma_semaphore, #tpu.memory_space<semaphore_mem>> -> memref<1x!tpu.dma_semaphore, #tpu.memory_space<semaphore_mem>>
        %dma_start3A_248 = tpu.memref_squeeze %dma_start3A_247 : memref<1x!tpu.dma_semaphore, #tpu.memory_space<semaphore_mem>> -> memref<!tpu.dma_semaphore, #tpu.memory_space<semaphore_mem>>
        tpu.enqueue_indirect_dma source(%dma_start3A_246 : memref<10000x16xf32, #tpu.memory_space<vmem_shared>>) target(%dma_start3A_240 : memref<80x16xf32, #tpu.memory_space<vmem>>) offsets(%dma_start3A_243 : memref<80xi32, #tpu.memory_space<vmem>>) semaphore(%dma_start3A_248 : memref<!tpu.dma_semaphore, #tpu.memory_space<semaphore_mem>>)
      } else {
      }
      %mul3A_208 = arith.constant 5 : i32
      %mul3A_209 = arith.muli %add3A_103, %mul3A_208 : i32
      %add3A_210 = arith.constant 4 : i32
      %add3A_211 = arith.addi %mul3A_209, %add3A_210 : i32
      %dma_wait3A_212 = arith.constant 4 : i32
      %dma_wait3A_213 = arith.constant 4 : i32
      %dma_wait3A_214 = arith.constant 4 : i32
      %dma_wait3A_215 = arith.constant 0 : i32
      %dma_wait3A_216 = arith.constant 0 : i32
      %dma_wait3A_217 = tpu.memref_slice %arg11[%dma_wait3A_213, %dma_wait3A_215, %dma_wait3A_216] : memref<5x80x16xf32, #tpu.memory_space<vmem>> -> memref<1x80x16xf32, #tpu.memory_space<vmem>>
      %dma_wait3A_218 = tpu.memref_squeeze %dma_wait3A_217 : memref<1x80x16xf32, #tpu.memory_space<vmem>> -> memref<80x16xf32, #tpu.memory_space<vmem>>
      %dma_wait3A_219 = arith.constant 0 : i32
      %dma_wait3A_220 = tpu.memref_slice %arg9[%dma_wait3A_212, %dma_wait3A_219] : memref<125x80xi32, #tpu.memory_space<vmem>> -> memref<1x80xi32, #tpu.memory_space<vmem>>
      %dma_wait3A_221 = tpu.memref_squeeze %dma_wait3A_220 : memref<1x80xi32, #tpu.memory_space<vmem>> -> memref<80xi32, #tpu.memory_space<vmem>>
      %dma_wait3A_222 = arith.constant 0 : i32
      %dma_wait3A_223 = arith.constant 0 : i32
      %dma_wait3A_224 = tpu.memref_slice %arg19[%dma_wait3A_222, %dma_wait3A_223] : memref<10000x16xf32, #tpu.memory_space<vmem_shared>> -> memref<10000x16xf32, #tpu.memory_space<vmem_shared>>
      %dma_wait3A_225 = tpu.memref_slice %arg21[%dma_wait3A_214] : memref<5x!tpu.dma_semaphore, #tpu.memory_space<semaphore_mem>> -> memref<1x!tpu.dma_semaphore, #tpu.memory_space<semaphore_mem>>
      %dma_wait3A_226 = tpu.memref_squeeze %dma_wait3A_225 : memref<1x!tpu.dma_semaphore, #tpu.memory_space<semaphore_mem>> -> memref<!tpu.dma_semaphore, #tpu.memory_space<semaphore_mem>>
      tpu.wait_indirect_dma semaphore(%dma_wait3A_226 : memref<!tpu.dma_semaphore, #tpu.memory_space<semaphore_mem>>) src(%dma_wait3A_224 : memref<10000x16xf32, #tpu.memory_space<vmem_shared>>) dst(%dma_wait3A_218 : memref<80x16xf32, #tpu.memory_space<vmem>>)
      %run_scoped3A_227 = arith.constant 4 : i32
      "tpu.region"() ({
        %run_scoped3A_235 = tpu.sem_alloc : memref<!tpu.dma_semaphore, #tpu.memory_space<semaphore_mem>>
        %dma_start3A_236 = arith.constant 0 : i32
        %dma_start3A_237 = arith.constant 0 : i32
        %dma_start3A_238 = tpu.memref_slice %arg11[%run_scoped3A_227, %dma_start3A_236, %dma_start3A_237] : memref<5x80x16xf32, #tpu.memory_space<vmem>> -> memref<1x80x16xf32, #tpu.memory_space<vmem>>
        %dma_start3A_239 = tpu.memref_squeeze %dma_start3A_238 : memref<1x80x16xf32, #tpu.memory_space<vmem>> -> memref<80x16xf32, #tpu.memory_space<vmem>>
        %dma_start3A_240 = arith.constant 0 : i32
        %dma_start3A_241 = tpu.memref_slice %arg10[%add3A_211, %dma_start3A_240] : memref<125x80xi32, #tpu.memory_space<vmem>> -> memref<1x80xi32, #tpu.memory_space<vmem>>
        %dma_start3A_242 = tpu.memref_squeeze %dma_start3A_241 : memref<1x80xi32, #tpu.memory_space<vmem>> -> memref<80xi32, #tpu.memory_space<vmem>>
        %dma_start3A_243 = arith.constant 0 : i32
        %dma_start3A_244 = arith.constant 0 : i32
        %dma_start3A_245 = tpu.memref_slice %arg20[%dma_start3A_243, %dma_start3A_244] : memref<10000x16xf32, #tpu.memory_space<vmem_shared>> -> memref<10000x16xf32, #tpu.memory_space<vmem_shared>>
        tpu.enqueue_indirect_dma source(%dma_start3A_239 : memref<80x16xf32, #tpu.memory_space<vmem>>) target(%dma_start3A_245 : memref<10000x16xf32, #tpu.memory_space<vmem_shared>>) offsets(%dma_start3A_242 : memref<80xi32, #tpu.memory_space<vmem>>) semaphore(%run_scoped3A_235 : memref<!tpu.dma_semaphore, #tpu.memory_space<semaphore_mem>>) {add = true}
        %dma_wait3A_246 = arith.constant 0 : i32
        %dma_wait3A_247 = arith.constant 0 : i32
        %dma_wait3A_248 = tpu.memref_slice %arg11[%run_scoped3A_227, %dma_wait3A_246, %dma_wait3A_247] : memref<5x80x16xf32, #tpu.memory_space<vmem>> -> memref<1x80x16xf32, #tpu.memory_space<vmem>>
        %dma_wait3A_249 = tpu.memref_squeeze %dma_wait3A_248 : memref<1x80x16xf32, #tpu.memory_space<vmem>> -> memref<80x16xf32, #tpu.memory_space<vmem>>
        %dma_wait3A_250 = arith.constant 0 : i32
        %dma_wait3A_251 = tpu.memref_slice %arg10[%add3A_211, %dma_wait3A_250] : memref<125x80xi32, #tpu.memory_space<vmem>> -> memref<1x80xi32, #tpu.memory_space<vmem>>
        %dma_wait3A_252 = tpu.memref_squeeze %dma_wait3A_251 : memref<1x80xi32, #tpu.memory_space<vmem>> -> memref<80xi32, #tpu.memory_space<vmem>>
        %dma_wait3A_253 = arith.constant 0 : i32
        %dma_wait3A_254 = arith.constant 0 : i32
        %dma_wait3A_255 = tpu.memref_slice %arg20[%dma_wait3A_253, %dma_wait3A_254] : memref<10000x16xf32, #tpu.memory_space<vmem_shared>> -> memref<10000x16xf32, #tpu.memory_space<vmem_shared>>
        tpu.wait_indirect_dma semaphore(%run_scoped3A_235 : memref<!tpu.dma_semaphore, #tpu.memory_space<semaphore_mem>>) src(%dma_wait3A_249 : memref<80x16xf32, #tpu.memory_space<vmem>>) dst(%dma_wait3A_255 : memref<10000x16xf32, #tpu.memory_space<vmem_shared>>)
        tpu.yield
      }) : () -> ()
      %add3A_228 = arith.constant 5 : i32
      %add3A_229 = arith.addi %add3A_211, %add3A_228 : i32
      %lt3A_230 = arith.constant 125 : i32
      %lt3A_231 = arith.cmpi slt, %add3A_229, %lt3A_230 : i32
      %convert_element_type3A_232 = arith.extui %lt3A_231 : i1 to i32
      %cond3A_233 = arith.constant 0 : i32
      %cond3A_234 = arith.cmpi ne, %convert_element_type3A_232, %cond3A_233 : i32
      scf.if %cond3A_234 {
        %dma_start3A_235 = arith.constant 4 : i32
        %dma_start3A_236 = arith.constant 4 : i32
        %dma_start3A_237 = arith.constant 0 : i32
        %dma_start3A_238 = arith.constant 0 : i32
        %dma_start3A_239 = tpu.memref_slice %arg11[%dma_start3A_235, %dma_start3A_237, %dma_start3A_238] : memref<5x80x16xf32, #tpu.memory_space<vmem>> -> memref<1x80x16xf32, #tpu.memory_space<vmem>>
        %dma_start3A_240 = tpu.memref_squeeze %dma_start3A_239 : memref<1x80x16xf32, #tpu.memory_space<vmem>> -> memref<80x16xf32, #tpu.memory_space<vmem>>
        %dma_start3A_241 = arith.constant 0 : i32
        %dma_start3A_242 = tpu.memref_slice %arg9[%add3A_229, %dma_start3A_241] : memref<125x80xi32, #tpu.memory_space<vmem>> -> memref<1x80xi32, #tpu.memory_space<vmem>>
        %dma_start3A_243 = tpu.memref_squeeze %dma_start3A_242 : memref<1x80xi32, #tpu.memory_space<vmem>> -> memref<80xi32, #tpu.memory_space<vmem>>
        %dma_start3A_244 = arith.constant 0 : i32
        %dma_start3A_245 = arith.constant 0 : i32
        %dma_start3A_246 = tpu.memref_slice %arg19[%dma_start3A_244, %dma_start3A_245] : memref<10000x16xf32, #tpu.memory_space<vmem_shared>> -> memref<10000x16xf32, #tpu.memory_space<vmem_shared>>
        %dma_start3A_247 = tpu.memref_slice %arg21[%dma_start3A_236] : memref<5x!tpu.dma_semaphore, #tpu.memory_space<semaphore_mem>> -> memref<1x!tpu.dma_semaphore, #tpu.memory_space<semaphore_mem>>
        %dma_start3A_248 = tpu.memref_squeeze %dma_start3A_247 : memref<1x!tpu.dma_semaphore, #tpu.memory_space<semaphore_mem>> -> memref<!tpu.dma_semaphore, #tpu.memory_space<semaphore_mem>>
        tpu.enqueue_indirect_dma source(%dma_start3A_246 : memref<10000x16xf32, #tpu.memory_space<vmem_shared>>) target(%dma_start3A_240 : memref<80x16xf32, #tpu.memory_space<vmem>>) offsets(%dma_start3A_243 : memref<80xi32, #tpu.memory_space<vmem>>) semaphore(%dma_start3A_248 : memref<!tpu.dma_semaphore, #tpu.memory_space<semaphore_mem>>)
      } else {
      }
    }
    %scan3A_92 = arith.constant 25 : i32
    %barrier3A_93 = arith.constant 0 : index
    tpu.barrier barrier_id(%barrier3A_93)
    "tpu.region"() ({
      %run_scoped3A_99 = tpu.sem_alloc : memref<!tpu.dma_semaphore, #tpu.memory_space<semaphore_mem>>
      %dma_start3A_100 = arith.constant 0 : i32
      %dma_start3A_101 = tpu.memref_slice %arg20[%mul3A_2, %dma_start3A_100] : memref<10000x16xf32, #tpu.memory_space<vmem_shared>> -> memref<625x16xf32, #tpu.memory_space<vmem_shared>>
      %dma_start3A_102 = arith.constant 0 : i32
      %dma_start3A_103 = tpu.memref_slice %arg20[%mul3A_2, %dma_start3A_102] : memref<10000x16xf32, #tpu.memory_space<vmem_shared>> -> memref<625x16xf32, #tpu.memory_space<vmem_shared>>
      tpu.enqueue_dma source(%dma_start3A_103 : memref<625x16xf32, #tpu.memory_space<vmem_shared>>) target(%arg15 : memref<625x16xf32, #tpu.memory_space<vmem>>) target_semaphore(%run_scoped3A_99 : memref<!tpu.dma_semaphore, #tpu.memory_space<semaphore_mem>>)
      %dma_wait3A = arith.constant 0 : i32
      %dma_wait3A_104 = tpu.memref_slice %arg20[%mul3A_2, %dma_wait3A] : memref<10000x16xf32, #tpu.memory_space<vmem_shared>> -> memref<625x16xf32, #tpu.memory_space<vmem_shared>>
      %dma_wait3A_105 = arith.constant 0 : i32
      %dma_wait3A_106 = tpu.memref_slice %arg20[%mul3A_2, %dma_wait3A_105] : memref<10000x16xf32, #tpu.memory_space<vmem_shared>> -> memref<625x16xf32, #tpu.memory_space<vmem_shared>>
      tpu.wait_dma2 semaphore(%run_scoped3A_99 : memref<!tpu.dma_semaphore, #tpu.memory_space<semaphore_mem>>) src(%dma_wait3A_106 : memref<625x16xf32, #tpu.memory_space<vmem_shared>>) dst(%arg15 : memref<625x16xf32, #tpu.memory_space<vmem>>)
      tpu.yield
    }) : () -> ()
    %scan3A_94 = arith.constant 0 : i32
    %scan3A_95 = arith.constant 625 : i32
    %scan3A_96 = arith.addi %scan3A_94, %scan3A_95 : i32
    %scan3A_97 = arith.constant 1 : i32
    scf.for %scan3A_99 = %scan3A_94 to %scan3A_96 step %scan3A_97  : i32 {
      %mul3A_100 = arith.constant 1 : i32
      %mul3A_101 = arith.muli %scan3A_99, %mul3A_100 : i32
      %add3A_102 = arith.constant 0 : i32
      %add3A_103 = arith.addi %add3A_102, %mul3A_101 : i32
      %get3A_104 = arith.index_cast %add3A_103 : i32 to index
      %get3A_105 = arith.constant 0 : index
      %get3A_106 = tpu.vector_load %arg15[%get3A_104, %get3A_105] {strides = array<i32>} : memref<625x16xf32, #tpu.memory_space<vmem>>, vector<1x16xf32>,
      %get3A_107 = vector.shape_cast %get3A_106 : vector<1x16xf32> to vector<16xf32>
      %get3A_108 = arith.index_cast %add3A_103 : i32 to index
      %get3A_109 = arith.constant 0 : index
      %get3A_110 = tpu.vector_load %arg17[%get3A_108, %get3A_109] {strides = array<i32>} : memref<625x16xf32, #tpu.memory_space<vmem>>, vector<1x16xf32>,
      %get3A_111 = vector.shape_cast %get3A_110 : vector<1x16xf32> to vector<16xf32>
      %mul3A_112 = arith.mulf %get3A_107, %get3A_111 : vector<16xf32>
      %swap3A = arith.index_cast %add3A_103 : i32 to index
      %swap3A_113 = arith.constant 0 : index
      %swap3A_114 = tpu.vector_load %arg15[%swap3A, %swap3A_113] {strides = array<i32>} : memref<625x16xf32, #tpu.memory_space<vmem>>, vector<1x16xf32>,
      %swap3A_115 = vector.shape_cast %swap3A_114 : vector<1x16xf32> to vector<16xf32>
      %swap3A_116 = vector.shape_cast %mul3A_112 : vector<16xf32> to vector<1x16xf32>
      tpu.vector_store %arg15[%swap3A, %swap3A_113], %swap3A_116 {strides = array<i32>} : memref<625x16xf32, #tpu.memory_space<vmem>>, vector<1x16xf32>,
    }
    %scan3A_98 = arith.constant 625 : i32
    "tpu.region"() ({
      %run_scoped3A_99 = tpu.sem_alloc : memref<!tpu.dma_semaphore, #tpu.memory_space<semaphore_mem>>
      %dma_start3A_100 = arith.constant 0 : i32
      %dma_start3A_101 = tpu.memref_slice %arg8[%arg0, %mul3A_2, %dma_start3A_100] : memref<2x10000x16xf32, #tpu.memory_space<hbm>> -> memref<1x625x16xf32, #tpu.memory_space<hbm>>
      %dma_start3A_102 = tpu.memref_squeeze %dma_start3A_101 : memref<1x625x16xf32, #tpu.memory_space<hbm>> -> memref<625x16xf32, #tpu.memory_space<hbm>>
      %dma_start3A_103 = arith.constant 0 : i32
      %dma_start3A_104 = tpu.memref_slice %arg8[%arg0, %mul3A_2, %dma_start3A_103] : memref<2x10000x16xf32, #tpu.memory_space<hbm>> -> memref<1x625x16xf32, #tpu.memory_space<hbm>>
      %dma_start3A_105 = tpu.memref_squeeze %dma_start3A_104 : memref<1x625x16xf32, #tpu.memory_space<hbm>> -> memref<625x16xf32, #tpu.memory_space<hbm>>
      tpu.enqueue_dma source(%arg15 : memref<625x16xf32, #tpu.memory_space<vmem>>) target(%dma_start3A_105 : memref<625x16xf32, #tpu.memory_space<hbm>>) target_semaphore(%run_scoped3A_99 : memref<!tpu.dma_semaphore, #tpu.memory_space<semaphore_mem>>)
      %dma_wait3A = arith.constant 0 : i32
      %dma_wait3A_106 = tpu.memref_slice %arg8[%arg0, %mul3A_2, %dma_wait3A] : memref<2x10000x16xf32, #tpu.memory_space<hbm>> -> memref<1x625x16xf32, #tpu.memory_space<hbm>>
      %dma_wait3A_107 = tpu.memref_squeeze %dma_wait3A_106 : memref<1x625x16xf32, #tpu.memory_space<hbm>> -> memref<625x16xf32, #tpu.memory_space<hbm>>
      %dma_wait3A_108 = arith.constant 0 : i32
      %dma_wait3A_109 = tpu.memref_slice %arg8[%arg0, %mul3A_2, %dma_wait3A_108] : memref<2x10000x16xf32, #tpu.memory_space<hbm>> -> memref<1x625x16xf32, #tpu.memory_space<hbm>>
      %dma_wait3A_110 = tpu.memref_squeeze %dma_wait3A_109 : memref<1x625x16xf32, #tpu.memory_space<hbm>> -> memref<625x16xf32, #tpu.memory_space<hbm>>
      tpu.wait_dma2 semaphore(%run_scoped3A_99 : memref<!tpu.dma_semaphore, #tpu.memory_space<semaphore_mem>>) src(%arg15 : memref<625x16xf32, #tpu.memory_space<vmem>>) dst(%dma_wait3A_110 : memref<625x16xf32, #tpu.memory_space<hbm>>)
      tpu.yield
    }) : () -> ()
    return
  }
}

#map = affine_map<(d0, d1) -> (0, 0)>
#map1 = affine_map<(d0, d1) -> (0, 0, 0)>
module attributes {stable_mosaic.version = 14 : i64} {
  func.func @sc_pass1(%arg0: i32, %arg1: i32, %arg2: memref<10000x16xf32, #tpu.memory_space<hbm>>, %arg3: memref<4000x80xi32, #tpu.memory_space<hbm>>, %arg4: memref<4000x80xi32, #tpu.memory_space<hbm>>, %arg5: memref<625x16xf32, #tpu.memory_space<hbm>>, %arg6: memref<2x10000x16xf32, #tpu.memory_space<hbm>>, %arg7: memref<125x80xi32, #tpu.memory_space<vmem>>, %arg8: memref<125x80xi32, #tpu.memory_space<vmem>>, %arg9: memref<5x80x16xf32, #tpu.memory_space<vmem>>, %arg10: memref<10000x16xf32, #tpu.memory_space<vmem_shared>>, %arg11: memref<5x!tpu.dma_semaphore, #tpu.memory_space<semaphore_mem>>, %arg12: memref<5x!tpu.dma_semaphore, #tpu.memory_space<semaphore_mem>>) attributes {dimension_semantics = [#tpu.dimension_semantics<core_parallel>, #tpu.dimension_semantics<subcore_parallel>], iteration_bounds = array<i64: 2, 16>, scalar_prefetch = 0 : i64, scratch_operands = 6 : i64, tpu.core_type = #tpu.core_type<sc_vector_subcore>, window_params = [{transform_indices = #map}, {transform_indices = #map}, {transform_indices = #map}, {transform_indices = #map}, {transform_indices = #map1}]} {
    %mul3A = arith.constant 2 : i32
    %mul3A_0 = arith.muli %arg1, %mul3A : i32
    %add3A = arith.addi %mul3A_0, %arg0 : i32
    %mul3A_1 = arith.constant 625 : i32
    %mul3A_2 = arith.muli %arg1, %mul3A_1 : i32
    %mul3A_3 = arith.constant 125 : i32
    %mul3A_4 = arith.muli %add3A, %mul3A_3 : i32
    "tpu.region"() ({
      %run_scoped3A = tpu.sem_alloc : memref<!tpu.dma_semaphore, #tpu.memory_space<semaphore_mem>>
      %dma_start3A_84 = arith.constant 0 : i32
      %dma_start3A_85 = tpu.memref_slice %arg3[%mul3A_4, %dma_start3A_84] : memref<4000x80xi32, #tpu.memory_space<hbm>> -> memref<125x80xi32, #tpu.memory_space<hbm>>
      %dma_start3A_86 = arith.constant 0 : i32
      %dma_start3A_87 = tpu.memref_slice %arg3[%mul3A_4, %dma_start3A_86] : memref<4000x80xi32, #tpu.memory_space<hbm>> -> memref<125x80xi32, #tpu.memory_space<hbm>>
      tpu.enqueue_dma source(%dma_start3A_87 : memref<125x80xi32, #tpu.memory_space<hbm>>) target(%arg7 : memref<125x80xi32, #tpu.memory_space<vmem>>) target_semaphore(%run_scoped3A : memref<!tpu.dma_semaphore, #tpu.memory_space<semaphore_mem>>)
      %dma_wait3A = arith.constant 0 : i32
      %dma_wait3A_88 = tpu.memref_slice %arg3[%mul3A_4, %dma_wait3A] : memref<4000x80xi32, #tpu.memory_space<hbm>> -> memref<125x80xi32, #tpu.memory_space<hbm>>
      %dma_wait3A_89 = arith.constant 0 : i32
      %dma_wait3A_90 = tpu.memref_slice %arg3[%mul3A_4, %dma_wait3A_89] : memref<4000x80xi32, #tpu.memory_space<hbm>> -> memref<125x80xi32, #tpu.memory_space<hbm>>
      tpu.wait_dma2 semaphore(%run_scoped3A : memref<!tpu.dma_semaphore, #tpu.memory_space<semaphore_mem>>) src(%dma_wait3A_90 : memref<125x80xi32, #tpu.memory_space<hbm>>) dst(%arg7 : memref<125x80xi32, #tpu.memory_space<vmem>>)
      tpu.yield
    }) : () -> ()
    "tpu.region"() ({
      %run_scoped3A = tpu.sem_alloc : memref<!tpu.dma_semaphore, #tpu.memory_space<semaphore_mem>>
      %dma_start3A_84 = arith.constant 0 : i32
      %dma_start3A_85 = tpu.memref_slice %arg4[%mul3A_4, %dma_start3A_84] : memref<4000x80xi32, #tpu.memory_space<hbm>> -> memref<125x80xi32, #tpu.memory_space<hbm>>
      %dma_start3A_86 = arith.constant 0 : i32
      %dma_start3A_87 = tpu.memref_slice %arg4[%mul3A_4, %dma_start3A_86] : memref<4000x80xi32, #tpu.memory_space<hbm>> -> memref<125x80xi32, #tpu.memory_space<hbm>>
      tpu.enqueue_dma source(%dma_start3A_87 : memref<125x80xi32, #tpu.memory_space<hbm>>) target(%arg8 : memref<125x80xi32, #tpu.memory_space<vmem>>) target_semaphore(%run_scoped3A : memref<!tpu.dma_semaphore, #tpu.memory_space<semaphore_mem>>)
      %dma_wait3A = arith.constant 0 : i32
      %dma_wait3A_88 = tpu.memref_slice %arg4[%mul3A_4, %dma_wait3A] : memref<4000x80xi32, #tpu.memory_space<hbm>> -> memref<125x80xi32, #tpu.memory_space<hbm>>
      %dma_wait3A_89 = arith.constant 0 : i32
      %dma_wait3A_90 = tpu.memref_slice %arg4[%mul3A_4, %dma_wait3A_89] : memref<4000x80xi32, #tpu.memory_space<hbm>> -> memref<125x80xi32, #tpu.memory_space<hbm>>
      tpu.wait_dma2 semaphore(%run_scoped3A : memref<!tpu.dma_semaphore, #tpu.memory_space<semaphore_mem>>) src(%dma_wait3A_90 : memref<125x80xi32, #tpu.memory_space<hbm>>) dst(%arg8 : memref<125x80xi32, #tpu.memory_space<vmem>>)
      tpu.yield
    }) : () -> ()
    "tpu.region"() ({
      %run_scoped3A = tpu.sem_alloc : memref<!tpu.dma_semaphore, #tpu.memory_space<semaphore_mem>>
      %dma_start3A_84 = arith.constant 0 : i32
      %dma_start3A_85 = tpu.memref_slice %arg10[%mul3A_2, %dma_start3A_84] : memref<10000x16xf32, #tpu.memory_space<vmem_shared>> -> memref<625x16xf32, #tpu.memory_space<vmem_shared>>
      tpu.enqueue_dma source(%arg5 : memref<625x16xf32, #tpu.memory_space<hbm>>) target(%dma_start3A_85 : memref<625x16xf32, #tpu.memory_space<vmem_shared>>) target_semaphore(%run_scoped3A : memref<!tpu.dma_semaphore, #tpu.memory_space<semaphore_mem>>)
      %dma_wait3A = arith.constant 0 : i32
      %dma_wait3A_86 = tpu.memref_slice %arg10[%mul3A_2, %dma_wait3A] : memref<10000x16xf32, #tpu.memory_space<vmem_shared>> -> memref<625x16xf32, #tpu.memory_space<vmem_shared>>
      tpu.wait_dma2 semaphore(%run_scoped3A : memref<!tpu.dma_semaphore, #tpu.memory_space<semaphore_mem>>) src(%arg5 : memref<625x16xf32, #tpu.memory_space<hbm>>) dst(%dma_wait3A_86 : memref<625x16xf32, #tpu.memory_space<vmem_shared>>)
      tpu.yield
    }) : () -> ()
    %barrier3A = arith.constant 0 : index
    tpu.barrier barrier_id(%barrier3A)
    %dma_start3A = arith.constant 0 : i32
    %dma_start3A_5 = arith.constant 0 : i32
    %dma_start3A_6 = arith.constant 0 : i32
    %dma_start3A_7 = arith.constant 0 : i32
    %dma_start3A_8 = arith.constant 0 : i32
    %dma_start3A_9 = tpu.memref_slice %arg9[%dma_start3A_5, %dma_start3A_7, %dma_start3A_8] : memref<5x80x16xf32, #tpu.memory_space<vmem>> -> memref<1x80x16xf32, #tpu.memory_space<vmem>>
    %dma_start3A_10 = tpu.memref_squeeze %dma_start3A_9 : memref<1x80x16xf32, #tpu.memory_space<vmem>> -> memref<80x16xf32, #tpu.memory_space<vmem>>
    %dma_start3A_11 = arith.constant 0 : i32
    %dma_start3A_12 = tpu.memref_slice %arg7[%dma_start3A, %dma_start3A_11] : memref<125x80xi32, #tpu.memory_space<vmem>> -> memref<1x80xi32, #tpu.memory_space<vmem>>
    %dma_start3A_13 = tpu.memref_squeeze %dma_start3A_12 : memref<1x80xi32, #tpu.memory_space<vmem>> -> memref<80xi32, #tpu.memory_space<vmem>>
    %dma_start3A_14 = arith.constant 0 : i32
    %dma_start3A_15 = arith.constant 0 : i32
    %dma_start3A_16 = tpu.memref_slice %arg2[%dma_start3A_14, %dma_start3A_15] : memref<10000x16xf32, #tpu.memory_space<hbm>> -> memref<10000x16xf32, #tpu.memory_space<hbm>>
    %dma_start3A_17 = tpu.memref_slice %arg11[%dma_start3A_6] : memref<5x!tpu.dma_semaphore, #tpu.memory_space<semaphore_mem>> -> memref<1x!tpu.dma_semaphore, #tpu.memory_space<semaphore_mem>>
    %dma_start3A_18 = tpu.memref_squeeze %dma_start3A_17 : memref<1x!tpu.dma_semaphore, #tpu.memory_space<semaphore_mem>> -> memref<!tpu.dma_semaphore, #tpu.memory_space<semaphore_mem>>
    tpu.enqueue_indirect_dma source(%dma_start3A_16 : memref<10000x16xf32, #tpu.memory_space<hbm>>) target(%dma_start3A_10 : memref<80x16xf32, #tpu.memory_space<vmem>>) offsets(%dma_start3A_13 : memref<80xi32, #tpu.memory_space<vmem>>) semaphore(%dma_start3A_18 : memref<!tpu.dma_semaphore, #tpu.memory_space<semaphore_mem>>)
    %dma_start3A_19 = arith.constant 1 : i32
    %dma_start3A_20 = arith.constant 1 : i32
    %dma_start3A_21 = arith.constant 1 : i32
    %dma_start3A_22 = arith.constant 0 : i32
    %dma_start3A_23 = arith.constant 0 : i32
    %dma_start3A_24 = tpu.memref_slice %arg9[%dma_start3A_20, %dma_start3A_22, %dma_start3A_23] : memref<5x80x16xf32, #tpu.memory_space<vmem>> -> memref<1x80x16xf32, #tpu.memory_space<vmem>>
    %dma_start3A_25 = tpu.memref_squeeze %dma_start3A_24 : memref<1x80x16xf32, #tpu.memory_space<vmem>> -> memref<80x16xf32, #tpu.memory_space<vmem>>
    %dma_start3A_26 = arith.constant 0 : i32
    %dma_start3A_27 = tpu.memref_slice %arg7[%dma_start3A_19, %dma_start3A_26] : memref<125x80xi32, #tpu.memory_space<vmem>> -> memref<1x80xi32, #tpu.memory_space<vmem>>
    %dma_start3A_28 = tpu.memref_squeeze %dma_start3A_27 : memref<1x80xi32, #tpu.memory_space<vmem>> -> memref<80xi32, #tpu.memory_space<vmem>>
    %dma_start3A_29 = arith.constant 0 : i32
    %dma_start3A_30 = arith.constant 0 : i32
    %dma_start3A_31 = tpu.memref_slice %arg2[%dma_start3A_29, %dma_start3A_30] : memref<10000x16xf32, #tpu.memory_space<hbm>> -> memref<10000x16xf32, #tpu.memory_space<hbm>>
    %dma_start3A_32 = tpu.memref_slice %arg11[%dma_start3A_21] : memref<5x!tpu.dma_semaphore, #tpu.memory_space<semaphore_mem>> -> memref<1x!tpu.dma_semaphore, #tpu.memory_space<semaphore_mem>>
    %dma_start3A_33 = tpu.memref_squeeze %dma_start3A_32 : memref<1x!tpu.dma_semaphore, #tpu.memory_space<semaphore_mem>> -> memref<!tpu.dma_semaphore, #tpu.memory_space<semaphore_mem>>
    tpu.enqueue_indirect_dma source(%dma_start3A_31 : memref<10000x16xf32, #tpu.memory_space<hbm>>) target(%dma_start3A_25 : memref<80x16xf32, #tpu.memory_space<vmem>>) offsets(%dma_start3A_28 : memref<80xi32, #tpu.memory_space<vmem>>) semaphore(%dma_start3A_33 : memref<!tpu.dma_semaphore, #tpu.memory_space<semaphore_mem>>)
    %dma_start3A_34 = arith.constant 2 : i32
    %dma_start3A_35 = arith.constant 2 : i32
    %dma_start3A_36 = arith.constant 2 : i32
    %dma_start3A_37 = arith.constant 0 : i32
    %dma_start3A_38 = arith.constant 0 : i32
    %dma_start3A_39 = tpu.memref_slice %arg9[%dma_start3A_35, %dma_start3A_37, %dma_start3A_38] : memref<5x80x16xf32, #tpu.memory_space<vmem>> -> memref<1x80x16xf32, #tpu.memory_space<vmem>>
    %dma_start3A_40 = tpu.memref_squeeze %dma_start3A_39 : memref<1x80x16xf32, #tpu.memory_space<vmem>> -> memref<80x16xf32, #tpu.memory_space<vmem>>
    %dma_start3A_41 = arith.constant 0 : i32
    %dma_start3A_42 = tpu.memref_slice %arg7[%dma_start3A_34, %dma_start3A_41] : memref<125x80xi32, #tpu.memory_space<vmem>> -> memref<1x80xi32, #tpu.memory_space<vmem>>
    %dma_start3A_43 = tpu.memref_squeeze %dma_start3A_42 : memref<1x80xi32, #tpu.memory_space<vmem>> -> memref<80xi32, #tpu.memory_space<vmem>>
    %dma_start3A_44 = arith.constant 0 : i32
    %dma_start3A_45 = arith.constant 0 : i32
    %dma_start3A_46 = tpu.memref_slice %arg2[%dma_start3A_44, %dma_start3A_45] : memref<10000x16xf32, #tpu.memory_space<hbm>> -> memref<10000x16xf32, #tpu.memory_space<hbm>>
    %dma_start3A_47 = tpu.memref_slice %arg11[%dma_start3A_36] : memref<5x!tpu.dma_semaphore, #tpu.memory_space<semaphore_mem>> -> memref<1x!tpu.dma_semaphore, #tpu.memory_space<semaphore_mem>>
    %dma_start3A_48 = tpu.memref_squeeze %dma_start3A_47 : memref<1x!tpu.dma_semaphore, #tpu.memory_space<semaphore_mem>> -> memref<!tpu.dma_semaphore, #tpu.memory_space<semaphore_mem>>
    tpu.enqueue_indirect_dma source(%dma_start3A_46 : memref<10000x16xf32, #tpu.memory_space<hbm>>) target(%dma_start3A_40 : memref<80x16xf32, #tpu.memory_space<vmem>>) offsets(%dma_start3A_43 : memref<80xi32, #tpu.memory_space<vmem>>) semaphore(%dma_start3A_48 : memref<!tpu.dma_semaphore, #tpu.memory_space<semaphore_mem>>)
    %dma_start3A_49 = arith.constant 3 : i32
    %dma_start3A_50 = arith.constant 3 : i32
    %dma_start3A_51 = arith.constant 3 : i32
    %dma_start3A_52 = arith.constant 0 : i32
    %dma_start3A_53 = arith.constant 0 : i32
    %dma_start3A_54 = tpu.memref_slice %arg9[%dma_start3A_50, %dma_start3A_52, %dma_start3A_53] : memref<5x80x16xf32, #tpu.memory_space<vmem>> -> memref<1x80x16xf32, #tpu.memory_space<vmem>>
    %dma_start3A_55 = tpu.memref_squeeze %dma_start3A_54 : memref<1x80x16xf32, #tpu.memory_space<vmem>> -> memref<80x16xf32, #tpu.memory_space<vmem>>
    %dma_start3A_56 = arith.constant 0 : i32
    %dma_start3A_57 = tpu.memref_slice %arg7[%dma_start3A_49, %dma_start3A_56] : memref<125x80xi32, #tpu.memory_space<vmem>> -> memref<1x80xi32, #tpu.memory_space<vmem>>
    %dma_start3A_58 = tpu.memref_squeeze %dma_start3A_57 : memref<1x80xi32, #tpu.memory_space<vmem>> -> memref<80xi32, #tpu.memory_space<vmem>>
    %dma_start3A_59 = arith.constant 0 : i32
    %dma_start3A_60 = arith.constant 0 : i32
    %dma_start3A_61 = tpu.memref_slice %arg2[%dma_start3A_59, %dma_start3A_60] : memref<10000x16xf32, #tpu.memory_space<hbm>> -> memref<10000x16xf32, #tpu.memory_space<hbm>>
    %dma_start3A_62 = tpu.memref_slice %arg11[%dma_start3A_51] : memref<5x!tpu.dma_semaphore, #tpu.memory_space<semaphore_mem>> -> memref<1x!tpu.dma_semaphore, #tpu.memory_space<semaphore_mem>>
    %dma_start3A_63 = tpu.memref_squeeze %dma_start3A_62 : memref<1x!tpu.dma_semaphore, #tpu.memory_space<semaphore_mem>> -> memref<!tpu.dma_semaphore, #tpu.memory_space<semaphore_mem>>
    tpu.enqueue_indirect_dma source(%dma_start3A_61 : memref<10000x16xf32, #tpu.memory_space<hbm>>) target(%dma_start3A_55 : memref<80x16xf32, #tpu.memory_space<vmem>>) offsets(%dma_start3A_58 : memref<80xi32, #tpu.memory_space<vmem>>) semaphore(%dma_start3A_63 : memref<!tpu.dma_semaphore, #tpu.memory_space<semaphore_mem>>)
    %dma_start3A_64 = arith.constant 4 : i32
    %dma_start3A_65 = arith.constant 4 : i32
    %dma_start3A_66 = arith.constant 4 : i32
    %dma_start3A_67 = arith.constant 0 : i32
    %dma_start3A_68 = arith.constant 0 : i32
    %dma_start3A_69 = tpu.memref_slice %arg9[%dma_start3A_65, %dma_start3A_67, %dma_start3A_68] : memref<5x80x16xf32, #tpu.memory_space<vmem>> -> memref<1x80x16xf32, #tpu.memory_space<vmem>>
    %dma_start3A_70 = tpu.memref_squeeze %dma_start3A_69 : memref<1x80x16xf32, #tpu.memory_space<vmem>> -> memref<80x16xf32, #tpu.memory_space<vmem>>
    %dma_start3A_71 = arith.constant 0 : i32
    %dma_start3A_72 = tpu.memref_slice %arg7[%dma_start3A_64, %dma_start3A_71] : memref<125x80xi32, #tpu.memory_space<vmem>> -> memref<1x80xi32, #tpu.memory_space<vmem>>
    %dma_start3A_73 = tpu.memref_squeeze %dma_start3A_72 : memref<1x80xi32, #tpu.memory_space<vmem>> -> memref<80xi32, #tpu.memory_space<vmem>>
    %dma_start3A_74 = arith.constant 0 : i32
    %dma_start3A_75 = arith.constant 0 : i32
    %dma_start3A_76 = tpu.memref_slice %arg2[%dma_start3A_74, %dma_start3A_75] : memref<10000x16xf32, #tpu.memory_space<hbm>> -> memref<10000x16xf32, #tpu.memory_space<hbm>>
    %dma_start3A_77 = tpu.memref_slice %arg11[%dma_start3A_66] : memref<5x!tpu.dma_semaphore, #tpu.memory_space<semaphore_mem>> -> memref<1x!tpu.dma_semaphore, #tpu.memory_space<semaphore_mem>>
    %dma_start3A_78 = tpu.memref_squeeze %dma_start3A_77 : memref<1x!tpu.dma_semaphore, #tpu.memory_space<semaphore_mem>> -> memref<!tpu.dma_semaphore, #tpu.memory_space<semaphore_mem>>
    tpu.enqueue_indirect_dma source(%dma_start3A_76 : memref<10000x16xf32, #tpu.memory_space<hbm>>) target(%dma_start3A_70 : memref<80x16xf32, #tpu.memory_space<vmem>>) offsets(%dma_start3A_73 : memref<80xi32, #tpu.memory_space<vmem>>) semaphore(%dma_start3A_78 : memref<!tpu.dma_semaphore, #tpu.memory_space<semaphore_mem>>)
    %scan3A = arith.constant 0 : i32
    %scan3A_79 = arith.constant 25 : i32
    %scan3A_80 = arith.addi %scan3A, %scan3A_79 : i32
    %scan3A_81 = arith.constant 1 : i32
    scf.for %scan3A_84 = %scan3A to %scan3A_80 step %scan3A_81  : i32 {
      %mul3A_85 = arith.constant 1 : i32
      %mul3A_86 = arith.muli %scan3A_84, %mul3A_85 : i32
      %add3A_87 = arith.constant 0 : i32
      %add3A_88 = arith.addi %add3A_87, %mul3A_86 : i32
      %mul3A_89 = arith.constant 5 : i32
      %mul3A_90 = arith.muli %add3A_88, %mul3A_89 : i32
      %add3A_91 = arith.constant 0 : i32
      %add3A_92 = arith.addi %mul3A_90, %add3A_91 : i32
      %dma_wait3A = arith.constant 0 : i32
      %dma_wait3A_93 = arith.constant 0 : i32
      %dma_wait3A_94 = arith.constant 0 : i32
      %dma_wait3A_95 = arith.constant 0 : i32
      %dma_wait3A_96 = arith.constant 0 : i32
      %dma_wait3A_97 = tpu.memref_slice %arg9[%dma_wait3A_93, %dma_wait3A_95, %dma_wait3A_96] : memref<5x80x16xf32, #tpu.memory_space<vmem>> -> memref<1x80x16xf32, #tpu.memory_space<vmem>>
      %dma_wait3A_98 = tpu.memref_squeeze %dma_wait3A_97 : memref<1x80x16xf32, #tpu.memory_space<vmem>> -> memref<80x16xf32, #tpu.memory_space<vmem>>
      %dma_wait3A_99 = arith.constant 0 : i32
      %dma_wait3A_100 = tpu.memref_slice %arg7[%dma_wait3A, %dma_wait3A_99] : memref<125x80xi32, #tpu.memory_space<vmem>> -> memref<1x80xi32, #tpu.memory_space<vmem>>
      %dma_wait3A_101 = tpu.memref_squeeze %dma_wait3A_100 : memref<1x80xi32, #tpu.memory_space<vmem>> -> memref<80xi32, #tpu.memory_space<vmem>>
      %dma_wait3A_102 = arith.constant 0 : i32
      %dma_wait3A_103 = arith.constant 0 : i32
      %dma_wait3A_104 = tpu.memref_slice %arg2[%dma_wait3A_102, %dma_wait3A_103] : memref<10000x16xf32, #tpu.memory_space<hbm>> -> memref<10000x16xf32, #tpu.memory_space<hbm>>
      %dma_wait3A_105 = tpu.memref_slice %arg11[%dma_wait3A_94] : memref<5x!tpu.dma_semaphore, #tpu.memory_space<semaphore_mem>> -> memref<1x!tpu.dma_semaphore, #tpu.memory_space<semaphore_mem>>
      %dma_wait3A_106 = tpu.memref_squeeze %dma_wait3A_105 : memref<1x!tpu.dma_semaphore, #tpu.memory_space<semaphore_mem>> -> memref<!tpu.dma_semaphore, #tpu.memory_space<semaphore_mem>>
      tpu.wait_indirect_dma semaphore(%dma_wait3A_106 : memref<!tpu.dma_semaphore, #tpu.memory_space<semaphore_mem>>) src(%dma_wait3A_104 : memref<10000x16xf32, #tpu.memory_space<hbm>>) dst(%dma_wait3A_98 : memref<80x16xf32, #tpu.memory_space<vmem>>)
      %run_scoped3A = arith.constant 0 : i32
      "tpu.region"() ({
        %run_scoped3A_219 = tpu.sem_alloc : memref<!tpu.dma_semaphore, #tpu.memory_space<semaphore_mem>>
        %dma_start3A_220 = arith.constant 0 : i32
        %dma_start3A_221 = arith.constant 0 : i32
        %dma_start3A_222 = tpu.memref_slice %arg9[%run_scoped3A, %dma_start3A_220, %dma_start3A_221] : memref<5x80x16xf32, #tpu.memory_space<vmem>> -> memref<1x80x16xf32, #tpu.memory_space<vmem>>
        %dma_start3A_223 = tpu.memref_squeeze %dma_start3A_222 : memref<1x80x16xf32, #tpu.memory_space<vmem>> -> memref<80x16xf32, #tpu.memory_space<vmem>>
        %dma_start3A_224 = arith.constant 0 : i32
        %dma_start3A_225 = tpu.memref_slice %arg8[%add3A_92, %dma_start3A_224] : memref<125x80xi32, #tpu.memory_space<vmem>> -> memref<1x80xi32, #tpu.memory_space<vmem>>
        %dma_start3A_226 = tpu.memref_squeeze %dma_start3A_225 : memref<1x80xi32, #tpu.memory_space<vmem>> -> memref<80xi32, #tpu.memory_space<vmem>>
        %dma_start3A_227 = arith.constant 0 : i32
        %dma_start3A_228 = arith.constant 0 : i32
        %dma_start3A_229 = tpu.memref_slice %arg10[%dma_start3A_227, %dma_start3A_228] : memref<10000x16xf32, #tpu.memory_space<vmem_shared>> -> memref<10000x16xf32, #tpu.memory_space<vmem_shared>>
        tpu.enqueue_indirect_dma source(%dma_start3A_223 : memref<80x16xf32, #tpu.memory_space<vmem>>) target(%dma_start3A_229 : memref<10000x16xf32, #tpu.memory_space<vmem_shared>>) offsets(%dma_start3A_226 : memref<80xi32, #tpu.memory_space<vmem>>) semaphore(%run_scoped3A_219 : memref<!tpu.dma_semaphore, #tpu.memory_space<semaphore_mem>>) {add = true}
        %dma_wait3A_230 = arith.constant 0 : i32
        %dma_wait3A_231 = arith.constant 0 : i32
        %dma_wait3A_232 = tpu.memref_slice %arg9[%run_scoped3A, %dma_wait3A_230, %dma_wait3A_231] : memref<5x80x16xf32, #tpu.memory_space<vmem>> -> memref<1x80x16xf32, #tpu.memory_space<vmem>>
        %dma_wait3A_233 = tpu.memref_squeeze %dma_wait3A_232 : memref<1x80x16xf32, #tpu.memory_space<vmem>> -> memref<80x16xf32, #tpu.memory_space<vmem>>
        %dma_wait3A_234 = arith.constant 0 : i32
        %dma_wait3A_235 = tpu.memref_slice %arg8[%add3A_92, %dma_wait3A_234] : memref<125x80xi32, #tpu.memory_space<vmem>> -> memref<1x80xi32, #tpu.memory_space<vmem>>
        %dma_wait3A_236 = tpu.memref_squeeze %dma_wait3A_235 : memref<1x80xi32, #tpu.memory_space<vmem>> -> memref<80xi32, #tpu.memory_space<vmem>>
        %dma_wait3A_237 = arith.constant 0 : i32
        %dma_wait3A_238 = arith.constant 0 : i32
        %dma_wait3A_239 = tpu.memref_slice %arg10[%dma_wait3A_237, %dma_wait3A_238] : memref<10000x16xf32, #tpu.memory_space<vmem_shared>> -> memref<10000x16xf32, #tpu.memory_space<vmem_shared>>
        tpu.wait_indirect_dma semaphore(%run_scoped3A_219 : memref<!tpu.dma_semaphore, #tpu.memory_space<semaphore_mem>>) src(%dma_wait3A_233 : memref<80x16xf32, #tpu.memory_space<vmem>>) dst(%dma_wait3A_239 : memref<10000x16xf32, #tpu.memory_space<vmem_shared>>)
        tpu.yield
      }) : () -> ()
      %add3A_107 = arith.constant 5 : i32
      %add3A_108 = arith.addi %add3A_92, %add3A_107 : i32
      %lt3A = arith.constant 125 : i32
      %lt3A_109 = arith.cmpi slt, %add3A_108, %lt3A : i32
      %convert_element_type3A = arith.extui %lt3A_109 : i1 to i32
      %cond3A = arith.constant 0 : i32
      %cond3A_110 = arith.cmpi ne, %convert_element_type3A, %cond3A : i32
      scf.if %cond3A_110 {
        %dma_start3A_219 = arith.constant 0 : i32
        %dma_start3A_220 = arith.constant 0 : i32
        %dma_start3A_221 = arith.constant 0 : i32
        %dma_start3A_222 = arith.constant 0 : i32
        %dma_start3A_223 = tpu.memref_slice %arg9[%dma_start3A_219, %dma_start3A_221, %dma_start3A_222] : memref<5x80x16xf32, #tpu.memory_space<vmem>> -> memref<1x80x16xf32, #tpu.memory_space<vmem>>
        %dma_start3A_224 = tpu.memref_squeeze %dma_start3A_223 : memref<1x80x16xf32, #tpu.memory_space<vmem>> -> memref<80x16xf32, #tpu.memory_space<vmem>>
        %dma_start3A_225 = arith.constant 0 : i32
        %dma_start3A_226 = tpu.memref_slice %arg7[%add3A_108, %dma_start3A_225] : memref<125x80xi32, #tpu.memory_space<vmem>> -> memref<1x80xi32, #tpu.memory_space<vmem>>
        %dma_start3A_227 = tpu.memref_squeeze %dma_start3A_226 : memref<1x80xi32, #tpu.memory_space<vmem>> -> memref<80xi32, #tpu.memory_space<vmem>>
        %dma_start3A_228 = arith.constant 0 : i32
        %dma_start3A_229 = arith.constant 0 : i32
        %dma_start3A_230 = tpu.memref_slice %arg2[%dma_start3A_228, %dma_start3A_229] : memref<10000x16xf32, #tpu.memory_space<hbm>> -> memref<10000x16xf32, #tpu.memory_space<hbm>>
        %dma_start3A_231 = tpu.memref_slice %arg11[%dma_start3A_220] : memref<5x!tpu.dma_semaphore, #tpu.memory_space<semaphore_mem>> -> memref<1x!tpu.dma_semaphore, #tpu.memory_space<semaphore_mem>>
        %dma_start3A_232 = tpu.memref_squeeze %dma_start3A_231 : memref<1x!tpu.dma_semaphore, #tpu.memory_space<semaphore_mem>> -> memref<!tpu.dma_semaphore, #tpu.memory_space<semaphore_mem>>
        tpu.enqueue_indirect_dma source(%dma_start3A_230 : memref<10000x16xf32, #tpu.memory_space<hbm>>) target(%dma_start3A_224 : memref<80x16xf32, #tpu.memory_space<vmem>>) offsets(%dma_start3A_227 : memref<80xi32, #tpu.memory_space<vmem>>) semaphore(%dma_start3A_232 : memref<!tpu.dma_semaphore, #tpu.memory_space<semaphore_mem>>)
      } else {
      }
      %mul3A_111 = arith.constant 5 : i32
      %mul3A_112 = arith.muli %add3A_88, %mul3A_111 : i32
      %add3A_113 = arith.constant 1 : i32
      %add3A_114 = arith.addi %mul3A_112, %add3A_113 : i32
      %dma_wait3A_115 = arith.constant 1 : i32
      %dma_wait3A_116 = arith.constant 1 : i32
      %dma_wait3A_117 = arith.constant 1 : i32
      %dma_wait3A_118 = arith.constant 0 : i32
      %dma_wait3A_119 = arith.constant 0 : i32
      %dma_wait3A_120 = tpu.memref_slice %arg9[%dma_wait3A_116, %dma_wait3A_118, %dma_wait3A_119] : memref<5x80x16xf32, #tpu.memory_space<vmem>> -> memref<1x80x16xf32, #tpu.memory_space<vmem>>
      %dma_wait3A_121 = tpu.memref_squeeze %dma_wait3A_120 : memref<1x80x16xf32, #tpu.memory_space<vmem>> -> memref<80x16xf32, #tpu.memory_space<vmem>>
      %dma_wait3A_122 = arith.constant 0 : i32
      %dma_wait3A_123 = tpu.memref_slice %arg7[%dma_wait3A_115, %dma_wait3A_122] : memref<125x80xi32, #tpu.memory_space<vmem>> -> memref<1x80xi32, #tpu.memory_space<vmem>>
      %dma_wait3A_124 = tpu.memref_squeeze %dma_wait3A_123 : memref<1x80xi32, #tpu.memory_space<vmem>> -> memref<80xi32, #tpu.memory_space<vmem>>
      %dma_wait3A_125 = arith.constant 0 : i32
      %dma_wait3A_126 = arith.constant 0 : i32
      %dma_wait3A_127 = tpu.memref_slice %arg2[%dma_wait3A_125, %dma_wait3A_126] : memref<10000x16xf32, #tpu.memory_space<hbm>> -> memref<10000x16xf32, #tpu.memory_space<hbm>>
      %dma_wait3A_128 = tpu.memref_slice %arg11[%dma_wait3A_117] : memref<5x!tpu.dma_semaphore, #tpu.memory_space<semaphore_mem>> -> memref<1x!tpu.dma_semaphore, #tpu.memory_space<semaphore_mem>>
      %dma_wait3A_129 = tpu.memref_squeeze %dma_wait3A_128 : memref<1x!tpu.dma_semaphore, #tpu.memory_space<semaphore_mem>> -> memref<!tpu.dma_semaphore, #tpu.memory_space<semaphore_mem>>
      tpu.wait_indirect_dma semaphore(%dma_wait3A_129 : memref<!tpu.dma_semaphore, #tpu.memory_space<semaphore_mem>>) src(%dma_wait3A_127 : memref<10000x16xf32, #tpu.memory_space<hbm>>) dst(%dma_wait3A_121 : memref<80x16xf32, #tpu.memory_space<vmem>>)
      %run_scoped3A_130 = arith.constant 1 : i32
      "tpu.region"() ({
        %run_scoped3A_219 = tpu.sem_alloc : memref<!tpu.dma_semaphore, #tpu.memory_space<semaphore_mem>>
        %dma_start3A_220 = arith.constant 0 : i32
        %dma_start3A_221 = arith.constant 0 : i32
        %dma_start3A_222 = tpu.memref_slice %arg9[%run_scoped3A_130, %dma_start3A_220, %dma_start3A_221] : memref<5x80x16xf32, #tpu.memory_space<vmem>> -> memref<1x80x16xf32, #tpu.memory_space<vmem>>
        %dma_start3A_223 = tpu.memref_squeeze %dma_start3A_222 : memref<1x80x16xf32, #tpu.memory_space<vmem>> -> memref<80x16xf32, #tpu.memory_space<vmem>>
        %dma_start3A_224 = arith.constant 0 : i32
        %dma_start3A_225 = tpu.memref_slice %arg8[%add3A_114, %dma_start3A_224] : memref<125x80xi32, #tpu.memory_space<vmem>> -> memref<1x80xi32, #tpu.memory_space<vmem>>
        %dma_start3A_226 = tpu.memref_squeeze %dma_start3A_225 : memref<1x80xi32, #tpu.memory_space<vmem>> -> memref<80xi32, #tpu.memory_space<vmem>>
        %dma_start3A_227 = arith.constant 0 : i32
        %dma_start3A_228 = arith.constant 0 : i32
        %dma_start3A_229 = tpu.memref_slice %arg10[%dma_start3A_227, %dma_start3A_228] : memref<10000x16xf32, #tpu.memory_space<vmem_shared>> -> memref<10000x16xf32, #tpu.memory_space<vmem_shared>>
        tpu.enqueue_indirect_dma source(%dma_start3A_223 : memref<80x16xf32, #tpu.memory_space<vmem>>) target(%dma_start3A_229 : memref<10000x16xf32, #tpu.memory_space<vmem_shared>>) offsets(%dma_start3A_226 : memref<80xi32, #tpu.memory_space<vmem>>) semaphore(%run_scoped3A_219 : memref<!tpu.dma_semaphore, #tpu.memory_space<semaphore_mem>>) {add = true}
        %dma_wait3A_230 = arith.constant 0 : i32
        %dma_wait3A_231 = arith.constant 0 : i32
        %dma_wait3A_232 = tpu.memref_slice %arg9[%run_scoped3A_130, %dma_wait3A_230, %dma_wait3A_231] : memref<5x80x16xf32, #tpu.memory_space<vmem>> -> memref<1x80x16xf32, #tpu.memory_space<vmem>>
        %dma_wait3A_233 = tpu.memref_squeeze %dma_wait3A_232 : memref<1x80x16xf32, #tpu.memory_space<vmem>> -> memref<80x16xf32, #tpu.memory_space<vmem>>
        %dma_wait3A_234 = arith.constant 0 : i32
        %dma_wait3A_235 = tpu.memref_slice %arg8[%add3A_114, %dma_wait3A_234] : memref<125x80xi32, #tpu.memory_space<vmem>> -> memref<1x80xi32, #tpu.memory_space<vmem>>
        %dma_wait3A_236 = tpu.memref_squeeze %dma_wait3A_235 : memref<1x80xi32, #tpu.memory_space<vmem>> -> memref<80xi32, #tpu.memory_space<vmem>>
        %dma_wait3A_237 = arith.constant 0 : i32
        %dma_wait3A_238 = arith.constant 0 : i32
        %dma_wait3A_239 = tpu.memref_slice %arg10[%dma_wait3A_237, %dma_wait3A_238] : memref<10000x16xf32, #tpu.memory_space<vmem_shared>> -> memref<10000x16xf32, #tpu.memory_space<vmem_shared>>
        tpu.wait_indirect_dma semaphore(%run_scoped3A_219 : memref<!tpu.dma_semaphore, #tpu.memory_space<semaphore_mem>>) src(%dma_wait3A_233 : memref<80x16xf32, #tpu.memory_space<vmem>>) dst(%dma_wait3A_239 : memref<10000x16xf32, #tpu.memory_space<vmem_shared>>)
        tpu.yield
      }) : () -> ()
      %add3A_131 = arith.constant 5 : i32
      %add3A_132 = arith.addi %add3A_114, %add3A_131 : i32
      %lt3A_133 = arith.constant 125 : i32
      %lt3A_134 = arith.cmpi slt, %add3A_132, %lt3A_133 : i32
      %convert_element_type3A_135 = arith.extui %lt3A_134 : i1 to i32
      %cond3A_136 = arith.constant 0 : i32
      %cond3A_137 = arith.cmpi ne, %convert_element_type3A_135, %cond3A_136 : i32
      scf.if %cond3A_137 {
        %dma_start3A_219 = arith.constant 1 : i32
        %dma_start3A_220 = arith.constant 1 : i32
        %dma_start3A_221 = arith.constant 0 : i32
        %dma_start3A_222 = arith.constant 0 : i32
        %dma_start3A_223 = tpu.memref_slice %arg9[%dma_start3A_219, %dma_start3A_221, %dma_start3A_222] : memref<5x80x16xf32, #tpu.memory_space<vmem>> -> memref<1x80x16xf32, #tpu.memory_space<vmem>>
        %dma_start3A_224 = tpu.memref_squeeze %dma_start3A_223 : memref<1x80x16xf32, #tpu.memory_space<vmem>> -> memref<80x16xf32, #tpu.memory_space<vmem>>
        %dma_start3A_225 = arith.constant 0 : i32
        %dma_start3A_226 = tpu.memref_slice %arg7[%add3A_132, %dma_start3A_225] : memref<125x80xi32, #tpu.memory_space<vmem>> -> memref<1x80xi32, #tpu.memory_space<vmem>>
        %dma_start3A_227 = tpu.memref_squeeze %dma_start3A_226 : memref<1x80xi32, #tpu.memory_space<vmem>> -> memref<80xi32, #tpu.memory_space<vmem>>
        %dma_start3A_228 = arith.constant 0 : i32
        %dma_start3A_229 = arith.constant 0 : i32
        %dma_start3A_230 = tpu.memref_slice %arg2[%dma_start3A_228, %dma_start3A_229] : memref<10000x16xf32, #tpu.memory_space<hbm>> -> memref<10000x16xf32, #tpu.memory_space<hbm>>
        %dma_start3A_231 = tpu.memref_slice %arg11[%dma_start3A_220] : memref<5x!tpu.dma_semaphore, #tpu.memory_space<semaphore_mem>> -> memref<1x!tpu.dma_semaphore, #tpu.memory_space<semaphore_mem>>
        %dma_start3A_232 = tpu.memref_squeeze %dma_start3A_231 : memref<1x!tpu.dma_semaphore, #tpu.memory_space<semaphore_mem>> -> memref<!tpu.dma_semaphore, #tpu.memory_space<semaphore_mem>>
        tpu.enqueue_indirect_dma source(%dma_start3A_230 : memref<10000x16xf32, #tpu.memory_space<hbm>>) target(%dma_start3A_224 : memref<80x16xf32, #tpu.memory_space<vmem>>) offsets(%dma_start3A_227 : memref<80xi32, #tpu.memory_space<vmem>>) semaphore(%dma_start3A_232 : memref<!tpu.dma_semaphore, #tpu.memory_space<semaphore_mem>>)
      } else {
      }
      %mul3A_138 = arith.constant 5 : i32
      %mul3A_139 = arith.muli %add3A_88, %mul3A_138 : i32
      %add3A_140 = arith.constant 2 : i32
      %add3A_141 = arith.addi %mul3A_139, %add3A_140 : i32
      %dma_wait3A_142 = arith.constant 2 : i32
      %dma_wait3A_143 = arith.constant 2 : i32
      %dma_wait3A_144 = arith.constant 2 : i32
      %dma_wait3A_145 = arith.constant 0 : i32
      %dma_wait3A_146 = arith.constant 0 : i32
      %dma_wait3A_147 = tpu.memref_slice %arg9[%dma_wait3A_143, %dma_wait3A_145, %dma_wait3A_146] : memref<5x80x16xf32, #tpu.memory_space<vmem>> -> memref<1x80x16xf32, #tpu.memory_space<vmem>>
      %dma_wait3A_148 = tpu.memref_squeeze %dma_wait3A_147 : memref<1x80x16xf32, #tpu.memory_space<vmem>> -> memref<80x16xf32, #tpu.memory_space<vmem>>
      %dma_wait3A_149 = arith.constant 0 : i32
      %dma_wait3A_150 = tpu.memref_slice %arg7[%dma_wait3A_142, %dma_wait3A_149] : memref<125x80xi32, #tpu.memory_space<vmem>> -> memref<1x80xi32, #tpu.memory_space<vmem>>
      %dma_wait3A_151 = tpu.memref_squeeze %dma_wait3A_150 : memref<1x80xi32, #tpu.memory_space<vmem>> -> memref<80xi32, #tpu.memory_space<vmem>>
      %dma_wait3A_152 = arith.constant 0 : i32
      %dma_wait3A_153 = arith.constant 0 : i32
      %dma_wait3A_154 = tpu.memref_slice %arg2[%dma_wait3A_152, %dma_wait3A_153] : memref<10000x16xf32, #tpu.memory_space<hbm>> -> memref<10000x16xf32, #tpu.memory_space<hbm>>
      %dma_wait3A_155 = tpu.memref_slice %arg11[%dma_wait3A_144] : memref<5x!tpu.dma_semaphore, #tpu.memory_space<semaphore_mem>> -> memref<1x!tpu.dma_semaphore, #tpu.memory_space<semaphore_mem>>
      %dma_wait3A_156 = tpu.memref_squeeze %dma_wait3A_155 : memref<1x!tpu.dma_semaphore, #tpu.memory_space<semaphore_mem>> -> memref<!tpu.dma_semaphore, #tpu.memory_space<semaphore_mem>>
      tpu.wait_indirect_dma semaphore(%dma_wait3A_156 : memref<!tpu.dma_semaphore, #tpu.memory_space<semaphore_mem>>) src(%dma_wait3A_154 : memref<10000x16xf32, #tpu.memory_space<hbm>>) dst(%dma_wait3A_148 : memref<80x16xf32, #tpu.memory_space<vmem>>)
      %run_scoped3A_157 = arith.constant 2 : i32
      "tpu.region"() ({
        %run_scoped3A_219 = tpu.sem_alloc : memref<!tpu.dma_semaphore, #tpu.memory_space<semaphore_mem>>
        %dma_start3A_220 = arith.constant 0 : i32
        %dma_start3A_221 = arith.constant 0 : i32
        %dma_start3A_222 = tpu.memref_slice %arg9[%run_scoped3A_157, %dma_start3A_220, %dma_start3A_221] : memref<5x80x16xf32, #tpu.memory_space<vmem>> -> memref<1x80x16xf32, #tpu.memory_space<vmem>>
        %dma_start3A_223 = tpu.memref_squeeze %dma_start3A_222 : memref<1x80x16xf32, #tpu.memory_space<vmem>> -> memref<80x16xf32, #tpu.memory_space<vmem>>
        %dma_start3A_224 = arith.constant 0 : i32
        %dma_start3A_225 = tpu.memref_slice %arg8[%add3A_141, %dma_start3A_224] : memref<125x80xi32, #tpu.memory_space<vmem>> -> memref<1x80xi32, #tpu.memory_space<vmem>>
        %dma_start3A_226 = tpu.memref_squeeze %dma_start3A_225 : memref<1x80xi32, #tpu.memory_space<vmem>> -> memref<80xi32, #tpu.memory_space<vmem>>
        %dma_start3A_227 = arith.constant 0 : i32
        %dma_start3A_228 = arith.constant 0 : i32
        %dma_start3A_229 = tpu.memref_slice %arg10[%dma_start3A_227, %dma_start3A_228] : memref<10000x16xf32, #tpu.memory_space<vmem_shared>> -> memref<10000x16xf32, #tpu.memory_space<vmem_shared>>
        tpu.enqueue_indirect_dma source(%dma_start3A_223 : memref<80x16xf32, #tpu.memory_space<vmem>>) target(%dma_start3A_229 : memref<10000x16xf32, #tpu.memory_space<vmem_shared>>) offsets(%dma_start3A_226 : memref<80xi32, #tpu.memory_space<vmem>>) semaphore(%run_scoped3A_219 : memref<!tpu.dma_semaphore, #tpu.memory_space<semaphore_mem>>) {add = true}
        %dma_wait3A_230 = arith.constant 0 : i32
        %dma_wait3A_231 = arith.constant 0 : i32
        %dma_wait3A_232 = tpu.memref_slice %arg9[%run_scoped3A_157, %dma_wait3A_230, %dma_wait3A_231] : memref<5x80x16xf32, #tpu.memory_space<vmem>> -> memref<1x80x16xf32, #tpu.memory_space<vmem>>
        %dma_wait3A_233 = tpu.memref_squeeze %dma_wait3A_232 : memref<1x80x16xf32, #tpu.memory_space<vmem>> -> memref<80x16xf32, #tpu.memory_space<vmem>>
        %dma_wait3A_234 = arith.constant 0 : i32
        %dma_wait3A_235 = tpu.memref_slice %arg8[%add3A_141, %dma_wait3A_234] : memref<125x80xi32, #tpu.memory_space<vmem>> -> memref<1x80xi32, #tpu.memory_space<vmem>>
        %dma_wait3A_236 = tpu.memref_squeeze %dma_wait3A_235 : memref<1x80xi32, #tpu.memory_space<vmem>> -> memref<80xi32, #tpu.memory_space<vmem>>
        %dma_wait3A_237 = arith.constant 0 : i32
        %dma_wait3A_238 = arith.constant 0 : i32
        %dma_wait3A_239 = tpu.memref_slice %arg10[%dma_wait3A_237, %dma_wait3A_238] : memref<10000x16xf32, #tpu.memory_space<vmem_shared>> -> memref<10000x16xf32, #tpu.memory_space<vmem_shared>>
        tpu.wait_indirect_dma semaphore(%run_scoped3A_219 : memref<!tpu.dma_semaphore, #tpu.memory_space<semaphore_mem>>) src(%dma_wait3A_233 : memref<80x16xf32, #tpu.memory_space<vmem>>) dst(%dma_wait3A_239 : memref<10000x16xf32, #tpu.memory_space<vmem_shared>>)
        tpu.yield
      }) : () -> ()
      %add3A_158 = arith.constant 5 : i32
      %add3A_159 = arith.addi %add3A_141, %add3A_158 : i32
      %lt3A_160 = arith.constant 125 : i32
      %lt3A_161 = arith.cmpi slt, %add3A_159, %lt3A_160 : i32
      %convert_element_type3A_162 = arith.extui %lt3A_161 : i1 to i32
      %cond3A_163 = arith.constant 0 : i32
      %cond3A_164 = arith.cmpi ne, %convert_element_type3A_162, %cond3A_163 : i32
      scf.if %cond3A_164 {
        %dma_start3A_219 = arith.constant 2 : i32
        %dma_start3A_220 = arith.constant 2 : i32
        %dma_start3A_221 = arith.constant 0 : i32
        %dma_start3A_222 = arith.constant 0 : i32
        %dma_start3A_223 = tpu.memref_slice %arg9[%dma_start3A_219, %dma_start3A_221, %dma_start3A_222] : memref<5x80x16xf32, #tpu.memory_space<vmem>> -> memref<1x80x16xf32, #tpu.memory_space<vmem>>
        %dma_start3A_224 = tpu.memref_squeeze %dma_start3A_223 : memref<1x80x16xf32, #tpu.memory_space<vmem>> -> memref<80x16xf32, #tpu.memory_space<vmem>>
        %dma_start3A_225 = arith.constant 0 : i32
        %dma_start3A_226 = tpu.memref_slice %arg7[%add3A_159, %dma_start3A_225] : memref<125x80xi32, #tpu.memory_space<vmem>> -> memref<1x80xi32, #tpu.memory_space<vmem>>
        %dma_start3A_227 = tpu.memref_squeeze %dma_start3A_226 : memref<1x80xi32, #tpu.memory_space<vmem>> -> memref<80xi32, #tpu.memory_space<vmem>>
        %dma_start3A_228 = arith.constant 0 : i32
        %dma_start3A_229 = arith.constant 0 : i32
        %dma_start3A_230 = tpu.memref_slice %arg2[%dma_start3A_228, %dma_start3A_229] : memref<10000x16xf32, #tpu.memory_space<hbm>> -> memref<10000x16xf32, #tpu.memory_space<hbm>>
        %dma_start3A_231 = tpu.memref_slice %arg11[%dma_start3A_220] : memref<5x!tpu.dma_semaphore, #tpu.memory_space<semaphore_mem>> -> memref<1x!tpu.dma_semaphore, #tpu.memory_space<semaphore_mem>>
        %dma_start3A_232 = tpu.memref_squeeze %dma_start3A_231 : memref<1x!tpu.dma_semaphore, #tpu.memory_space<semaphore_mem>> -> memref<!tpu.dma_semaphore, #tpu.memory_space<semaphore_mem>>
        tpu.enqueue_indirect_dma source(%dma_start3A_230 : memref<10000x16xf32, #tpu.memory_space<hbm>>) target(%dma_start3A_224 : memref<80x16xf32, #tpu.memory_space<vmem>>) offsets(%dma_start3A_227 : memref<80xi32, #tpu.memory_space<vmem>>) semaphore(%dma_start3A_232 : memref<!tpu.dma_semaphore, #tpu.memory_space<semaphore_mem>>)
      } else {
      }
      %mul3A_165 = arith.constant 5 : i32
      %mul3A_166 = arith.muli %add3A_88, %mul3A_165 : i32
      %add3A_167 = arith.constant 3 : i32
      %add3A_168 = arith.addi %mul3A_166, %add3A_167 : i32
      %dma_wait3A_169 = arith.constant 3 : i32
      %dma_wait3A_170 = arith.constant 3 : i32
      %dma_wait3A_171 = arith.constant 3 : i32
      %dma_wait3A_172 = arith.constant 0 : i32
      %dma_wait3A_173 = arith.constant 0 : i32
      %dma_wait3A_174 = tpu.memref_slice %arg9[%dma_wait3A_170, %dma_wait3A_172, %dma_wait3A_173] : memref<5x80x16xf32, #tpu.memory_space<vmem>> -> memref<1x80x16xf32, #tpu.memory_space<vmem>>
      %dma_wait3A_175 = tpu.memref_squeeze %dma_wait3A_174 : memref<1x80x16xf32, #tpu.memory_space<vmem>> -> memref<80x16xf32, #tpu.memory_space<vmem>>
      %dma_wait3A_176 = arith.constant 0 : i32
      %dma_wait3A_177 = tpu.memref_slice %arg7[%dma_wait3A_169, %dma_wait3A_176] : memref<125x80xi32, #tpu.memory_space<vmem>> -> memref<1x80xi32, #tpu.memory_space<vmem>>
      %dma_wait3A_178 = tpu.memref_squeeze %dma_wait3A_177 : memref<1x80xi32, #tpu.memory_space<vmem>> -> memref<80xi32, #tpu.memory_space<vmem>>
      %dma_wait3A_179 = arith.constant 0 : i32
      %dma_wait3A_180 = arith.constant 0 : i32
      %dma_wait3A_181 = tpu.memref_slice %arg2[%dma_wait3A_179, %dma_wait3A_180] : memref<10000x16xf32, #tpu.memory_space<hbm>> -> memref<10000x16xf32, #tpu.memory_space<hbm>>
      %dma_wait3A_182 = tpu.memref_slice %arg11[%dma_wait3A_171] : memref<5x!tpu.dma_semaphore, #tpu.memory_space<semaphore_mem>> -> memref<1x!tpu.dma_semaphore, #tpu.memory_space<semaphore_mem>>
      %dma_wait3A_183 = tpu.memref_squeeze %dma_wait3A_182 : memref<1x!tpu.dma_semaphore, #tpu.memory_space<semaphore_mem>> -> memref<!tpu.dma_semaphore, #tpu.memory_space<semaphore_mem>>
      tpu.wait_indirect_dma semaphore(%dma_wait3A_183 : memref<!tpu.dma_semaphore, #tpu.memory_space<semaphore_mem>>) src(%dma_wait3A_181 : memref<10000x16xf32, #tpu.memory_space<hbm>>) dst(%dma_wait3A_175 : memref<80x16xf32, #tpu.memory_space<vmem>>)
      %run_scoped3A_184 = arith.constant 3 : i32
      "tpu.region"() ({
        %run_scoped3A_219 = tpu.sem_alloc : memref<!tpu.dma_semaphore, #tpu.memory_space<semaphore_mem>>
        %dma_start3A_220 = arith.constant 0 : i32
        %dma_start3A_221 = arith.constant 0 : i32
        %dma_start3A_222 = tpu.memref_slice %arg9[%run_scoped3A_184, %dma_start3A_220, %dma_start3A_221] : memref<5x80x16xf32, #tpu.memory_space<vmem>> -> memref<1x80x16xf32, #tpu.memory_space<vmem>>
        %dma_start3A_223 = tpu.memref_squeeze %dma_start3A_222 : memref<1x80x16xf32, #tpu.memory_space<vmem>> -> memref<80x16xf32, #tpu.memory_space<vmem>>
        %dma_start3A_224 = arith.constant 0 : i32
        %dma_start3A_225 = tpu.memref_slice %arg8[%add3A_168, %dma_start3A_224] : memref<125x80xi32, #tpu.memory_space<vmem>> -> memref<1x80xi32, #tpu.memory_space<vmem>>
        %dma_start3A_226 = tpu.memref_squeeze %dma_start3A_225 : memref<1x80xi32, #tpu.memory_space<vmem>> -> memref<80xi32, #tpu.memory_space<vmem>>
        %dma_start3A_227 = arith.constant 0 : i32
        %dma_start3A_228 = arith.constant 0 : i32
        %dma_start3A_229 = tpu.memref_slice %arg10[%dma_start3A_227, %dma_start3A_228] : memref<10000x16xf32, #tpu.memory_space<vmem_shared>> -> memref<10000x16xf32, #tpu.memory_space<vmem_shared>>
        tpu.enqueue_indirect_dma source(%dma_start3A_223 : memref<80x16xf32, #tpu.memory_space<vmem>>) target(%dma_start3A_229 : memref<10000x16xf32, #tpu.memory_space<vmem_shared>>) offsets(%dma_start3A_226 : memref<80xi32, #tpu.memory_space<vmem>>) semaphore(%run_scoped3A_219 : memref<!tpu.dma_semaphore, #tpu.memory_space<semaphore_mem>>) {add = true}
        %dma_wait3A_230 = arith.constant 0 : i32
        %dma_wait3A_231 = arith.constant 0 : i32
        %dma_wait3A_232 = tpu.memref_slice %arg9[%run_scoped3A_184, %dma_wait3A_230, %dma_wait3A_231] : memref<5x80x16xf32, #tpu.memory_space<vmem>> -> memref<1x80x16xf32, #tpu.memory_space<vmem>>
        %dma_wait3A_233 = tpu.memref_squeeze %dma_wait3A_232 : memref<1x80x16xf32, #tpu.memory_space<vmem>> -> memref<80x16xf32, #tpu.memory_space<vmem>>
        %dma_wait3A_234 = arith.constant 0 : i32
        %dma_wait3A_235 = tpu.memref_slice %arg8[%add3A_168, %dma_wait3A_234] : memref<125x80xi32, #tpu.memory_space<vmem>> -> memref<1x80xi32, #tpu.memory_space<vmem>>
        %dma_wait3A_236 = tpu.memref_squeeze %dma_wait3A_235 : memref<1x80xi32, #tpu.memory_space<vmem>> -> memref<80xi32, #tpu.memory_space<vmem>>
        %dma_wait3A_237 = arith.constant 0 : i32
        %dma_wait3A_238 = arith.constant 0 : i32
        %dma_wait3A_239 = tpu.memref_slice %arg10[%dma_wait3A_237, %dma_wait3A_238] : memref<10000x16xf32, #tpu.memory_space<vmem_shared>> -> memref<10000x16xf32, #tpu.memory_space<vmem_shared>>
        tpu.wait_indirect_dma semaphore(%run_scoped3A_219 : memref<!tpu.dma_semaphore, #tpu.memory_space<semaphore_mem>>) src(%dma_wait3A_233 : memref<80x16xf32, #tpu.memory_space<vmem>>) dst(%dma_wait3A_239 : memref<10000x16xf32, #tpu.memory_space<vmem_shared>>)
        tpu.yield
      }) : () -> ()
      %add3A_185 = arith.constant 5 : i32
      %add3A_186 = arith.addi %add3A_168, %add3A_185 : i32
      %lt3A_187 = arith.constant 125 : i32
      %lt3A_188 = arith.cmpi slt, %add3A_186, %lt3A_187 : i32
      %convert_element_type3A_189 = arith.extui %lt3A_188 : i1 to i32
      %cond3A_190 = arith.constant 0 : i32
      %cond3A_191 = arith.cmpi ne, %convert_element_type3A_189, %cond3A_190 : i32
      scf.if %cond3A_191 {
        %dma_start3A_219 = arith.constant 3 : i32
        %dma_start3A_220 = arith.constant 3 : i32
        %dma_start3A_221 = arith.constant 0 : i32
        %dma_start3A_222 = arith.constant 0 : i32
        %dma_start3A_223 = tpu.memref_slice %arg9[%dma_start3A_219, %dma_start3A_221, %dma_start3A_222] : memref<5x80x16xf32, #tpu.memory_space<vmem>> -> memref<1x80x16xf32, #tpu.memory_space<vmem>>
        %dma_start3A_224 = tpu.memref_squeeze %dma_start3A_223 : memref<1x80x16xf32, #tpu.memory_space<vmem>> -> memref<80x16xf32, #tpu.memory_space<vmem>>
        %dma_start3A_225 = arith.constant 0 : i32
        %dma_start3A_226 = tpu.memref_slice %arg7[%add3A_186, %dma_start3A_225] : memref<125x80xi32, #tpu.memory_space<vmem>> -> memref<1x80xi32, #tpu.memory_space<vmem>>
        %dma_start3A_227 = tpu.memref_squeeze %dma_start3A_226 : memref<1x80xi32, #tpu.memory_space<vmem>> -> memref<80xi32, #tpu.memory_space<vmem>>
        %dma_start3A_228 = arith.constant 0 : i32
        %dma_start3A_229 = arith.constant 0 : i32
        %dma_start3A_230 = tpu.memref_slice %arg2[%dma_start3A_228, %dma_start3A_229] : memref<10000x16xf32, #tpu.memory_space<hbm>> -> memref<10000x16xf32, #tpu.memory_space<hbm>>
        %dma_start3A_231 = tpu.memref_slice %arg11[%dma_start3A_220] : memref<5x!tpu.dma_semaphore, #tpu.memory_space<semaphore_mem>> -> memref<1x!tpu.dma_semaphore, #tpu.memory_space<semaphore_mem>>
        %dma_start3A_232 = tpu.memref_squeeze %dma_start3A_231 : memref<1x!tpu.dma_semaphore, #tpu.memory_space<semaphore_mem>> -> memref<!tpu.dma_semaphore, #tpu.memory_space<semaphore_mem>>
        tpu.enqueue_indirect_dma source(%dma_start3A_230 : memref<10000x16xf32, #tpu.memory_space<hbm>>) target(%dma_start3A_224 : memref<80x16xf32, #tpu.memory_space<vmem>>) offsets(%dma_start3A_227 : memref<80xi32, #tpu.memory_space<vmem>>) semaphore(%dma_start3A_232 : memref<!tpu.dma_semaphore, #tpu.memory_space<semaphore_mem>>)
      } else {
      }
      %mul3A_192 = arith.constant 5 : i32
      %mul3A_193 = arith.muli %add3A_88, %mul3A_192 : i32
      %add3A_194 = arith.constant 4 : i32
      %add3A_195 = arith.addi %mul3A_193, %add3A_194 : i32
      %dma_wait3A_196 = arith.constant 4 : i32
      %dma_wait3A_197 = arith.constant 4 : i32
      %dma_wait3A_198 = arith.constant 4 : i32
      %dma_wait3A_199 = arith.constant 0 : i32
      %dma_wait3A_200 = arith.constant 0 : i32
      %dma_wait3A_201 = tpu.memref_slice %arg9[%dma_wait3A_197, %dma_wait3A_199, %dma_wait3A_200] : memref<5x80x16xf32, #tpu.memory_space<vmem>> -> memref<1x80x16xf32, #tpu.memory_space<vmem>>
      %dma_wait3A_202 = tpu.memref_squeeze %dma_wait3A_201 : memref<1x80x16xf32, #tpu.memory_space<vmem>> -> memref<80x16xf32, #tpu.memory_space<vmem>>
      %dma_wait3A_203 = arith.constant 0 : i32
      %dma_wait3A_204 = tpu.memref_slice %arg7[%dma_wait3A_196, %dma_wait3A_203] : memref<125x80xi32, #tpu.memory_space<vmem>> -> memref<1x80xi32, #tpu.memory_space<vmem>>
      %dma_wait3A_205 = tpu.memref_squeeze %dma_wait3A_204 : memref<1x80xi32, #tpu.memory_space<vmem>> -> memref<80xi32, #tpu.memory_space<vmem>>
      %dma_wait3A_206 = arith.constant 0 : i32
      %dma_wait3A_207 = arith.constant 0 : i32
      %dma_wait3A_208 = tpu.memref_slice %arg2[%dma_wait3A_206, %dma_wait3A_207] : memref<10000x16xf32, #tpu.memory_space<hbm>> -> memref<10000x16xf32, #tpu.memory_space<hbm>>
      %dma_wait3A_209 = tpu.memref_slice %arg11[%dma_wait3A_198] : memref<5x!tpu.dma_semaphore, #tpu.memory_space<semaphore_mem>> -> memref<1x!tpu.dma_semaphore, #tpu.memory_space<semaphore_mem>>
      %dma_wait3A_210 = tpu.memref_squeeze %dma_wait3A_209 : memref<1x!tpu.dma_semaphore, #tpu.memory_space<semaphore_mem>> -> memref<!tpu.dma_semaphore, #tpu.memory_space<semaphore_mem>>
      tpu.wait_indirect_dma semaphore(%dma_wait3A_210 : memref<!tpu.dma_semaphore, #tpu.memory_space<semaphore_mem>>) src(%dma_wait3A_208 : memref<10000x16xf32, #tpu.memory_space<hbm>>) dst(%dma_wait3A_202 : memref<80x16xf32, #tpu.memory_space<vmem>>)
      %run_scoped3A_211 = arith.constant 4 : i32
      "tpu.region"() ({
        %run_scoped3A_219 = tpu.sem_alloc : memref<!tpu.dma_semaphore, #tpu.memory_space<semaphore_mem>>
        %dma_start3A_220 = arith.constant 0 : i32
        %dma_start3A_221 = arith.constant 0 : i32
        %dma_start3A_222 = tpu.memref_slice %arg9[%run_scoped3A_211, %dma_start3A_220, %dma_start3A_221] : memref<5x80x16xf32, #tpu.memory_space<vmem>> -> memref<1x80x16xf32, #tpu.memory_space<vmem>>
        %dma_start3A_223 = tpu.memref_squeeze %dma_start3A_222 : memref<1x80x16xf32, #tpu.memory_space<vmem>> -> memref<80x16xf32, #tpu.memory_space<vmem>>
        %dma_start3A_224 = arith.constant 0 : i32
        %dma_start3A_225 = tpu.memref_slice %arg8[%add3A_195, %dma_start3A_224] : memref<125x80xi32, #tpu.memory_space<vmem>> -> memref<1x80xi32, #tpu.memory_space<vmem>>
        %dma_start3A_226 = tpu.memref_squeeze %dma_start3A_225 : memref<1x80xi32, #tpu.memory_space<vmem>> -> memref<80xi32, #tpu.memory_space<vmem>>
        %dma_start3A_227 = arith.constant 0 : i32
        %dma_start3A_228 = arith.constant 0 : i32
        %dma_start3A_229 = tpu.memref_slice %arg10[%dma_start3A_227, %dma_start3A_228] : memref<10000x16xf32, #tpu.memory_space<vmem_shared>> -> memref<10000x16xf32, #tpu.memory_space<vmem_shared>>
        tpu.enqueue_indirect_dma source(%dma_start3A_223 : memref<80x16xf32, #tpu.memory_space<vmem>>) target(%dma_start3A_229 : memref<10000x16xf32, #tpu.memory_space<vmem_shared>>) offsets(%dma_start3A_226 : memref<80xi32, #tpu.memory_space<vmem>>) semaphore(%run_scoped3A_219 : memref<!tpu.dma_semaphore, #tpu.memory_space<semaphore_mem>>) {add = true}
        %dma_wait3A_230 = arith.constant 0 : i32
        %dma_wait3A_231 = arith.constant 0 : i32
        %dma_wait3A_232 = tpu.memref_slice %arg9[%run_scoped3A_211, %dma_wait3A_230, %dma_wait3A_231] : memref<5x80x16xf32, #tpu.memory_space<vmem>> -> memref<1x80x16xf32, #tpu.memory_space<vmem>>
        %dma_wait3A_233 = tpu.memref_squeeze %dma_wait3A_232 : memref<1x80x16xf32, #tpu.memory_space<vmem>> -> memref<80x16xf32, #tpu.memory_space<vmem>>
        %dma_wait3A_234 = arith.constant 0 : i32
        %dma_wait3A_235 = tpu.memref_slice %arg8[%add3A_195, %dma_wait3A_234] : memref<125x80xi32, #tpu.memory_space<vmem>> -> memref<1x80xi32, #tpu.memory_space<vmem>>
        %dma_wait3A_236 = tpu.memref_squeeze %dma_wait3A_235 : memref<1x80xi32, #tpu.memory_space<vmem>> -> memref<80xi32, #tpu.memory_space<vmem>>
        %dma_wait3A_237 = arith.constant 0 : i32
        %dma_wait3A_238 = arith.constant 0 : i32
        %dma_wait3A_239 = tpu.memref_slice %arg10[%dma_wait3A_237, %dma_wait3A_238] : memref<10000x16xf32, #tpu.memory_space<vmem_shared>> -> memref<10000x16xf32, #tpu.memory_space<vmem_shared>>
        tpu.wait_indirect_dma semaphore(%run_scoped3A_219 : memref<!tpu.dma_semaphore, #tpu.memory_space<semaphore_mem>>) src(%dma_wait3A_233 : memref<80x16xf32, #tpu.memory_space<vmem>>) dst(%dma_wait3A_239 : memref<10000x16xf32, #tpu.memory_space<vmem_shared>>)
        tpu.yield
      }) : () -> ()
      %add3A_212 = arith.constant 5 : i32
      %add3A_213 = arith.addi %add3A_195, %add3A_212 : i32
      %lt3A_214 = arith.constant 125 : i32
      %lt3A_215 = arith.cmpi slt, %add3A_213, %lt3A_214 : i32
      %convert_element_type3A_216 = arith.extui %lt3A_215 : i1 to i32
      %cond3A_217 = arith.constant 0 : i32
      %cond3A_218 = arith.cmpi ne, %convert_element_type3A_216, %cond3A_217 : i32
      scf.if %cond3A_218 {
        %dma_start3A_219 = arith.constant 4 : i32
        %dma_start3A_220 = arith.constant 4 : i32
        %dma_start3A_221 = arith.constant 0 : i32
        %dma_start3A_222 = arith.constant 0 : i32
        %dma_start3A_223 = tpu.memref_slice %arg9[%dma_start3A_219, %dma_start3A_221, %dma_start3A_222] : memref<5x80x16xf32, #tpu.memory_space<vmem>> -> memref<1x80x16xf32, #tpu.memory_space<vmem>>
        %dma_start3A_224 = tpu.memref_squeeze %dma_start3A_223 : memref<1x80x16xf32, #tpu.memory_space<vmem>> -> memref<80x16xf32, #tpu.memory_space<vmem>>
        %dma_start3A_225 = arith.constant 0 : i32
        %dma_start3A_226 = tpu.memref_slice %arg7[%add3A_213, %dma_start3A_225] : memref<125x80xi32, #tpu.memory_space<vmem>> -> memref<1x80xi32, #tpu.memory_space<vmem>>
        %dma_start3A_227 = tpu.memref_squeeze %dma_start3A_226 : memref<1x80xi32, #tpu.memory_space<vmem>> -> memref<80xi32, #tpu.memory_space<vmem>>
        %dma_start3A_228 = arith.constant 0 : i32
        %dma_start3A_229 = arith.constant 0 : i32
        %dma_start3A_230 = tpu.memref_slice %arg2[%dma_start3A_228, %dma_start3A_229] : memref<10000x16xf32, #tpu.memory_space<hbm>> -> memref<10000x16xf32, #tpu.memory_space<hbm>>
        %dma_start3A_231 = tpu.memref_slice %arg11[%dma_start3A_220] : memref<5x!tpu.dma_semaphore, #tpu.memory_space<semaphore_mem>> -> memref<1x!tpu.dma_semaphore, #tpu.memory_space<semaphore_mem>>
        %dma_start3A_232 = tpu.memref_squeeze %dma_start3A_231 : memref<1x!tpu.dma_semaphore, #tpu.memory_space<semaphore_mem>> -> memref<!tpu.dma_semaphore, #tpu.memory_space<semaphore_mem>>
        tpu.enqueue_indirect_dma source(%dma_start3A_230 : memref<10000x16xf32, #tpu.memory_space<hbm>>) target(%dma_start3A_224 : memref<80x16xf32, #tpu.memory_space<vmem>>) offsets(%dma_start3A_227 : memref<80xi32, #tpu.memory_space<vmem>>) semaphore(%dma_start3A_232 : memref<!tpu.dma_semaphore, #tpu.memory_space<semaphore_mem>>)
      } else {
      }
    }
    %scan3A_82 = arith.constant 25 : i32
    %barrier3A_83 = arith.constant 0 : index
    tpu.barrier barrier_id(%barrier3A_83)
    "tpu.region"() ({
      %run_scoped3A = tpu.sem_alloc : memref<!tpu.dma_semaphore, #tpu.memory_space<semaphore_mem>>
      %dma_start3A_84 = arith.constant 0 : i32
      %dma_start3A_85 = tpu.memref_slice %arg6[%arg0, %mul3A_2, %dma_start3A_84] : memref<2x10000x16xf32, #tpu.memory_space<hbm>> -> memref<1x625x16xf32, #tpu.memory_space<hbm>>
      %dma_start3A_86 = tpu.memref_squeeze %dma_start3A_85 : memref<1x625x16xf32, #tpu.memory_space<hbm>> -> memref<625x16xf32, #tpu.memory_space<hbm>>
      %dma_start3A_87 = arith.constant 0 : i32
      %dma_start3A_88 = tpu.memref_slice %arg10[%mul3A_2, %dma_start3A_87] : memref<10000x16xf32, #tpu.memory_space<vmem_shared>> -> memref<625x16xf32, #tpu.memory_space<vmem_shared>>
      tpu.enqueue_dma source(%dma_start3A_88 : memref<625x16xf32, #tpu.memory_space<vmem_shared>>) target(%dma_start3A_86 : memref<625x16xf32, #tpu.memory_space<hbm>>) target_semaphore(%run_scoped3A : memref<!tpu.dma_semaphore, #tpu.memory_space<semaphore_mem>>)
      %dma_wait3A = arith.constant 0 : i32
      %dma_wait3A_89 = tpu.memref_slice %arg6[%arg0, %mul3A_2, %dma_wait3A] : memref<2x10000x16xf32, #tpu.memory_space<hbm>> -> memref<1x625x16xf32, #tpu.memory_space<hbm>>
      %dma_wait3A_90 = tpu.memref_squeeze %dma_wait3A_89 : memref<1x625x16xf32, #tpu.memory_space<hbm>> -> memref<625x16xf32, #tpu.memory_space<hbm>>
      %dma_wait3A_91 = arith.constant 0 : i32
      %dma_wait3A_92 = tpu.memref_slice %arg10[%mul3A_2, %dma_wait3A_91] : memref<10000x16xf32, #tpu.memory_space<vmem_shared>> -> memref<625x16xf32, #tpu.memory_space<vmem_shared>>
      tpu.wait_dma2 semaphore(%run_scoped3A : memref<!tpu.dma_semaphore, #tpu.memory_space<semaphore_mem>>) src(%dma_wait3A_92 : memref<625x16xf32, #tpu.memory_space<vmem_shared>>) dst(%dma_wait3A_90 : memref<625x16xf32, #tpu.memory_space<hbm>>)
      tpu.yield
    }) : () -> ()
    return
  }
}

module attributes {stable_mosaic.version = 14 : i64} {
  func.func @_mm1_body(%arg0: i32, %arg1: memref<1000x128xf32, #tpu.memory_space<vmem>>, %arg2: memref<128x16xf32, #tpu.memory_space<vmem>>, %arg3: memref<1000x16xf32, #tpu.memory_space<vmem>>) attributes {dimension_semantics = [#tpu.dimension_semantics<arbitrary>], iteration_bounds = array<i64: 10>, scalar_prefetch = 0 : i64, scratch_operands = 0 : i64, tpu.core_type = #tpu.core_type<tc>, window_params = [{transform_indices = @transform_0, window_bounds = array<i64: 1000, 128>}, {pipeline_mode = #tpu.pipeline_mode<synchronous>, transform_indices = @transform_1, window_bounds = array<i64: 128, 16>}, {transform_indices = @transform_2, window_bounds = array<i64: 1000, 16>}]} {
    %get3A = arith.constant 0 : index
    %get3A_0 = arith.constant 0 : index
    %get3A_1 = vector.load %arg1[%get3A, %get3A_0] : memref<1000x128xf32, #tpu.memory_space<vmem>>, vector<1000x128xf32>
    %get3A_2 = arith.constant 0 : index
    %get3A_3 = arith.constant 0 : index
    %get3A_4 = vector.load %arg2[%get3A_2, %get3A_3] : memref<128x16xf32, #tpu.memory_space<vmem>>, vector<128x16xf32>
    %dot_general3A = arith.constant dense<0.000000e+00> : vector<1000x16xf32>
    %dot_general3A_5 = tpu.matmul %get3A_1, %get3A_4, %dot_general3A {dimension_numbers = #tpu.dot_dimension_numbers<[1], [0], [0], [1], [0, 0, 1, 1], [], []>, transpose_lhs_hint = false} : vector<1000x128xf32>, vector<128x16xf32>, vector<1000x16xf32> -> vector<1000x16xf32>
    %swap3A = arith.constant 0 : index
    %swap3A_6 = arith.constant 0 : index
    %swap3A_7 = vector.load %arg3[%swap3A, %swap3A_6] : memref<1000x16xf32, #tpu.memory_space<vmem>>, vector<1000x16xf32>
    tpu.vector_store %arg3[%swap3A, %swap3A_6], %dot_general3A_5 {strides = array<i32>} : memref<1000x16xf32, #tpu.memory_space<vmem>>, vector<1000x16xf32>,
    return
  }
  func.func @transform_0(%arg0: i32) -> (i32, i32) {
    %c0_i32 = arith.constant 0 : i32
    %c0_i32_0 = arith.constant 0 : i32
    return %arg0, %c0_i32 : i32, i32
  }
  func.func @transform_1(%arg0: i32) -> (i32, i32) {
    %c0_i32 = arith.constant 0 : i32
    %c0_i32_0 = arith.constant 0 : i32
    %c0_i32_1 = arith.constant 0 : i32
    return %c0_i32, %c0_i32_0 : i32, i32
  }
  func.func @transform_2(%arg0: i32) -> (i32, i32) {
    %c0_i32 = arith.constant 0 : i32
    %c0_i32_0 = arith.constant 0 : i32
    return %arg0, %c0_i32 : i32, i32
  }
}

module attributes {stable_mosaic.version = 14 : i64} {
  func.func @_out_body(%arg0: i32, %arg1: memref<2x1000x16xf32, #tpu.memory_space<vmem>>, %arg2: memref<16x128xf32, #tpu.memory_space<vmem>>, %arg3: memref<1x128xf32, #tpu.memory_space<vmem>>, %arg4: memref<1000x128xf32, #tpu.memory_space<vmem>>) attributes {dimension_semantics = [#tpu.dimension_semantics<arbitrary>], iteration_bounds = array<i64: 10>, scalar_prefetch = 0 : i64, scratch_operands = 0 : i64, tpu.core_type = #tpu.core_type<tc>, window_params = [{transform_indices = @transform_0, window_bounds = array<i64: 2, 1000, 16>}, {pipeline_mode = #tpu.pipeline_mode<synchronous>, transform_indices = @transform_1, window_bounds = array<i64: 16, 128>}, {pipeline_mode = #tpu.pipeline_mode<synchronous>, transform_indices = @transform_2, window_bounds = array<i64: 1, 128>}, {transform_indices = @transform_3, window_bounds = array<i64: 1000, 128>}]} {
    %get3A = arith.constant 0 : index
    %get3A_0 = arith.constant 0 : index
    %get3A_1 = arith.constant 0 : index
    %get3A_2 = vector.load %arg1[%get3A, %get3A_0, %get3A_1] : memref<2x1000x16xf32, #tpu.memory_space<vmem>>, vector<1x1000x16xf32>
    %get3A_3 = vector.shape_cast %get3A_2 : vector<1x1000x16xf32> to vector<1000x16xf32>
    %get3A_4 = arith.constant 1 : index
    %get3A_5 = arith.constant 0 : index
    %get3A_6 = arith.constant 0 : index
    %get3A_7 = vector.load %arg1[%get3A_4, %get3A_5, %get3A_6] : memref<2x1000x16xf32, #tpu.memory_space<vmem>>, vector<1x1000x16xf32>
    %get3A_8 = vector.shape_cast %get3A_7 : vector<1x1000x16xf32> to vector<1000x16xf32>
    %add3A = arith.addf %get3A_3, %get3A_8 : vector<1000x16xf32>
    %get3A_9 = arith.constant 0 : index
    %get3A_10 = arith.constant 0 : index
    %get3A_11 = vector.load %arg2[%get3A_9, %get3A_10] : memref<16x128xf32, #tpu.memory_space<vmem>>, vector<16x128xf32>
    %dot_general3A = arith.constant dense<0.000000e+00> : vector<1000x128xf32>
    %dot_general3A_12 = tpu.matmul %add3A, %get3A_11, %dot_general3A {dimension_numbers = #tpu.dot_dimension_numbers<[1], [0], [0], [1], [0, 0, 1, 1], [], []>, transpose_lhs_hint = false} : vector<1000x16xf32>, vector<16x128xf32>, vector<1000x128xf32> -> vector<1000x128xf32>
    %get3A_13 = arith.constant 0 : index
    %get3A_14 = arith.constant 0 : index
    %get3A_15 = vector.load %arg3[%get3A_13, %get3A_14] : memref<1x128xf32, #tpu.memory_space<vmem>>, vector<1x128xf32>
    %add3A_16 = vector.broadcast %get3A_15 : vector<1x128xf32> to vector<1000x128xf32>
    %add3A_17 = arith.addf %dot_general3A_12, %add3A_16 : vector<1000x128xf32>
    %reduce_max3A = arith.constant dense<0xFF800000> : vector<1000xf32>
    %reduce_max3A_18 = vector.multi_reduction <maximumf>, %add3A_17, %reduce_max3A [1] : vector<1000x128xf32> to vector<1000xf32>
    %broadcast_in_dim3A = vector.shape_cast %reduce_max3A_18 : vector<1000xf32> to vector<1000x1xf32>
    %sub3A = vector.broadcast %broadcast_in_dim3A : vector<1000x1xf32> to vector<1000x128xf32>
    %sub3A_19 = arith.subf %add3A_17, %sub3A : vector<1000x128xf32>
    %exp3A = math.exp %sub3A_19 : vector<1000x128xf32>
    %reduce_sum3A = arith.constant dense<0.000000e+00> : vector<1000xf32>
    %reduce_sum3A_20 = vector.multi_reduction <add>, %exp3A, %reduce_sum3A [1] : vector<1000x128xf32> to vector<1000xf32>
    %broadcast_in_dim3A_21 = vector.shape_cast %reduce_sum3A_20 : vector<1000xf32> to vector<1000x1xf32>
    %log3A = math.log %broadcast_in_dim3A_21 : vector<1000x1xf32>
    %add3A_22 = arith.addf %log3A, %broadcast_in_dim3A : vector<1000x1xf32>
    %sub3A_23 = vector.broadcast %add3A_22 : vector<1000x1xf32> to vector<1000x128xf32>
    %sub3A_24 = arith.subf %add3A_17, %sub3A_23 : vector<1000x128xf32>
    %swap3A = arith.constant 0 : index
    %swap3A_25 = arith.constant 0 : index
    %swap3A_26 = vector.load %arg4[%swap3A, %swap3A_25] : memref<1000x128xf32, #tpu.memory_space<vmem>>, vector<1000x128xf32>
    tpu.vector_store %arg4[%swap3A, %swap3A_25], %sub3A_24 {strides = array<i32>} : memref<1000x128xf32, #tpu.memory_space<vmem>>, vector<1000x128xf32>,
    return
  }
  func.func @transform_0(%arg0: i32) -> (i32, i32, i32) {
    %c0_i32 = arith.constant 0 : i32
    %c0_i32_0 = arith.constant 0 : i32
    %c0_i32_1 = arith.constant 0 : i32
    return %c0_i32, %arg0, %c0_i32_0 : i32, i32, i32
  }
  func.func @transform_1(%arg0: i32) -> (i32, i32) {
    %c0_i32 = arith.constant 0 : i32
    %c0_i32_0 = arith.constant 0 : i32
    %c0_i32_1 = arith.constant 0 : i32
    return %c0_i32, %c0_i32_0 : i32, i32
  }
  func.func @transform_2(%arg0: i32) -> (i32, i32) {
    %c0_i32 = arith.constant 0 : i32
    %c0_i32_0 = arith.constant 0 : i32
    %c0_i32_1 = arith.constant 0 : i32
    return %c0_i32, %c0_i32_0 : i32, i32
  }
  func.func @transform_3(%arg0: i32) -> (i32, i32) {
    %c0_i32 = arith.constant 0 : i32
    %c0_i32_0 = arith.constant 0 : i32
    return %arg0, %c0_i32 : i32, i32
  }
}

</mosaic_0001>

<sc_bundles>
// kernel: kernel.10.cloned.1.call-start
scs
__scs_entry_jumppad:
0x0: {  	(pc) =	sbr.rel $0x88, $3  }
0x1: {  	(tag) =	ssettag $0x0;
	lr =	simm.s32 $0x1  }
0x2: {  	[smem:$0x3F9B] =	sst lr;
	_ =	strace $0xD0000000  }
0x3: {  	_ = 	snop  }
0x4: {  	_ = 	snop  }
0x5: {  	_ = 	snop  }
0x6: {  	_ = 	snop  }
0x7: {  	_ = 	snop  }
__scs_overlays_trampoline_lowered:
0x8: {  	[smem:$0x3FAA] =	sst s0  }
0x9: {  	[smem:$0x3FAB] =	sst s1  }
0xa: {  	[smem:$0x3FAC] =	sst s2  }
0xb: {  	[smem:$0x3FAD] =	sst s3  }
0xc: {  	[smem:$0x3FAE] =	sst s4  }
0xd: {  	[smem:$0x3FAF] =	sst s5  }
0xe: {  	[smem:$0x3FB0] =	sst s6  }
0xf: {  	[smem:$0x3FB1] =	sst s7  }
0x10: {  	[smem:$0x3FB2] =	sst s8  }
0x11: {  	[smem:$0x3FB3] =	sst s9;
	s0 =	simm.s32 @!p0 $0x0  }
0x12: {  	s1 =	sld [smem:$0x3F99];
	s0 =	simm.s32 @p0 $0x1  }
0x13: {  	[smem:$0x3FB4] =	sst s0;
	s0 =	simm.s32 @!p1 $0x0  }
0x14: {  	s2 =	sld [smem:$0x3F98];
	s0 =	simm.s32 @p1 $0x1  }
0x15: {  	[smem:$0x3FB5] =	sst s0;
	s0 =	simm.s32 @!p2 $0x0  }
0x16: {  	s3 =	sld [smem:$0x3FDB];
	s0 =	simm.s32 @p2 $0x1  }
0x17: {  	s4 =	simm.s32 $0x1BF5;
	[smem:$0x3FB7] =	sst s0  }
0x18: {  	s0 =	sld [smem:$0x3F9A];
	_ =	swait.ge [sflag:s4], $0x0  }
0x19: {  	s7 =	sld [smem:$0x3F9B]  }
0x1a: {  	s8 =	sadd.s32 $0xFFFFE003, lr  }
0x1b: {  	s9 =	sadd.s32 $0xFFFFFEF7, lr;
	s5 =	simm.s32 $0xFFFFFFFF;
	p2 =	slt.u32 s8, $0xFFFFF086  }
0x1c: {  	p1 =	slt.u32 s9, $0xF7A;
	s5 =	simm.s32 @!p2 $0x0  }
0x1d: {  	s5 =	simm.s32 @p1 $0x1;
	p0 =	seq.s32 s7, s2  }
0x1e: {  	s7 =	smul.u32 @!p0 $0xF7A, s2;
	p2 =	seq.s32 @!p0 s5, $0x0  }
0x1f: {  	s9 =	smul.u32 $0xF7A, s1;
	s8 =	simm.s32 @!p0 $0x1BF5;
	p2 =	por !p2, p0  }
0x20: {  	[sflag:s8] =	ssyncset.s32 @!p0 $0xFFFFF086;
	s6 =	sadd.s32 @!p0 s3, s7;
	s7 =	simm.s32 @!p0 $0x108  }
0x21: {  	s3 =	sadd.s32 s3, s9;
	s6 =	sadd.s32 @!p0 $0x88, s6;
	s7 =	simm.s32 @p2 $0x1082  }
0x22: {  	[simem:s7], [sflag:s8] =	dma.local @!p0 [hbm:s6], $0xF7A  }
0x23: {  	s9 =	sor.u32 $0xD0000000, s2;
	s6 =	simm.s32 $0x108;
	_ =	swait.ge @!p0 [sflag:s8], $0x0  }
0x24: {  	s3 =	sadd.s32 $0x88, s3;
	s6 =	simm.s32 @!p1 $0x1082;
	[sflag:s4] =	ssyncset.s32 $0xFFFFF086  }
0x25: {  	[simem:s6], [sflag:s4] =	dma.local [hbm:s3], $0xF7A  }
0x26: {  	[smem:$0x3F9B] =	sst s1;
	(tag) =	ssettag s2;
	_ =	strace s9  }
0x27: {  	s1 =	sld [smem:$0x3FAB]  }
0x28: {  	s2 =	sld [smem:$0x3FAC]  }
0x29: {  	s4 =	sld [smem:$0x3FAE]  }
0x2a: {  	p0 =	seq.s32 s5, $0x0;
	s5 =	sld [smem:$0x3FAF]  }
0x2b: {  	s6 =	sld [smem:$0x3FB0]  }
0x2c: {  	s7 =	sld [smem:$0x3FB1]  }
0x2d: {  	s3 =	simm.s32 $0x108;
	s8 =	sld [smem:$0x3FB2]  }
0x2e: {  	s3 =	simm.s32 @!p0 $0x1082;
	s9 =	sld [smem:$0x3FB3]  }
0x2f: {  	lr =	sadd.s32 s0, s3;
	s0 =	sld [smem:$0x3FAA]  }
0x30: {  	s3 =	sld [smem:$0x3FAD]  }
0x31: {  	[smem:$0x3FB6] =	sst s10  }
0x32: {  	s10 =	sld [smem:$0x3FB4];
	_ =	sdelay $0x3  }
0x33: {  	p0 =	seq.s32 s10, $0x1;
	s10 =	sld [smem:$0x3FB6];
	_ =	sdelay $0x3  }
0x34: {  	[smem:$0x3FB6] =	sst s10  }
0x35: {  	s10 =	sld [smem:$0x3FB5];
	_ =	sdelay $0x3  }
0x36: {  	p1 =	seq.s32 s10, $0x1;
	s10 =	sld [smem:$0x3FB6];
	_ =	sdelay $0x3  }
0x37: {  	[smem:$0x3FB6] =	sst s10  }
0x38: {  	s10 =	sld [smem:$0x3FB7]  }
0x39: {  	_ = 	snop;
	(pc) =	sbr.ind lr, $3  }
0x3a: {  	_ = 	snop  }
0x3b: {  	_ = 	snop  }
0x3c: {  	p2 =	seq.s32 s10, $0x1;
	s10 =	sld [smem:$0x3FB6]  }
0x3d: {  	_ =	shalt  }
0x3e: {  	_ =	shalt  }
0x3f: {  	_ =	shalt  }
0x40: {  	_ =	shalt  }
0x41: {  	_ =	shalt  }
0x42: {  	_ =	shalt  }
0x43: {  	_ =	shalt  }
0x44: {  	_ =	shalt  }
0x45: {  	_ =	shalt  }
0x46: {  	_ =	shalt  }
0x47: {  	_ =	shalt  }
0x48: {  	_ =	shalt  }
0x49: {  	_ =	shalt  }
0x4a: {  	_ =	shalt  }
0x4b: {  	_ =	shalt  }
0x4c: {  	_ =	shalt  }
0x4d: {  	_ =	shalt  }
0x4e: {  	_ =	shalt  }
0x4f: {  	_ =	shalt  }
0x50: {  	_ =	shalt  }
0x51: {  	_ =	shalt  }
0x52: {  	_ =	shalt  }
0x53: {  	_ =	shalt  }
0x54: {  	_ =	shalt  }
0x55: {  	_ =	shalt  }
0x56: {  	_ =	shalt  }
0x57: {  	_ =	shalt  }
0x58: {  	_ =	shalt  }
0x59: {  	_ =	shalt  }
0x5a: {  	_ =	shalt  }
0x5b: {  	_ =	shalt  }
0x5c: {  	_ =	shalt  }
0x5d: {  	_ =	shalt  }
0x5e: {  	_ =	shalt  }
0x5f: {  	_ =	shalt  }
0x60: {  	_ =	shalt  }
0x61: {  	_ =	shalt  }
0x62: {  	_ =	shalt  }
0x63: {  	_ =	shalt  }
0x64: {  	_ =	shalt  }
0x65: {  	_ =	shalt  }
0x66: {  	_ =	shalt  }
0x67: {  	_ =	shalt  }
0x68: {  	_ =	shalt  }
0x69: {  	_ =	shalt  }
0x6a: {  	_ =	shalt  }
0x6b: {  	_ =	shalt  }
0x6c: {  	_ =	shalt  }
0x6d: {  	_ =	shalt  }
0x6e: {  	_ =	shalt  }
0x6f: {  	_ =	shalt  }
0x70: {  	_ =	shalt  }
0x71: {  	_ =	shalt  }
0x72: {  	_ =	shalt  }
0x73: {  	_ =	shalt  }
0x74: {  	_ =	shalt  }
0x75: {  	_ =	shalt  }
0x76: {  	_ =	shalt  }
0x77: {  	_ =	shalt  }
0x78: {  	_ =	shalt  }
0x79: {  	_ =	shalt  }
0x7a: {  	_ =	shalt  }
0x7b: {  	_ =	shalt  }
0x7c: {  	_ =	shalt  }
0x7d: {  	_ =	shalt  }
0x7e: {  	_ =	shalt  }
0x7f: {  	_ =	shalt  }
0x80: {  	_ =	shalt  }
0x81: {  	_ =	shalt  }
0x82: {  	_ =	shalt  }
0x83: {  	_ =	shalt  }
0x84: {  	_ =	shalt  }
0x85: {  	_ =	shalt  }
0x86: {  	_ =	shalt  }
0x87: {  	_ =	shalt  }
.Lfunc_end0:
.L_simem_size_0:
called_computation.1_lowered:
.L_overlay_start_0:
0x88: {  	s2 =	sld [smem:$0x3FD9]  }
0x89: {  	s3 =	sld [smem:$0x3FFE];
	_ =	sdelay $0x1  }
0x8a: {  	s1 =	srdreg.scid  }
0x8b: {  	s0 =	sand.u32 $0x1, s1  }
0x8c: {  	s17 =	sshll.u32 s0, $0xA;
	s2 =	sadd.s32 s3, s2  }
0x8d: {  	s2 =	sadd.s32 s2, s17  }
0x8e: {  	[smem:$0x3FC2] =	sst s2  }
0x8f: {  	_ = 	snop  }
0x90: {  	s18 =	sld [smem:$0x3FD0];
	(tm) =	ssettm $0x1  }
0x91: {  	s19 =	sld [smem:$0x3FFB];
	_ =	sdelay $0x3  }
0x92: {  	_ =	strace s19  }
0x93: {  	s2 =	sld [smem:$0x3FFC];
	_ =	sdelay $0x3  }
0x94: {  	_ =	strace s2  }
0x95: {  	s2 =	sld [smem:$0x3FFD];
	_ =	sdelay $0x3  }
0x96: {  	_ =	strace s2  }
0x97: {  	_ =	strace $0x8FFFFFFF  }
0x98: {  	s20 =	sld [smem:$0x3FDB];
	_ =	sdelay $0x1  }
0x99: {  	s4 =	simm.s32 $_scs_section_size  }
0x9a: {  	s5 =	simm.s32 $_size__tile_overlayer_lowered;
	s6 =	simm.s32 $_tile_overlayer_lowered  }
0x9b: {  	s7 =	simm.s32 $0x1BFF;
	s21 =	sshll.u32 s6, $0x1;
	s4 =	sadd.s32 s4, s20  }
0x9c: {  	s22 =	simm.s32 $0x0;
	s5 =	sshll.u32 s5, $0x1;
	s6 =	sadd.s32 s21, s4  }
0x9d: {  	[timem:s22], [sflag:s7] =	dma.local [hbm:s6], s5  }
0x9e: {  	_ =	swait.ge [sflag:s7], s5  }
0x9f: {  	s5 =	ssub.s32 $0x0, s5;
	[sflag:s7] =	ssyncset.done $0x0  }
0xa0: {  	[sflag:s7] =	ssyncadd.s32 s5;
	_ =	sdelay $0x1  }
0xa1: {  	s23 =	simm.s32 $0x1B8B  }
0xa2: {  	_ =	swait.ge [sflag:s23], $0x1  }
0xa3: {  	[sflag:s23] =	ssyncset.done $0x0  }
0xa4: {  	[sflag:s23] =	ssyncadd.s32 $0xFFFFFFFF  }
0xa5: {  	s5 =	sld [smem:$0x0]  }
0xa6: {  	s6 =	sand.u32 $0xFFFFFFFE, s1  }
0xa7: {  	p0 =	sne.s32 s1, s6  }
0xa8: {  	s6 =	sshll.u32 @p0 s6, $0xE  }
0xa9: {  	s6 =	sadd.s32 @p0 $0x11B8D, s6;
	s7 =	sshll.u32 @p0 s5, $0x11  }
0xaa: {  	s6 =	sor.u32 @p0 s7, s6  }
0xab: {  	[sflag:s6] =	ssyncadd.remote.s32 @p0 $0x1;
	_ =	sdelay $0x1  }
0xac: {  	s6 =	simm.s32 @p0 $0x1B8D  }
0xad: {  	_ =	swait.eq @p0 [sflag:s6], $0x1  }
0xae: {  	[sflag:s6] =	ssyncadd.s32 @p0 $0xFFFFFFFF  }
0xaf: {  	s7 =	sshll.u32 @!p0 s1, $0xE  }
0xb0: {  	s7 =	sor.u32 @!p0 $0x4000, s7;
	s6 =	simm.s32 @!p0 $0x1B8D  }
0xb1: {  	s5 =	sshll.u32 @!p0 s5, $0x11;
	s7 =	sadd.s32 @!p0 $0x11B8D, s7;
	_ =	swait.eq @!p0 [sflag:s6], $0x1  }
0xb2: {  	s5 =	sor.u32 @!p0 s5, s7;
	[sflag:s6] =	ssyncadd.s32 @!p0 $0xFFFFFFFF  }
0xb3: {  	s25 =	simm.s32 $0x1B8E;
	s24 =	sld [smem:$0x3FFE];
	[sflag:s5] =	ssyncadd.remote.s32 @!p0 $0x1  }
0xb4: {  	s26 =	simm.s32 $execute0_lowered;
	[smem:$0x3FD2] =	sst s25  }
0xb5: {  	s6 =	sshll.u32 s26, $0x1;
	_ =	strace $0x80000049;
	[dreg:$0x1] =	wrdreg $0xFFFFFFFF  }
0xb6: {  	s28 =	simm.s32 $_size_execute0_lowered;
	s4 =	sadd.s32 s4, s6;
	[dreg:$0x0] =	wrdreg $0x0  }
0xb7: {  	s6 =	sshll.u32 s28, $0x1;
	[dreg:$0x2] =	wrdreg s4  }
0xb8: {  	[dreg:$0x3] =	wrdreg s6  }
0xb9: {  	[dreg:$0x4] =	wrdreg $0xC0  }
0xba: {  	_ =	task [dreg:s22], $0x5FFFF  }
0xbb: {  	[dreg:$0x1] =	wrdreg $0xFFFFFFFF  }
0xbc: {  	[dreg:$0x0] =	wrdreg $0x60  }
0xbd: {  	[dreg:$0x2] =	wrdreg s24  }
0xbe: {  	[dreg:$0x3] =	wrdreg s18  }
0xbf: {  	[dreg:$0x4] =	wrdreg $0x67200  }
0xc0: {  	[dreg:$0x5] =	wrdreg $0xA  }
0xc1: {  	_ =	task.clear_ibuf [dreg:s22], $0x6FFFF;
	_ =	strace $0x90000049  }
0xc2: {  	s29 =	simm.s32 $0xA;
	_ =	strace $0x8000004B  }
0xc3: {  	_ =	swait.ge [sflag:s29], $0x1  }
0xc4: {  	[sflag:s29] =	ssyncadd.s32 $0xFFFFFFFF  }
0xc5: {  	_ =	strace $0x9000004B  }
0xc6: {  	_ =	sfence  }
0xc7: {  	s30 =	sld [smem:$0x0];
	_ =	sdelay $0x2  }
0xc8: {  	s31 =	sshll.u32 s1, $0xD;
	s1 =	sshrl.u32 s1, $0x2  }
0xc9: {  	s4 =	sand.u32 $0x4000, s31;
	s1 =	sadd.s32 s1, s30  }
0xca: {  	s0 =	sor.u32 s4, s0;
	s1 =	sshll.u32 s1, $0x11  }
0xcb: {  	s0 =	sor.u32 s1, s0  }
0xcc: {  	s0 =	sadd.s32 $0x8F2B, s0  }
0xcd: {  	[sflag:s0] =	ssyncadd.remote.s32 $0x1  }
0xce: {  	_ =	sfence.sel $0xFFFF  }
0xcf: {  	[dreg:$0x0] =	wrdreg $0xFFFFFFFF;
	(pc) =	sbr.abs _section_cstart, $3  }
0xd0: {  	[dreg:$0x1] =	wrdreg $0xFFFFFFFF  }
0xd1: {  	_ =	task.clear_ibuf [dreg:s22], $0x2FFFF;
	_ =	strace $0x9FFFFFFF  }
0xd2: {  	(tm) =	ssettm $0x7FFFFFFF  }
0xd3: {  	_ =	shalt  }
tec
execute0_lowered:
.L_overlay_start_1:
0x0: {  	(tag) =	ssettag $0x1  }
0x1: {  	s0 =	rddreg [dreg:$0x0]  }
0x2: {  	s1 =	rddreg [dreg:$0x1]  }
0x3: {  	s2 =	rddreg [dreg:$0x2];
	s3 =	simm.s32 $0x0  }
0x4: {  	s4 =	srdreg.scid;
	s12 =	stileid.u32;
	s14 =	simm.s32 $0x50  }
0x5: {  	s15 =	simm.s32 $0x4E20;
	s16 =	simm.s32 $0x5320;
	s18 =	simm.s32 $0x5820  }
0x6: {  	s20 =	simm.s32 $0x5D20;
	s22 =	simm.s32 $0x6220;
	s23 =	simm.s32 $0x1  }
0x7: {  	s28 =	simm.s32 $0x5;
	s29 =	simm.s32 $0x4C90;
	s30 =	simm.s32 $0x4CE0  }
0x8: {  	s31 =	simm.s32 $0x4D30;
	s5 =	sand.u32 $0x1, s4;
	s24 =	sshll.u32 s12, $0x1  }
0x9: {  	s8 =	smul.u32 $0x2710, s12;
	[smem:$0x7FF] =	sst s3;
	s26 =	sshll.u32 s12, $0x6  }
0xa: {  	s4 =	sor.u32 s5, s24;
	s6 =	smul.u32 $0x27100, s5;
	_ =	strace $0x8000004A  }
0xb: {  	s9 =	ssub.s32 $0x2, s5;
	s5 =	sadd.s32 $0xB200, s0;
	s12 =	sor.u32 $0x1C06, s26  }
0xc: {  	s24 =	simm.s32 $0x2;
	s26 =	simm.s32 $0x4;
	s7 =	smul.u32 $0x4E2, s4  }
0xd: {  	s4 =	sadd.s32 $0x15600, s0;
	s11 =	sshrl.u32 s9, $0x1;
	s25 =	sadd.s32 s8, s2  }
0xe: {  	s6 =	sadd.s32 s8, s6;
	s9 =	ssub.s32 s9, s11;
	s13 =	sshrl.u32 s25, $0x3  }
0xf: {  	s25 =	simm.s32 $0x3;
	s11 =	simm.s32 $0x0;
	s10 =	sadd.s32 s7, s0  }
0x10: {  	s6 =	sshrl.u32 s6, $0x3;
	s7 =	sadd.s32 s1, s7;
	s9 =	smax.u32 s9, $0x1  }
0x11: {  	s1 =	simm.s32 $0x4DD0;
	s0 =	sadd.s32 s6, s0;
	s6 =	sadd.s32 $0x1200, s10  }
0x12: {  	s10 =	simm.s32 $0x6;
	s8 =	sadd.s32 $0x1A600, s0;
	s0 =	simm.s32 $0x4D80  }
.LBB2_1:
0x13: {  	[tilespmem:s3], [sflag:$0x6] =	stream.linear.gather [hbm4b:s6+s3], $0x2710, $0x38;
	[tilespmem:$0x8E30] =	vst v63  }
0x14: {  	_ =	swait.ge [sflag:s10], $0x2710  }
0x15: {  	[sflag:s10] =	ssyncset.done $0x0  }
0x16: {  	s17 =	simm.s32 $0x2710;
	[sflag:s10] =	ssyncadd.s32 $0xFFFFD8F0  }
0x17: {  	[tilespmem:s17], [sflag:$0x6] =	stream.linear.gather [hbm4b:s7+s3], $0x2710, $0x38;
	[tilespmem:$0x8E30] =	vst v63  }
0x18: {  	_ =	swait.ge [sflag:s10], $0x2710  }
0x19: {  	[sflag:s10] =	ssyncset.done $0x0  }
0x1a: {  	[sflag:s10] =	ssyncadd.s32 $0xFFFFD8F0  }
0x1b: {  	[spmem:s13], [sflag:s12] =	dma.local [hbm:s5], $0x4E2  }
0x1c: {  	_ =	swait.ge [sflag:s10], $0x4E2  }
0x1d: {  	[sflag:s10] =	ssyncset.done $0x0  }
0x1e: {  	[sflag:s10] =	ssyncadd.s32 $0xFFFFFB1E  }
0x1f: {  	[bflag:$0x0] =	sbarrier.arrive $0xFFFF  }
0x20: {  	[tilespmem:s15], [sflag:$0x1] =	stream.indirect.gather [hbm4b:s4+s14], $0x10, s3, s14, $0xb8;
	[tilespmem:$0x8E30] =	vst v63  }
0x21: {  	_ = 	snop  }
0x22: {  	[tilespmem:s16], [sflag:$0x2] =	stream.indirect.gather [hbm4b:s4+s14], $0x10, s14, s14, $0xb8;
	[tilespmem:$0x8E30] =	vst v63  }
0x23: {  	s19 =	simm.s32 $0xA0  }
0x24: {  	[tilespmem:s18], [sflag:$0x3] =	stream.indirect.gather [hbm4b:s4+s14], $0x10, s19, s14, $0xb8;
	[tilespmem:$0x8E30] =	vst v63  }
0x25: {  	s21 =	simm.s32 $0xF0  }
0x26: {  	[tilespmem:s20], [sflag:$0x4] =	stream.indirect.gather [hbm4b:s4+s14], $0x10, s21, s14, $0xb8;
	[tilespmem:$0x8E30] =	vst v63  }
0x27: {  	s19 =	simm.s32 $0x140  }
0x28: {  	[tilespmem:s22], [sflag:$0x5] =	stream.indirect.gather [hbm4b:s4+s14], $0x10, s19, s14, $0xb8;
	[tilespmem:$0x8E30] =	vst v63  }
0x29: {  	_ =	swait.ge [sflag:s23], $0x500  }
0x2a: {  	[sflag:s23] =	ssyncset.done $0x0  }
0x2b: {  	s21 =	simm.s32 $0x2710;
	[sflag:s23] =	ssyncadd.s32 $0xFFFFFB00  }
0x2c: {  	[spmem:s2] =	stream.indirect.scatter.add.f32 [tilespmem:s15], [sflag:$0x6], $0x10, s21, s14, $0xb8;
	[tilespmem:$0x8E30] =	vst v63  }
0x2d: {  	_ =	swait.ge [sflag:s10], $0x500  }
0x2e: {  	[sflag:s10] =	ssyncset.done $0x0  }
0x2f: {  	s19 =	simm.s32 $0x190;
	[sflag:s10] =	ssyncadd.s32 $0xFFFFFB00  }
0x30: {  	[tilespmem:s15], [sflag:$0x1] =	stream.indirect.gather [hbm4b:s4+s14], $0x10, s19, s14, $0xb8;
	[tilespmem:$0x8E30] =	vst v63  }
0x31: {  	_ =	swait.ge [sflag:s24], $0x500  }
0x32: {  	[sflag:s24] =	ssyncset.done $0x0  }
0x33: {  	s21 =	simm.s32 $0x2760;
	[sflag:s24] =	ssyncadd.s32 $0xFFFFFB00  }
0x34: {  	[spmem:s2] =	stream.indirect.scatter.add.f32 [tilespmem:s16], [sflag:$0x6], $0x10, s21, s14, $0xb8;
	[tilespmem:$0x8E30] =	vst v63  }
0x35: {  	_ =	swait.ge [sflag:s10], $0x500  }
0x36: {  	[sflag:s10] =	ssyncset.done $0x0  }
0x37: {  	s19 =	simm.s32 $0x1E0;
	[sflag:s10] =	ssyncadd.s32 $0xFFFFFB00  }
0x38: {  	[tilespmem:s16], [sflag:$0x2] =	stream.indirect.gather [hbm4b:s4+s14], $0x10, s19, s14, $0xb8;
	[tilespmem:$0x8E30] =	vst v63  }
0x39: {  	_ =	swait.ge [sflag:s25], $0x500  }
0x3a: {  	[sflag:s25] =	ssyncset.done $0x0  }
0x3b: {  	s21 =	simm.s32 $0x27B0;
	[sflag:s25] =	ssyncadd.s32 $0xFFFFFB00  }
0x3c: {  	[spmem:s2] =	stream.indirect.scatter.add.f32 [tilespmem:s18], [sflag:$0x6], $0x10, s21, s14, $0xb8;
	[tilespmem:$0x8E30] =	vst v63  }
0x3d: {  	_ =	swait.ge [sflag:s10], $0x500  }
0x3e: {  	[sflag:s10] =	ssyncset.done $0x0  }
0x3f: {  	s19 =	simm.s32 $0x230;
	[sflag:s10] =	ssyncadd.s32 $0xFFFFFB00  }
0x40: {  	[tilespmem:s18], [sflag:$0x3] =	stream.indirect.gather [hbm4b:s4+s14], $0x10, s19, s14, $0xb8;
	[tilespmem:$0x8E30] =	vst v63  }
0x41: {  	_ =	swait.ge [sflag:s26], $0x500  }
0x42: {  	[sflag:s26] =	ssyncset.done $0x0  }
0x43: {  	s21 =	simm.s32 $0x2800;
	[sflag:s26] =	ssyncadd.s32 $0xFFFFFB00  }
0x44: {  	[spmem:s2] =	stream.indirect.scatter.add.f32 [tilespmem:s20], [sflag:$0x6], $0x10, s21, s14, $0xb8;
	[tilespmem:$0x8E30] =	vst v63  }
0x45: {  	_ =	swait.ge [sflag:s10], $0x500  }
0x46: {  	[sflag:s10] =	ssyncset.done $0x0  }
0x47: {  	s19 =	simm.s32 $0x280;
	[sflag:s10] =	ssyncadd.s32 $0xFFFFFB00  }
0x48: {  	[tilespmem:s20], [sflag:$0x4] =	stream.indirect.gather [hbm4b:s4+s14], $0x10, s19, s14, $0xb8;
	[tilespmem:$0x8E30] =	vst v63  }
0x49: {  	_ =	swait.ge [sflag:s28], $0x500  }
0x4a: {  	[sflag:s28] =	ssyncset.done $0x0  }
0x4b: {  	s21 =	simm.s32 $0x2850;
	[sflag:s28] =	ssyncadd.s32 $0xFFFFFB00  }
0x4c: {  	[spmem:s2] =	stream.indirect.scatter.add.f32 [tilespmem:s22], [sflag:$0x6], $0x10, s21, s14, $0xb8;
	[tilespmem:$0x8E30] =	vst v63  }
0x4d: {  	_ =	swait.ge [sflag:s10], $0x500  }
0x4e: {  	[sflag:s10] =	ssyncset.done $0x0  }
0x4f: {  	s17 =	simm.s32 $0x640;
	s19 =	simm.s32 $0x2D0;
	[sflag:s10] =	ssyncadd.s32 $0xFFFFFB00  }
.LBB2_2:
0x50: {  	[tilespmem:s22], [sflag:$0x5] =	stream.indirect.gather [hbm4b:s4+s14], $0x10, s19, s14, $0xb8;
	[tilespmem:$0x8E30] =	vst v63  }
0x51: {  	s19 =	smov.u32 s17  }
0x52: {  	p0 =	sne.s32 s17, $0x8FC0;
	s17 =	sadd.s32 $0x640, s17;
	_ =	swait.ge [sflag:s23], $0x500  }
0x53: {  	s19 =	sshra.s32 s19, $0x2;
	[sflag:s23] =	ssyncset.done $0x0  }
0x54: {  	s21 =	sadd.s32 $0x2710, s19;
	[sflag:s23] =	ssyncadd.s32 $0xFFFFFB00  }
0x55: {  	[spmem:s2] =	stream.indirect.scatter.add.f32 [tilespmem:s15], [sflag:$0x6], $0x10, s21, s14, $0xb8;
	[tilespmem:$0x8E30] =	vst v63  }
0x56: {  	_ =	swait.ge [sflag:s10], $0x500  }
0x57: {  	[sflag:s10] =	ssyncset.done $0x0  }
0x58: {  	s21 =	sadd.s32 $0x190, s19;
	[sflag:s10] =	ssyncadd.s32 $0xFFFFFB00  }
0x59: {  	[tilespmem:s15], [sflag:$0x1] =	stream.indirect.gather [hbm4b:s4+s14], $0x10, s21, s14, $0xb8;
	[tilespmem:$0x8E30] =	vst v63  }
0x5a: {  	_ =	swait.ge [sflag:s24], $0x500  }
0x5b: {  	[sflag:s24] =	ssyncset.done $0x0  }
0x5c: {  	s21 =	sadd.s32 $0x2760, s19;
	[sflag:s24] =	ssyncadd.s32 $0xFFFFFB00  }
0x5d: {  	[spmem:s2] =	stream.indirect.scatter.add.f32 [tilespmem:s16], [sflag:$0x6], $0x10, s21, s14, $0xb8;
	[tilespmem:$0x8E30] =	vst v63  }
0x5e: {  	_ =	swait.ge [sflag:s10], $0x500  }
0x5f: {  	[sflag:s10] =	ssyncset.done $0x0  }
0x60: {  	s21 =	sadd.s32 $0x1E0, s19;
	[sflag:s10] =	ssyncadd.s32 $0xFFFFFB00  }
0x61: {  	[tilespmem:s16], [sflag:$0x2] =	stream.indirect.gather [hbm4b:s4+s14], $0x10, s21, s14, $0xb8;
	[tilespmem:$0x8E30] =	vst v63  }
0x62: {  	_ =	swait.ge [sflag:s25], $0x500  }
0x63: {  	[sflag:s25] =	ssyncset.done $0x0  }
0x64: {  	s21 =	sadd.s32 $0x27B0, s19;
	[sflag:s25] =	ssyncadd.s32 $0xFFFFFB00  }
0x65: {  	[spmem:s2] =	stream.indirect.scatter.add.f32 [tilespmem:s18], [sflag:$0x6], $0x10, s21, s14, $0xb8;
	[tilespmem:$0x8E30] =	vst v63  }
0x66: {  	_ =	swait.ge [sflag:s10], $0x500  }
0x67: {  	[sflag:s10] =	ssyncset.done $0x0  }
0x68: {  	s21 =	sadd.s32 $0x230, s19;
	[sflag:s10] =	ssyncadd.s32 $0xFFFFFB00  }
0x69: {  	[tilespmem:s18], [sflag:$0x3] =	stream.indirect.gather [hbm4b:s4+s14], $0x10, s21, s14, $0xb8;
	[tilespmem:$0x8E30] =	vst v63  }
0x6a: {  	_ =	swait.ge [sflag:s26], $0x500  }
0x6b: {  	[sflag:s26] =	ssyncset.done $0x0  }
0x6c: {  	s21 =	sadd.s32 $0x2800, s19;
	[sflag:s26] =	ssyncadd.s32 $0xFFFFFB00  }
0x6d: {  	[spmem:s2] =	stream.indirect.scatter.add.f32 [tilespmem:s20], [sflag:$0x6], $0x10, s21, s14, $0xb8;
	[tilespmem:$0x8E30] =	vst v63  }
0x6e: {  	_ =	swait.ge [sflag:s10], $0x500  }
0x6f: {  	[sflag:s10] =	ssyncset.done $0x0  }
0x70: {  	s21 =	sadd.s32 $0x280, s19;
	[sflag:s10] =	ssyncadd.s32 $0xFFFFFB00  }
0x71: {  	[tilespmem:s20], [sflag:$0x4] =	stream.indirect.gather [hbm4b:s4+s14], $0x10, s21, s14, $0xb8;
	[tilespmem:$0x8E30] =	vst v63  }
0x72: {  	_ =	swait.ge [sflag:s28], $0x500  }
0x73: {  	[sflag:s28] =	ssyncset.done $0x0  }
.Ltmp0:
0x74: {  	s21 =	sadd.s32 $0x2850, s19;
	[sflag:s28] =	ssyncadd.s32 $0xFFFFFB00;
	(pc) =	sbr.rel @p0 .LBB2_2-.Ltmp0, $4  }
0x75: {  	[spmem:s2] =	stream.indirect.scatter.add.f32 [tilespmem:s22], [sflag:$0x6], $0x10, s21, s14, $0xb8;
	[tilespmem:$0x8E30] =	vst v63  }
0x76: {  	_ =	swait.ge [sflag:s10], $0x500  }
0x77: {  	[sflag:s10] =	ssyncset.done $0x0  }
0x78: {  	s19 =	sadd.s32 $0x2D0, s19;
	[sflag:s10] =	ssyncadd.s32 $0xFFFFFB00  }
0x79: {  	[tilespmem:s22], [sflag:$0x5] =	stream.indirect.gather [hbm4b:s4+s14], $0x10, s19, s14, $0xb8;
	[tilespmem:$0x8E30] =	vst v63  }
0x7a: {  	_ =	swait.ge [sflag:s23], $0x500  }
0x7b: {  	[sflag:s23] =	ssyncset.done $0x0  }
0x7c: {  	[sflag:s23] =	ssyncadd.s32 $0xFFFFFB00  }
0x7d: {  	[spmem:s2] =	stream.indirect.scatter.add.f32 [tilespmem:s15], [sflag:$0x6], $0x10, s29, s14, $0xb8;
	[tilespmem:$0x8E30] =	vst v63  }
0x7e: {  	_ =	swait.ge [sflag:s10], $0x500  }
0x7f: {  	[sflag:s10] =	ssyncset.done $0x0  }
0x80: {  	[sflag:s10] =	ssyncadd.s32 $0xFFFFFB00  }
0x81: {  	_ =	swait.ge [sflag:s24], $0x500  }
0x82: {  	[sflag:s24] =	ssyncset.done $0x0  }
0x83: {  	[sflag:s24] =	ssyncadd.s32 $0xFFFFFB00  }
0x84: {  	[spmem:s2] =	stream.indirect.scatter.add.f32 [tilespmem:s16], [sflag:$0x6], $0x10, s30, s14, $0xb8;
	[tilespmem:$0x8E30] =	vst v63  }
0x85: {  	_ =	swait.ge [sflag:s10], $0x500  }
0x86: {  	[sflag:s10] =	ssyncset.done $0x0  }
0x87: {  	[sflag:s10] =	ssyncadd.s32 $0xFFFFFB00  }
0x88: {  	_ =	swait.ge [sflag:s25], $0x500  }
0x89: {  	[sflag:s25] =	ssyncset.done $0x0  }
0x8a: {  	[sflag:s25] =	ssyncadd.s32 $0xFFFFFB00  }
0x8b: {  	[spmem:s2] =	stream.indirect.scatter.add.f32 [tilespmem:s18], [sflag:$0x6], $0x10, s31, s14, $0xb8;
	[tilespmem:$0x8E30] =	vst v63  }
0x8c: {  	_ =	swait.ge [sflag:s10], $0x500  }
0x8d: {  	[sflag:s10] =	ssyncset.done $0x0  }
0x8e: {  	[sflag:s10] =	ssyncadd.s32 $0xFFFFFB00  }
0x8f: {  	_ =	swait.ge [sflag:s26], $0x500  }
0x90: {  	[sflag:s26] =	ssyncset.done $0x0  }
0x91: {  	[sflag:s26] =	ssyncadd.s32 $0xFFFFFB00  }
0x92: {  	[spmem:s2] =	stream.indirect.scatter.add.f32 [tilespmem:s20], [sflag:$0x6], $0x10, s0, s14, $0xb8;
	[tilespmem:$0x8E30] =	vst v63  }
0x93: {  	_ =	swait.ge [sflag:s10], $0x500  }
0x94: {  	[sflag:s10] =	ssyncset.done $0x0  }
0x95: {  	[sflag:s10] =	ssyncadd.s32 $0xFFFFFB00  }
0x96: {  	_ =	swait.ge [sflag:s28], $0x500  }
0x97: {  	[sflag:s28] =	ssyncset.done $0x0  }
0x98: {  	[sflag:s28] =	ssyncadd.s32 $0xFFFFFB00  }
0x99: {  	[spmem:s2] =	stream.indirect.scatter.add.f32 [tilespmem:s22], [sflag:$0x6], $0x10, s1, s14, $0xb8;
	[tilespmem:$0x8E30] =	vst v63  }
0x9a: {  	_ =	swait.ge [sflag:s10], $0x500  }
0x9b: {  	s11 =	sadd.s32 $0x1, s11;
	[sflag:s10] =	ssyncset.done $0x0  }
0x9c: {  	p0 =	sne.s32 s11, s9;
	[sflag:s10] =	ssyncadd.s32 $0xFFFFFB00  }
.Ltmp1:
0x9d: {  	[bflag:$0x0] =	sbarrier.arrive $0xFFFF;
	(pc) =	sbr.rel @p0 .LBB2_1-.Ltmp1, $4  }
0x9e: {  	[hbm:s8], [sflag:s12] =	dma.local [spmem:s13], $0x4E2  }
0x9f: {  	_ =	swait.ge [sflag:s10], $0x4E2  }
0xa0: {  	[sflag:s10] =	ssyncset.done $0x0  }
0xa1: {  	[sflag:s10] =	ssyncadd.s32 $0xFFFFFB1E  }
0xa2: {  	_ =	sfence.sel $0x180000  }
0xa3: {  	[bflag:$0x0] =	sbarrier.arrive $0xFFFF  }
0xa4: {  	_ =	strace $0x9000004A  }
0xa5: {  	s0 =	stileid.u32;
	[bflag:$0x2] =	sbarrier.arrive $0xFFFF  }
0xa6: {  	p0 =	sne.s32 s0, $0x0;
	s0 =	rddreg [dreg:$0x3]  }
0xa7: {  	s0 =	sadd.s32 @!p0 $0x100000, s0  }
0xa8: {  	[sflag:s0] =	ssyncadd.tile.s32 @!p0 $0x1;
	_ =	shalt  }
.Lfunc_end2:
_tile_overlayer_lowered:
.L_overlay_start_2:
0xa9: {  	(tag) =	ssettag $0x2  }
0xaa: {  	s0 =	rddreg [dreg:$0x0];
	s2 =	stileid.u32  }
0xab: {  	s1 =	rddreg [dreg:$0x1];
	p0 =	sne.s32 s2, $0x0  }
0xac: {  	s3 =	rddreg [dreg:$0x2];
	[bflag:$0x3] =	sbarrier.arrive $0xFFFF;
	s2 =	simm.s32 @!p0 $0x1C06  }
0xad: {  	[timem:s3], [sflag:s2] =	dma.local @!p0 [hbm:s0], s1  }
0xae: {  	s0 =	simm.s32 @!p0 $0x6  }
0xaf: {  	_ =	swait.ge @!p0 [sflag:s0], s1  }
0xb0: {  	s1 =	ssub.s32 @!p0 $0x0, s1;
	[sflag:s0] =	ssyncset.done @!p0 $0x0  }
0xb1: {  	[sflag:s0] =	ssyncadd.s32 @!p0 s1  }
0xb2: {  	[bflag:$0x3] =	sbarrier.arrive $0xFFFF  }
0xb3: {  	_ =	shalt  }

// kernel: kernel.13.cloned.1.call-start
scs
__scs_entry_jumppad:
0x0: {  	(pc) =	sbr.rel $0x88, $3  }
0x1: {  	(tag) =	ssettag $0x0;
	lr =	simm.s32 $0x1  }
0x2: {  	[smem:$0x3F9B] =	sst lr;
	_ =	strace $0xD0000000  }
0x3: {  	_ = 	snop  }
0x4: {  	_ = 	snop  }
0x5: {  	_ = 	snop  }
0x6: {  	_ = 	snop  }
0x7: {  	_ = 	snop  }
__scs_overlays_trampoline_lowered:
0x8: {  	[smem:$0x3FAA] =	sst s0  }
0x9: {  	[smem:$0x3FAB] =	sst s1  }
0xa: {  	[smem:$0x3FAC] =	sst s2  }
0xb: {  	[smem:$0x3FAD] =	sst s3  }
0xc: {  	[smem:$0x3FAE] =	sst s4  }
0xd: {  	[smem:$0x3FAF] =	sst s5  }
0xe: {  	[smem:$0x3FB0] =	sst s6  }
0xf: {  	[smem:$0x3FB1] =	sst s7  }
0x10: {  	[smem:$0x3FB2] =	sst s8  }
0x11: {  	[smem:$0x3FB3] =	sst s9;
	s0 =	simm.s32 @!p0 $0x0  }
0x12: {  	s1 =	sld [smem:$0x3F99];
	s0 =	simm.s32 @p0 $0x1  }
0x13: {  	[smem:$0x3FB4] =	sst s0;
	s0 =	simm.s32 @!p1 $0x0  }
0x14: {  	s2 =	sld [smem:$0x3F98];
	s0 =	simm.s32 @p1 $0x1  }
0x15: {  	[smem:$0x3FB5] =	sst s0;
	s0 =	simm.s32 @!p2 $0x0  }
0x16: {  	s3 =	sld [smem:$0x3FDB];
	s0 =	simm.s32 @p2 $0x1  }
0x17: {  	s4 =	simm.s32 $0x1BF5;
	[smem:$0x3FB7] =	sst s0  }
0x18: {  	s0 =	sld [smem:$0x3F9A];
	_ =	swait.ge [sflag:s4], $0x0  }
0x19: {  	s7 =	sld [smem:$0x3F9B]  }
0x1a: {  	s8 =	sadd.s32 $0xFFFFE003, lr  }
0x1b: {  	s9 =	sadd.s32 $0xFFFFFEF7, lr;
	s5 =	simm.s32 $0xFFFFFFFF;
	p2 =	slt.u32 s8, $0xFFFFF086  }
0x1c: {  	p1 =	slt.u32 s9, $0xF7A;
	s5 =	simm.s32 @!p2 $0x0  }
0x1d: {  	s5 =	simm.s32 @p1 $0x1;
	p0 =	seq.s32 s7, s2  }
0x1e: {  	s7 =	smul.u32 @!p0 $0xF7A, s2;
	p2 =	seq.s32 @!p0 s5, $0x0  }
0x1f: {  	s9 =	smul.u32 $0xF7A, s1;
	s8 =	simm.s32 @!p0 $0x1BF5;
	p2 =	por !p2, p0  }
0x20: {  	[sflag:s8] =	ssyncset.s32 @!p0 $0xFFFFF086;
	s6 =	sadd.s32 @!p0 s3, s7;
	s7 =	simm.s32 @!p0 $0x108  }
0x21: {  	s3 =	sadd.s32 s3, s9;
	s6 =	sadd.s32 @!p0 $0x88, s6;
	s7 =	simm.s32 @p2 $0x1082  }
0x22: {  	[simem:s7], [sflag:s8] =	dma.local @!p0 [hbm:s6], $0xF7A  }
0x23: {  	s9 =	sor.u32 $0xD0000000, s2;
	s6 =	simm.s32 $0x108;
	_ =	swait.ge @!p0 [sflag:s8], $0x0  }
0x24: {  	s3 =	sadd.s32 $0x88, s3;
	s6 =	simm.s32 @!p1 $0x1082;
	[sflag:s4] =	ssyncset.s32 $0xFFFFF086  }
0x25: {  	[simem:s6], [sflag:s4] =	dma.local [hbm:s3], $0xF7A  }
0x26: {  	[smem:$0x3F9B] =	sst s1;
	(tag) =	ssettag s2;
	_ =	strace s9  }
0x27: {  	s1 =	sld [smem:$0x3FAB]  }
0x28: {  	s2 =	sld [smem:$0x3FAC]  }
0x29: {  	s4 =	sld [smem:$0x3FAE]  }
0x2a: {  	p0 =	seq.s32 s5, $0x0;
	s5 =	sld [smem:$0x3FAF]  }
0x2b: {  	s6 =	sld [smem:$0x3FB0]  }
0x2c: {  	s7 =	sld [smem:$0x3FB1]  }
0x2d: {  	s3 =	simm.s32 $0x108;
	s8 =	sld [smem:$0x3FB2]  }
0x2e: {  	s3 =	simm.s32 @!p0 $0x1082;
	s9 =	sld [smem:$0x3FB3]  }
0x2f: {  	lr =	sadd.s32 s0, s3;
	s0 =	sld [smem:$0x3FAA]  }
0x30: {  	s3 =	sld [smem:$0x3FAD]  }
0x31: {  	[smem:$0x3FB6] =	sst s10  }
0x32: {  	s10 =	sld [smem:$0x3FB4];
	_ =	sdelay $0x3  }
0x33: {  	p0 =	seq.s32 s10, $0x1;
	s10 =	sld [smem:$0x3FB6];
	_ =	sdelay $0x3  }
0x34: {  	[smem:$0x3FB6] =	sst s10  }
0x35: {  	s10 =	sld [smem:$0x3FB5];
	_ =	sdelay $0x3  }
0x36: {  	p1 =	seq.s32 s10, $0x1;
	s10 =	sld [smem:$0x3FB6];
	_ =	sdelay $0x3  }
0x37: {  	[smem:$0x3FB6] =	sst s10  }
0x38: {  	s10 =	sld [smem:$0x3FB7]  }
0x39: {  	_ = 	snop;
	(pc) =	sbr.ind lr, $3  }
0x3a: {  	_ = 	snop  }
0x3b: {  	_ = 	snop  }
0x3c: {  	p2 =	seq.s32 s10, $0x1;
	s10 =	sld [smem:$0x3FB6]  }
0x3d: {  	_ =	shalt  }
0x3e: {  	_ =	shalt  }
0x3f: {  	_ =	shalt  }
0x40: {  	_ =	shalt  }
0x41: {  	_ =	shalt  }
0x42: {  	_ =	shalt  }
0x43: {  	_ =	shalt  }
0x44: {  	_ =	shalt  }
0x45: {  	_ =	shalt  }
0x46: {  	_ =	shalt  }
0x47: {  	_ =	shalt  }
0x48: {  	_ =	shalt  }
0x49: {  	_ =	shalt  }
0x4a: {  	_ =	shalt  }
0x4b: {  	_ =	shalt  }
0x4c: {  	_ =	shalt  }
0x4d: {  	_ =	shalt  }
0x4e: {  	_ =	shalt  }
0x4f: {  	_ =	shalt  }
0x50: {  	_ =	shalt  }
0x51: {  	_ =	shalt  }
0x52: {  	_ =	shalt  }
0x53: {  	_ =	shalt  }
0x54: {  	_ =	shalt  }
0x55: {  	_ =	shalt  }
0x56: {  	_ =	shalt  }
0x57: {  	_ =	shalt  }
0x58: {  	_ =	shalt  }
0x59: {  	_ =	shalt  }
0x5a: {  	_ =	shalt  }
0x5b: {  	_ =	shalt  }
0x5c: {  	_ =	shalt  }
0x5d: {  	_ =	shalt  }
0x5e: {  	_ =	shalt  }
0x5f: {  	_ =	shalt  }
0x60: {  	_ =	shalt  }
0x61: {  	_ =	shalt  }
0x62: {  	_ =	shalt  }
0x63: {  	_ =	shalt  }
0x64: {  	_ =	shalt  }
0x65: {  	_ =	shalt  }
0x66: {  	_ =	shalt  }
0x67: {  	_ =	shalt  }
0x68: {  	_ =	shalt  }
0x69: {  	_ =	shalt  }
0x6a: {  	_ =	shalt  }
0x6b: {  	_ =	shalt  }
0x6c: {  	_ =	shalt  }
0x6d: {  	_ =	shalt  }
0x6e: {  	_ =	shalt  }
0x6f: {  	_ =	shalt  }
0x70: {  	_ =	shalt  }
0x71: {  	_ =	shalt  }
0x72: {  	_ =	shalt  }
0x73: {  	_ =	shalt  }
0x74: {  	_ =	shalt  }
0x75: {  	_ =	shalt  }
0x76: {  	_ =	shalt  }
0x77: {  	_ =	shalt  }
0x78: {  	_ =	shalt  }
0x79: {  	_ =	shalt  }
0x7a: {  	_ =	shalt  }
0x7b: {  	_ =	shalt  }
0x7c: {  	_ =	shalt  }
0x7d: {  	_ =	shalt  }
0x7e: {  	_ =	shalt  }
0x7f: {  	_ =	shalt  }
0x80: {  	_ =	shalt  }
0x81: {  	_ =	shalt  }
0x82: {  	_ =	shalt  }
0x83: {  	_ =	shalt  }
0x84: {  	_ =	shalt  }
0x85: {  	_ =	shalt  }
0x86: {  	_ =	shalt  }
0x87: {  	_ =	shalt  }
.Lfunc_end0:
.L_simem_size_0:
called_computation.2_lowered:
.L_overlay_start_0:
0x88: {  	s2 =	sld [smem:$0x3FD9]  }
0x89: {  	s3 =	sld [smem:$0x3FFE];
	_ =	sdelay $0x1  }
0x8a: {  	s1 =	srdreg.scid  }
0x8b: {  	s0 =	sand.u32 $0x1, s1  }
0x8c: {  	s17 =	sshll.u32 s0, $0xA;
	s2 =	sadd.s32 s3, s2  }
0x8d: {  	s2 =	sadd.s32 s2, s17  }
0x8e: {  	[smem:$0x3FC2] =	sst s2  }
0x8f: {  	_ = 	snop  }
0x90: {  	s2 =	sld [smem:$0x3FC6]  }
0x91: {  	s18 =	sld [smem:$0x3FD0];
	(tm) =	ssettm $0x1  }
0x92: {  	s4 =	sld [smem:$0x3FFB];
	_ =	sdelay $0x3  }
0x93: {  	_ =	strace s4  }
0x94: {  	s4 =	sld [smem:$0x3FFC];
	_ =	sdelay $0x3  }
0x95: {  	_ =	strace s4  }
0x96: {  	s4 =	sld [smem:$0x3FFD];
	_ =	sdelay $0x3  }
0x97: {  	_ =	strace s4  }
0x98: {  	_ =	strace $0x8FFFFFFF  }
0x99: {  	s19 =	sld [smem:$0x3FDB];
	_ =	sdelay $0x1  }
0x9a: {  	s5 =	simm.s32 $_scs_section_size  }
0x9b: {  	s6 =	simm.s32 $_size__tile_overlayer_lowered;
	s7 =	simm.s32 $_tile_overlayer_lowered  }
0x9c: {  	s22 =	simm.s32 $0x1BFF;
	s21 =	sshll.u32 s7, $0x1;
	s4 =	sadd.s32 s5, s19  }
0x9d: {  	s8 =	simm.s32 $0x0;
	s20 =	sshll.u32 s6, $0x1;
	s6 =	sadd.s32 s21, s4  }
0x9e: {  	[timem:s8], [sflag:s22] =	dma.local [hbm:s6], s20  }
0x9f: {  	_ =	swait.ge [sflag:s22], s20  }
0xa0: {  	s5 =	ssub.s32 $0x0, s20;
	[sflag:s22] =	ssyncset.done $0x0  }
0xa1: {  	[sflag:s22] =	ssyncadd.s32 s5;
	_ =	sdelay $0x1  }
0xa2: {  	s23 =	simm.s32 $0x1B8B  }
0xa3: {  	_ =	swait.ge [sflag:s23], $0x1  }
0xa4: {  	[sflag:s23] =	ssyncset.done $0x0  }
0xa5: {  	s25 =	simm.s32 $0x1B8E;
	s24 =	sld [smem:$0x3FFE];
	[sflag:s23] =	ssyncadd.s32 $0xFFFFFFFF  }
0xa6: {  	s26 =	simm.s32 $execute0_lowered;
	[smem:$0x3FD2] =	sst s25  }
0xa7: {  	s6 =	sshll.u32 s26, $0x1;
	_ =	strace $0x8000004C;
	[dreg:$0x1] =	wrdreg $0xFFFFFFFF  }
0xa8: {  	s28 =	simm.s32 $_size_execute0_lowered;
	s4 =	sadd.s32 s4, s6;
	[dreg:$0x0] =	wrdreg $0x0  }
0xa9: {  	s6 =	sshll.u32 s28, $0x1;
	[dreg:$0x2] =	wrdreg s4  }
0xaa: {  	[dreg:$0x3] =	wrdreg s6  }
0xab: {  	[dreg:$0x4] =	wrdreg $0xC0  }
0xac: {  	_ =	task [dreg:s8], $0x5FFFF  }
0xad: {  	[dreg:$0x1] =	wrdreg $0xFFFFFFFF  }
0xae: {  	[dreg:$0x0] =	wrdreg $0x60  }
0xaf: {  	[dreg:$0x2] =	wrdreg s24  }
0xb0: {  	[dreg:$0x3] =	wrdreg s2  }
0xb1: {  	[dreg:$0x4] =	wrdreg s18  }
0xb2: {  	[dreg:$0x5] =	wrdreg $0x178A00  }
0xb3: {  	[dreg:$0x6] =	wrdreg $0x151900  }
0xb4: {  	[dreg:$0x7] =	wrdreg $0x9  }
0xb5: {  	_ =	task.clear_ibuf [dreg:s8], $0x8FFFF;
	_ =	strace $0x9000004C  }
0xb6: {  	s29 =	simm.s32 $0x9;
	_ =	strace $0x8000004E  }
0xb7: {  	_ =	swait.ge [sflag:s29], $0x1  }
0xb8: {  	[sflag:s29] =	ssyncadd.s32 $0xFFFFFFFF  }
0xb9: {  	_ =	strace $0x9000004E  }
0xba: {  	_ =	sfence  }
0xbb: {  	s30 =	sld [smem:$0x0];
	_ =	sdelay $0x2  }
0xbc: {  	s31 =	sshll.u32 s1, $0xD;
	s1 =	sshrl.u32 s1, $0x2  }
0xbd: {  	s3 =	sand.u32 $0x4000, s31;
	s1 =	sadd.s32 s1, s30  }
0xbe: {  	s0 =	sor.u32 s3, s0;
	s1 =	sshll.u32 s1, $0x11  }
0xbf: {  	s0 =	sor.u32 s1, s0  }
0xc0: {  	s0 =	sadd.s32 $0x8F2B, s0  }
0xc1: {  	[sflag:s0] =	ssyncadd.remote.s32 $0x1  }
0xc2: {  	_ =	sfence.sel $0xFFFF  }
0xc3: {  	[dreg:$0x0] =	wrdreg $0xFFFFFFFF;
	(pc) =	sbr.abs _section_cstart, $3  }
0xc4: {  	[dreg:$0x1] =	wrdreg $0xFFFFFFFF  }
0xc5: {  	_ =	task.clear_ibuf [dreg:s8], $0x2FFFF;
	_ =	strace $0x9FFFFFFF  }
0xc6: {  	(tm) =	ssettm $0x7FFFFFFF  }
0xc7: {  	_ =	shalt  }
tec
execute0_lowered:
.L_overlay_start_1:
0x0: {  	(tag) =	ssettag $0x1  }
0x1: {  	s0 =	rddreg [dreg:$0x0]  }
0x2: {  	s1 =	srdreg.scid;
	s2 =	rddreg [dreg:$0x2]  }
0x3: {  	s17 =	stileid.u32;
	s3 =	rddreg [dreg:$0x3]  }
0x4: {  	s28 =	simm.s32 $0x50;
	s29 =	simm.s32 $0x4E20;
	s30 =	simm.s32 $0x5320  }
0x5: {  	s31 =	simm.s32 $0x5;
	s18 =	simm.s32 $0x0;
	s1 =	sand.u32 $0x1, s1  }
0x6: {  	s4 =	sshll.u32 s17, $0x1;
	s7 =	smul.u32 $0x2710, s17;
	s10 =	sadd.s32 $0x1A600, s0  }
0x7: {  	s13 =	sadd.s32 $0xB800, s0;
	s11 =	sadd.s32 $0xB200, s0;
	s26 =	sshll.u32 s17, $0x6  }
0x8: {  	s17 =	simm.s32 $0x6;
	s5 =	sor.u32 s1, s4;
	s4 =	rddreg [dreg:$0x4]  }
0x9: {  	s8 =	smul.u32 $0x27100, s1;
	s1 =	ssub.s32 $0x2, s1;
	s19 =	sor.u32 $0x1C06, s26  }
0xa: {  	s26 =	simm.s32 $0x4;
	s6 =	smul.u32 $0x4E2, s5;
	s5 =	simm.s32 $0x0  }
0xb: {  	s21 =	sshrl.u32 s1, $0x1;
	s22 =	sshrl.u32 s7, $0x3;
	s14 =	sadd.s32 s7, s4  }
0xc: {  	[smem:$0x7FF] =	sst s5;
	s8 =	sadd.s32 s7, s8;
	s1 =	ssub.s32 s1, s21  }
0xd: {  	s23 =	sadd.s32 $0x4E20, s22;
	s24 =	sadd.s32 s10, s22;
	s12 =	sadd.s32 s13, s22  }
0xe: {  	s21 =	simm.s32 $0x6220;
	s22 =	simm.s32 $0x1;
	_ =	strace $0x8000004D  }
0xf: {  	s9 =	sadd.s32 s6, s0;
	[dreg:$0x6] =	wrdreg s11;
	s8 =	sshrl.u32 s8, $0x3  }
0x10: {  	s2 =	sadd.s32 s2, s6;
	[dreg:$0x9] =	wrdreg s24;
	s25 =	sadd.s32 s10, s23  }
0x11: {  	s13 =	sadd.s32 s13, s23;
	s16 =	smax.u32 s1, $0x1;
	s24 =	simm.s32 $0xDC50  }
0x12: {  	s1 =	simm.s32 $0x5D20;
	s23 =	simm.s32 $0x2;
	[dreg:$0x8] =	wrdreg s2  }
0x13: {  	s0 =	sadd.s32 s8, s0;
	s9 =	sadd.s32 $0x1200, s9;
	[dreg:$0xa] =	wrdreg s25  }
0x14: {  	s2 =	simm.s32 $0x5820;
	[dreg:$0x7] =	wrdreg s9;
	s9 =	sadd.s32 s7, s3  }
0x15: {  	s25 =	simm.s32 $0x3;
	s15 =	sadd.s32 $0x24400, s0;
	s20 =	sshrl.u32 s9, $0x3  }
.LBB2_1:
0x16: {  	s0 =	rddreg [dreg:$0x7]  }
0x17: {  	[tilespmem:s5], [sflag:$0x6] =	stream.linear.gather [hbm4b:s0+s5], $0x2710, $0x38;
	[tilespmem:$0x19FB0] =	vst v63  }
0x18: {  	_ =	swait.ge [sflag:s17], $0x2710  }
0x19: {  	[sflag:s17] =	ssyncset.done $0x0  }
0x1a: {  	s6 =	simm.s32 $0x2710;
	s7 =	rddreg [dreg:$0x8];
	[sflag:s17] =	ssyncadd.s32 $0xFFFFD8F0  }
0x1b: {  	[tilespmem:s6], [sflag:$0x6] =	stream.linear.gather [hbm4b:s7+s5], $0x2710, $0x38;
	[tilespmem:$0x19FB0] =	vst v63  }
0x1c: {  	_ =	swait.ge [sflag:s17], $0x2710  }
0x1d: {  	[sflag:s17] =	ssyncset.done $0x0  }
0x1e: {  	s8 =	rddreg [dreg:$0x6];
	[sflag:s17] =	ssyncadd.s32 $0xFFFFD8F0  }
0x1f: {  	[spmem:s20], [sflag:s19] =	dma.local [hbm:s8], $0x4E2  }
0x20: {  	_ =	swait.ge [sflag:s17], $0x4E2  }
0x21: {  	[sflag:s17] =	ssyncset.done $0x0  }
0x22: {  	s11 =	simm.s32 $0x6720;
	s10 =	rddreg [dreg:$0x9];
	[sflag:s17] =	ssyncadd.s32 $0xFFFFFB1E  }
0x23: {  	[tilespmem:s11], [sflag:$0x6] =	stream.linear.gather [hbm4b:s10+s5], $0x2710, $0x38;
	[tilespmem:$0x19FB0] =	vst v63  }
0x24: {  	_ =	swait.ge [sflag:s17], $0x2710  }
0x25: {  	[sflag:s17] =	ssyncset.done $0x0  }
0x26: {  	s7 =	simm.s32 $0x8E30;
	s6 =	rddreg [dreg:$0xa];
	[sflag:s17] =	ssyncadd.s32 $0xFFFFD8F0  }
0x27: {  	[tilespmem:s7], [sflag:$0x6] =	stream.linear.gather [hbm4b:s6+s5], $0x2710, $0x38;
	[tilespmem:$0x19FB0] =	vst v63  }
0x28: {  	_ =	swait.ge [sflag:s17], $0x2710  }
0x29: {  	[sflag:s17] =	ssyncset.done $0x0  }
0x2a: {  	s8 =	simm.s32 $0xB540;
	[sflag:s17] =	ssyncadd.s32 $0xFFFFD8F0  }
0x2b: {  	[tilespmem:s8], [sflag:$0x6] =	stream.linear.gather [hbm4b:s12+s5], $0x2710, $0x38;
	[tilespmem:$0x19FB0] =	vst v63  }
0x2c: {  	_ =	swait.ge [sflag:s17], $0x2710  }
0x2d: {  	[sflag:s17] =	ssyncset.done $0x0  }
0x2e: {  	[sflag:s17] =	ssyncadd.s32 $0xFFFFD8F0  }
0x2f: {  	[tilespmem:s24], [sflag:$0x6] =	stream.linear.gather [hbm4b:s13+s5], $0x2710, $0x38;
	[tilespmem:$0x19FB0] =	vst v63  }
0x30: {  	_ =	swait.ge [sflag:s17], $0x2710  }
0x31: {  	[sflag:s17] =	ssyncset.done $0x0  }
0x32: {  	[sflag:s17] =	ssyncadd.s32 $0xFFFFD8F0  }
0x33: {  	s11 =	simm.s32 $0x15180;
	s10 =	rddreg [dreg:$0x1]  }
0x34: {  	[tilespmem:s11], [sflag:$0x6] =	stream.linear.gather [hbm4b:s10+s5], $0x10, $0x38;
	[tilespmem:$0x19FB0] =	vst v63  }
0x35: {  	_ =	swait.ge [sflag:s17], $0x10  }
0x36: {  	[sflag:s17] =	ssyncset.done $0x0  }
0x37: {  	s8 =	simm.s32 $0x0;
	[sflag:s17] =	ssyncadd.s32 $0xFFFFFFF0  }
0x38: {  	v0 =	vld [tilespmem:s8+$0xB540]  }
0x39: {  	v1 =	vld [tilespmem:s8+$0xDC50];
	_ =	sdelay $0x4  }
0x3a: {  	v0 =	vadd.f32 v1, v0;
	_ =	sdelay $0x1  }
0x3b: {  	s0 =	simm.s32 $0x10;
	v0 =	vmax.f32 v0, $1.000000000e+00  }
0x3c: {  	v2 =	vld [tilespmem:s0+$0xDC50];
	(erf) = vrcp.f32 v0  }
0x3d: {  	v1 =	vld [tilespmem:s0+$0xB540]  }
0x3e: {  	s6 =	simm.s32 $0x20  }
0x3f: {  	v6 =	vld [tilespmem:s6+$0xB540]  }
0x40: {  	v7 =	vld [tilespmem:s6+$0xDC50]  }
0x41: {  	v3 =	vld [tilespmem:s8+$0x6720]  }
0x42: {  	v5 =	vld [tilespmem:s8+$0x8E30];
	v8 =	vadd.f32 v2, v1;
	_ =	sdelay $0x1  }
0x43: {  	v8 =	vmax.f32 v8, $1.000000000e+00  }
0x44: {  	v4 =	vld [tilespmem:s0+$0x6720];
	v6 =	vadd.f32 v7, v6;
	v7 =	vpop (erf);
	(erf) = vrcp.f32 v8  }
0x45: {  	s7 =	simm.s32 $0x30;
	v0 =	vld [tilespmem:$0x15180]  }
0x46: {  	v3 =	vadd.f32 v5, v3;
	v5 =	vld [tilespmem:s7+$0xDC50]  }
0x47: {  	v6 =	vmax.f32 v6, $1.000000000e+00;
	v1 =	vld [tilespmem:s0+$0x8E30]  }
0x48: {  	v2 =	vld [tilespmem:s7+$0xB540];
	v3 =	vmul.f32 v7, v3;
	(erf) = vrcp.f32 v6;
	_ =	sdelay $0x1  }
0x49: {  	[tilespmem:s8+$0x12A70] =	vst v7;
	v6 =	vadd.f32 v3, v0  }
0x4a: {  	s10 =	simm.s32 $0x100;
	v3 =	vld [tilespmem:s6+$0x6720]  }
.LBB2_2:
0x4b: {  	s11 =	sshra.s32 s10, $0x2;
	v4 =	vadd.f32 v1, v4;
	v1 =	vld [tilespmem:s6+$0x8E30];
	v6 =	vmax.f32 v6, $0.0e+00;
	p0 =	sne.s32 s10, $0x9C00  }
.Ltmp0:
0x4c: {  	s10 =	sadd.s32 $0x40, s10;
	v7 =	vadd.f32 v5, v2;
	v2 =	vld [tilespmem:s11+$0xB540];
	v8 =	vpop (erf);
	[tilespmem:s8+$0x10360] =	vst v6;
	(pc) =	sbr.rel @p0 .LBB2_2-.Ltmp0, $4  }
0x4d: {  	s8 =	smov.u32 s0;
	v5 =	vld [tilespmem:s11+$0xDC50];
	v9 =	vmul.f32 v8, v4;
	[tilespmem:s0+$0x12A70] =	vst v8;
	s0 =	smov.u32 s6;
	s6 =	smov.u32 s7  }
0x4e: {  	s7 =	smov.u32 s11;
	v6 =	vmax.f32 v7, $1.000000000e+00  }
0x4f: {  	(erf) = vrcp.f32 v6;
	v6 =	vadd.f32 v9, v0;
	v4 =	vmov v3  }
0x50: {  	v3 =	vld [tilespmem:s6+$0x6720]  }
0x51: {  	_ = 	snop  }
0x52: {  	v2 =	vadd.f32 v5, v2;
	_ =	sdelay $0x1  }
0x53: {  	v6 =	vmax.f32 v6, $0.0e+00;
	v2 =	vmax.f32 v2, $1.000000000e+00  }
0x54: {  	v58 =	vld [tilespmem:s6+$0x8E30];
	v7 =	vpop (erf);
	[tilespmem:s8+$0x10360] =	vst v6;
	(erf) = vrcp.f32 v2  }
0x55: {  	[tilespmem:s0+$0x12A70] =	vst v7  }
0x56: {  	v59 =	vld [tilespmem:s7+$0x6720]  }
0x57: {  	v6 =	vld [tilespmem:s7+$0x8E30]  }
0x58: {  	v1 =	vadd.f32 v1, v4;
	_ =	sdelay $0x1  }
0x59: {  	v1 =	vmul.f32 v7, v1;
	v3 =	vadd.f32 v58, v3  }
0x5a: {  	v60 =	vpop (erf)  }
0x5b: {  	v1 =	vadd.f32 v1, v0;
	v3 =	vmul.f32 v60, v3;
	v2 =	vadd.f32 v6, v59  }
0x5c: {  	v61 =	vpop (erf)  }
0x5d: {  	v1 =	vmax.f32 v1, $0.0e+00;
	v3 =	vadd.f32 v3, v0;
	v2 =	vmul.f32 v61, v2  }
0x5e: {  	[tilespmem:s0+$0x10360] =	vst v1  }
0x5f: {  	[tilespmem:s6+$0x12A70] =	vst v60;
	v62 =	vmax.f32 v3, $0.0e+00;
	v63 =	vadd.f32 v2, v0  }
0x60: {  	[tilespmem:s6+$0x10360] =	vst v62  }
0x61: {  	[tilespmem:s7+$0x12A70] =	vst v61;
	v0 =	vmax.f32 v63, $0.0e+00  }
0x62: {  	[tilespmem:s7+$0x10360] =	vst v0;
	s7 =	simm.s32 $0x10360  }
0x63: {  	[spmem:s14] =	stream.linear.scatter [tilespmem:s7], [sflag:$0x6], $0x2710, $0x38;
	[tilespmem:$0x19FB0] =	vst v63  }
0x64: {  	_ =	swait.ge [sflag:s17], $0x2710  }
0x65: {  	[sflag:s17] =	ssyncset.done $0x0  }
0x66: {  	[sflag:s17] =	ssyncadd.s32 $0xFFFFD8F0  }
0x67: {  	s8 =	simm.s32 $0x0;
	[bflag:$0x0] =	sbarrier.arrive $0xFFFF  }
0x68: {  	[tilespmem:s29], [sflag:$0x1] =	stream.indirect.gather [spmem:s4], $0x10, s8, s28, $0xb8;
	[tilespmem:$0x19FB0] =	vst v63  }
0x69: {  	_ = 	snop  }
0x6a: {  	[tilespmem:s30], [sflag:$0x2] =	stream.indirect.gather [spmem:s4], $0x10, s28, s28, $0xb8;
	[tilespmem:$0x19FB0] =	vst v63  }
0x6b: {  	s10 =	simm.s32 $0xA0  }
0x6c: {  	[tilespmem:s2], [sflag:$0x3] =	stream.indirect.gather [spmem:s4], $0x10, s10, s28, $0xb8;
	[tilespmem:$0x19FB0] =	vst v63  }
0x6d: {  	s11 =	simm.s32 $0xF0  }
0x6e: {  	[tilespmem:s1], [sflag:$0x4] =	stream.indirect.gather [spmem:s4], $0x10, s11, s28, $0xb8;
	[tilespmem:$0x19FB0] =	vst v63  }
0x6f: {  	s6 =	simm.s32 $0x140  }
0x70: {  	[tilespmem:s21], [sflag:$0x5] =	stream.indirect.gather [spmem:s4], $0x10, s6, s28, $0xb8;
	[tilespmem:$0x19FB0] =	vst v63  }
0x71: {  	_ =	swait.ge [sflag:s22], $0x500  }
0x72: {  	[sflag:s22] =	ssyncset.done $0x0  }
0x73: {  	s7 =	simm.s32 $0x2710;
	[sflag:s22] =	ssyncadd.s32 $0xFFFFFB00  }
0x74: {  	[spmem:s3] =	stream.indirect.scatter.add.f32 [tilespmem:s29], [sflag:$0x6], $0x10, s7, s28, $0xb8;
	[tilespmem:$0x19FB0] =	vst v63  }
0x75: {  	_ =	swait.ge [sflag:s17], $0x500  }
0x76: {  	[sflag:s17] =	ssyncset.done $0x0  }
0x77: {  	s8 =	simm.s32 $0x190;
	[sflag:s17] =	ssyncadd.s32 $0xFFFFFB00  }
0x78: {  	[tilespmem:s29], [sflag:$0x1] =	stream.indirect.gather [spmem:s4], $0x10, s8, s28, $0xb8;
	[tilespmem:$0x19FB0] =	vst v63  }
0x79: {  	_ =	swait.ge [sflag:s23], $0x500  }
0x7a: {  	[sflag:s23] =	ssyncset.done $0x0  }
0x7b: {  	s10 =	simm.s32 $0x2760;
	[sflag:s23] =	ssyncadd.s32 $0xFFFFFB00  }
0x7c: {  	[spmem:s3] =	stream.indirect.scatter.add.f32 [tilespmem:s30], [sflag:$0x6], $0x10, s10, s28, $0xb8;
	[tilespmem:$0x19FB0] =	vst v63  }
0x7d: {  	_ =	swait.ge [sflag:s17], $0x500  }
0x7e: {  	[sflag:s17] =	ssyncset.done $0x0  }
0x7f: {  	s11 =	simm.s32 $0x1E0;
	[sflag:s17] =	ssyncadd.s32 $0xFFFFFB00  }
0x80: {  	[tilespmem:s30], [sflag:$0x2] =	stream.indirect.gather [spmem:s4], $0x10, s11, s28, $0xb8;
	[tilespmem:$0x19FB0] =	vst v63  }
0x81: {  	_ =	swait.ge [sflag:s25], $0x500  }
0x82: {  	[sflag:s25] =	ssyncset.done $0x0  }
0x83: {  	s6 =	simm.s32 $0x27B0;
	[sflag:s25] =	ssyncadd.s32 $0xFFFFFB00  }
0x84: {  	[spmem:s3] =	stream.indirect.scatter.add.f32 [tilespmem:s2], [sflag:$0x6], $0x10, s6, s28, $0xb8;
	[tilespmem:$0x19FB0] =	vst v63  }
0x85: {  	_ =	swait.ge [sflag:s17], $0x500  }
0x86: {  	[sflag:s17] =	ssyncset.done $0x0  }
0x87: {  	s7 =	simm.s32 $0x230;
	[sflag:s17] =	ssyncadd.s32 $0xFFFFFB00  }
0x88: {  	[tilespmem:s2], [sflag:$0x3] =	stream.indirect.gather [spmem:s4], $0x10, s7, s28, $0xb8;
	[tilespmem:$0x19FB0] =	vst v63  }
0x89: {  	_ =	swait.ge [sflag:s26], $0x500  }
0x8a: {  	[sflag:s26] =	ssyncset.done $0x0  }
0x8b: {  	s8 =	simm.s32 $0x2800;
	[sflag:s26] =	ssyncadd.s32 $0xFFFFFB00  }
0x8c: {  	[spmem:s3] =	stream.indirect.scatter.add.f32 [tilespmem:s1], [sflag:$0x6], $0x10, s8, s28, $0xb8;
	[tilespmem:$0x19FB0] =	vst v63  }
0x8d: {  	_ =	swait.ge [sflag:s17], $0x500  }
0x8e: {  	[sflag:s17] =	ssyncset.done $0x0  }
0x8f: {  	s10 =	simm.s32 $0x280;
	[sflag:s17] =	ssyncadd.s32 $0xFFFFFB00  }
0x90: {  	[tilespmem:s1], [sflag:$0x4] =	stream.indirect.gather [spmem:s4], $0x10, s10, s28, $0xb8;
	[tilespmem:$0x19FB0] =	vst v63  }
0x91: {  	_ =	swait.ge [sflag:s31], $0x500  }
0x92: {  	[sflag:s31] =	ssyncset.done $0x0  }
0x93: {  	s11 =	simm.s32 $0x2850;
	[sflag:s31] =	ssyncadd.s32 $0xFFFFFB00  }
0x94: {  	[spmem:s3] =	stream.indirect.scatter.add.f32 [tilespmem:s21], [sflag:$0x6], $0x10, s11, s28, $0xb8;
	[tilespmem:$0x19FB0] =	vst v63  }
0x95: {  	_ =	swait.ge [sflag:s17], $0x500  }
0x96: {  	[sflag:s17] =	ssyncset.done $0x0  }
0x97: {  	s0 =	simm.s32 $0x640;
	s6 =	simm.s32 $0x2D0;
	[sflag:s17] =	ssyncadd.s32 $0xFFFFFB00  }
.LBB2_4:
0x98: {  	[tilespmem:s21], [sflag:$0x5] =	stream.indirect.gather [spmem:s4], $0x10, s6, s28, $0xb8;
	[tilespmem:$0x19FB0] =	vst v63  }
0x99: {  	s6 =	smov.u32 s0  }
0x9a: {  	p0 =	sne.s32 s0, $0x8FC0;
	s0 =	sadd.s32 $0x640, s0;
	_ =	swait.ge [sflag:s22], $0x500  }
0x9b: {  	s6 =	sshra.s32 s6, $0x2;
	[sflag:s22] =	ssyncset.done $0x0  }
0x9c: {  	s7 =	sadd.s32 $0x2710, s6;
	[sflag:s22] =	ssyncadd.s32 $0xFFFFFB00  }
0x9d: {  	[spmem:s3] =	stream.indirect.scatter.add.f32 [tilespmem:s29], [sflag:$0x6], $0x10, s7, s28, $0xb8;
	[tilespmem:$0x19FB0] =	vst v63  }
0x9e: {  	_ =	swait.ge [sflag:s17], $0x500  }
0x9f: {  	[sflag:s17] =	ssyncset.done $0x0  }
0xa0: {  	s7 =	sadd.s32 $0x190, s6;
	[sflag:s17] =	ssyncadd.s32 $0xFFFFFB00  }
0xa1: {  	[tilespmem:s29], [sflag:$0x1] =	stream.indirect.gather [spmem:s4], $0x10, s7, s28, $0xb8;
	[tilespmem:$0x19FB0] =	vst v63  }
0xa2: {  	_ =	swait.ge [sflag:s23], $0x500  }
0xa3: {  	[sflag:s23] =	ssyncset.done $0x0  }
0xa4: {  	s7 =	sadd.s32 $0x2760, s6;
	[sflag:s23] =	ssyncadd.s32 $0xFFFFFB00  }
0xa5: {  	[spmem:s3] =	stream.indirect.scatter.add.f32 [tilespmem:s30], [sflag:$0x6], $0x10, s7, s28, $0xb8;
	[tilespmem:$0x19FB0] =	vst v63  }
0xa6: {  	_ =	swait.ge [sflag:s17], $0x500  }
0xa7: {  	[sflag:s17] =	ssyncset.done $0x0  }
0xa8: {  	s7 =	sadd.s32 $0x1E0, s6;
	[sflag:s17] =	ssyncadd.s32 $0xFFFFFB00  }
0xa9: {  	[tilespmem:s30], [sflag:$0x2] =	stream.indirect.gather [spmem:s4], $0x10, s7, s28, $0xb8;
	[tilespmem:$0x19FB0] =	vst v63  }
0xaa: {  	_ =	swait.ge [sflag:s25], $0x500  }
0xab: {  	[sflag:s25] =	ssyncset.done $0x0  }
0xac: {  	s7 =	sadd.s32 $0x27B0, s6;
	[sflag:s25] =	ssyncadd.s32 $0xFFFFFB00  }
0xad: {  	[spmem:s3] =	stream.indirect.scatter.add.f32 [tilespmem:s2], [sflag:$0x6], $0x10, s7, s28, $0xb8;
	[tilespmem:$0x19FB0] =	vst v63  }
0xae: {  	_ =	swait.ge [sflag:s17], $0x500  }
0xaf: {  	[sflag:s17] =	ssyncset.done $0x0  }
0xb0: {  	s7 =	sadd.s32 $0x230, s6;
	[sflag:s17] =	ssyncadd.s32 $0xFFFFFB00  }
0xb1: {  	[tilespmem:s2], [sflag:$0x3] =	stream.indirect.gather [spmem:s4], $0x10, s7, s28, $0xb8;
	[tilespmem:$0x19FB0] =	vst v63  }
0xb2: {  	_ =	swait.ge [sflag:s26], $0x500  }
0xb3: {  	[sflag:s26] =	ssyncset.done $0x0  }
0xb4: {  	s7 =	sadd.s32 $0x2800, s6;
	[sflag:s26] =	ssyncadd.s32 $0xFFFFFB00  }
0xb5: {  	[spmem:s3] =	stream.indirect.scatter.add.f32 [tilespmem:s1], [sflag:$0x6], $0x10, s7, s28, $0xb8;
	[tilespmem:$0x19FB0] =	vst v63  }
0xb6: {  	_ =	swait.ge [sflag:s17], $0x500  }
0xb7: {  	[sflag:s17] =	ssyncset.done $0x0  }
0xb8: {  	s7 =	sadd.s32 $0x280, s6;
	[sflag:s17] =	ssyncadd.s32 $0xFFFFFB00  }
0xb9: {  	[tilespmem:s1], [sflag:$0x4] =	stream.indirect.gather [spmem:s4], $0x10, s7, s28, $0xb8;
	[tilespmem:$0x19FB0] =	vst v63  }
0xba: {  	_ =	swait.ge [sflag:s31], $0x500  }
0xbb: {  	[sflag:s31] =	ssyncset.done $0x0  }
.Ltmp1:
0xbc: {  	s7 =	sadd.s32 $0x2850, s6;
	[sflag:s31] =	ssyncadd.s32 $0xFFFFFB00;
	(pc) =	sbr.rel @p0 .LBB2_4-.Ltmp1, $4  }
0xbd: {  	[spmem:s3] =	stream.indirect.scatter.add.f32 [tilespmem:s21], [sflag:$0x6], $0x10, s7, s28, $0xb8;
	[tilespmem:$0x19FB0] =	vst v63  }
0xbe: {  	_ =	swait.ge [sflag:s17], $0x500  }
0xbf: {  	[sflag:s17] =	ssyncset.done $0x0  }
0xc0: {  	s6 =	sadd.s32 $0x2D0, s6;
	[sflag:s17] =	ssyncadd.s32 $0xFFFFFB00  }
0xc1: {  	[tilespmem:s21], [sflag:$0x5] =	stream.indirect.gather [spmem:s4], $0x10, s6, s28, $0xb8;
	[tilespmem:$0x19FB0] =	vst v63  }
0xc2: {  	_ =	swait.ge [sflag:s22], $0x500  }
0xc3: {  	[sflag:s22] =	ssyncset.done $0x0  }
0xc4: {  	s0 =	simm.s32 $0x4C90;
	[sflag:s22] =	ssyncadd.s32 $0xFFFFFB00  }
0xc5: {  	[spmem:s3] =	stream.indirect.scatter.add.f32 [tilespmem:s29], [sflag:$0x6], $0x10, s0, s28, $0xb8;
	[tilespmem:$0x19FB0] =	vst v63  }
0xc6: {  	_ =	swait.ge [sflag:s17], $0x500  }
0xc7: {  	[sflag:s17] =	ssyncset.done $0x0  }
0xc8: {  	[sflag:s17] =	ssyncadd.s32 $0xFFFFFB00  }
0xc9: {  	_ =	swait.ge [sflag:s23], $0x500  }
0xca: {  	[sflag:s23] =	ssyncset.done $0x0  }
0xcb: {  	s7 =	simm.s32 $0x4CE0;
	[sflag:s23] =	ssyncadd.s32 $0xFFFFFB00  }
0xcc: {  	[spmem:s3] =	stream.indirect.scatter.add.f32 [tilespmem:s30], [sflag:$0x6], $0x10, s7, s28, $0xb8;
	[tilespmem:$0x19FB0] =	vst v63  }
0xcd: {  	_ =	swait.ge [sflag:s17], $0x500  }
0xce: {  	[sflag:s17] =	ssyncset.done $0x0  }
0xcf: {  	[sflag:s17] =	ssyncadd.s32 $0xFFFFFB00  }
0xd0: {  	_ =	swait.ge [sflag:s25], $0x500  }
0xd1: {  	[sflag:s25] =	ssyncset.done $0x0  }
0xd2: {  	s8 =	simm.s32 $0x4D30;
	[sflag:s25] =	ssyncadd.s32 $0xFFFFFB00  }
0xd3: {  	[spmem:s3] =	stream.indirect.scatter.add.f32 [tilespmem:s2], [sflag:$0x6], $0x10, s8, s28, $0xb8;
	[tilespmem:$0x19FB0] =	vst v63  }
0xd4: {  	_ =	swait.ge [sflag:s17], $0x500  }
0xd5: {  	[sflag:s17] =	ssyncset.done $0x0  }
0xd6: {  	[sflag:s17] =	ssyncadd.s32 $0xFFFFFB00  }
0xd7: {  	_ =	swait.ge [sflag:s26], $0x500  }
0xd8: {  	[sflag:s26] =	ssyncset.done $0x0  }
0xd9: {  	s10 =	simm.s32 $0x4D80;
	[sflag:s26] =	ssyncadd.s32 $0xFFFFFB00  }
0xda: {  	[spmem:s3] =	stream.indirect.scatter.add.f32 [tilespmem:s1], [sflag:$0x6], $0x10, s10, s28, $0xb8;
	[tilespmem:$0x19FB0] =	vst v63  }
0xdb: {  	_ =	swait.ge [sflag:s17], $0x500  }
0xdc: {  	[sflag:s17] =	ssyncset.done $0x0  }
0xdd: {  	[sflag:s17] =	ssyncadd.s32 $0xFFFFFB00  }
0xde: {  	_ =	swait.ge [sflag:s31], $0x500  }
0xdf: {  	[sflag:s31] =	ssyncset.done $0x0  }
0xe0: {  	s11 =	simm.s32 $0x4DD0;
	[sflag:s31] =	ssyncadd.s32 $0xFFFFFB00  }
0xe1: {  	[spmem:s3] =	stream.indirect.scatter.add.f32 [tilespmem:s21], [sflag:$0x6], $0x10, s11, s28, $0xb8;
	[tilespmem:$0x19FB0] =	vst v63  }
0xe2: {  	_ =	swait.ge [sflag:s17], $0x500  }
0xe3: {  	[sflag:s17] =	ssyncset.done $0x0  }
0xe4: {  	[sflag:s17] =	ssyncadd.s32 $0xFFFFFB00  }
0xe5: {  	[bflag:$0x0] =	sbarrier.arrive $0xFFFF  }
0xe6: {  	[tilespmem:s24], [sflag:$0x6] =	stream.linear.gather [spmem:s9], $0x2710, $0x38;
	[tilespmem:$0x19FB0] =	vst v63  }
0xe7: {  	_ =	swait.ge [sflag:s17], $0x2710  }
0xe8: {  	[sflag:s17] =	ssyncset.done $0x0  }
0xe9: {  	s0 =	simm.s32 $0x0;
	[sflag:s17] =	ssyncadd.s32 $0xFFFFD8F0  }
0xea: {  	s6 =	simm.s32 $0x40;
	v0 =	vld [tilespmem:s0+$0x12A70]  }
.LBB2_6:
0xeb: {  	p0 =	sne.s32 s6, $0x9C00;
	v1 =	vld [tilespmem:s0+$0xDC50];
	_ =	sdelay $0x2  }
.Ltmp2:
0xec: {  	(pc) =	sbr.rel @p0 .LBB2_6-.Ltmp2, $4  }
0xed: {  	_ = 	snop  }
0xee: {  	v1 =	vmul.f32 v0, v1  }
0xef: {  	s7 =	sshra.s32 s6, $0x2  }
0xf0: {  	s6 =	sadd.s32 $0x40, s6;
	v0 =	vld [tilespmem:s7+$0x12A70];
	[tilespmem:s0+$0xDC50] =	vst v1;
	s0 =	smov.u32 s7  }
0xf1: {  	v1 =	vld [tilespmem:s0+$0xDC50];
	_ =	sdelay $0x4  }
0xf2: {  	s18 =	sadd.s32 $0x1, s18;
	v0 =	vmul.f32 v0, v1  }
0xf3: {  	p0 =	sne.s32 s18, s16  }
.Ltmp3:
0xf4: {  	[tilespmem:s0+$0xDC50] =	vst v0;
	(pc) =	sbr.rel @p0 .LBB2_1-.Ltmp3, $4  }
0xf5: {  	[hbm4b:s15+s5] =	stream.linear.scatter [tilespmem:s24], [sflag:$0x6], $0x2710, $0x38;
	[tilespmem:$0x19FB0] =	vst v63  }
0xf6: {  	_ =	swait.ge [sflag:s17], $0x2710  }
0xf7: {  	[sflag:s17] =	ssyncset.done $0x0  }
0xf8: {  	[sflag:s17] =	ssyncadd.s32 $0xFFFFD8F0  }
0xf9: {  	_ =	sfence.sel $0x180000  }
0xfa: {  	[bflag:$0x0] =	sbarrier.arrive $0xFFFF  }
0xfb: {  	_ =	strace $0x9000004D  }
0xfc: {  	s0 =	stileid.u32;
	[bflag:$0x2] =	sbarrier.arrive $0xFFFF  }
0xfd: {  	p0 =	sne.s32 s0, $0x0;
	s0 =	rddreg [dreg:$0x5]  }
0xfe: {  	s0 =	sadd.s32 @!p0 $0x100000, s0  }
0xff: {  	[sflag:s0] =	ssyncadd.tile.s32 @!p0 $0x1;
	_ =	shalt  }
.Lfunc_end2:
_tile_overlayer_lowered:
.L_overlay_start_2:
0x100: {  	(tag) =	ssettag $0x2  }
0x101: {  	s0 =	rddreg [dreg:$0x0];
	s2 =	stileid.u32  }
0x102: {  	s1 =	rddreg [dreg:$0x1];
	p0 =	sne.s32 s2, $0x0  }
0x103: {  	s3 =	rddreg [dreg:$0x2];
	[bflag:$0x3] =	sbarrier.arrive $0xFFFF;
	s2 =	simm.s32 @!p0 $0x1C06  }
0x104: {  	[timem:s3], [sflag:s2] =	dma.local @!p0 [hbm:s0], s1  }
0x105: {  	s0 =	simm.s32 @!p0 $0x6  }
0x106: {  	_ =	swait.ge @!p0 [sflag:s0], s1  }
0x107: {  	s1 =	ssub.s32 @!p0 $0x0, s1;
	[sflag:s0] =	ssyncset.done @!p0 $0x0  }
0x108: {  	[sflag:s0] =	ssyncadd.s32 @!p0 s1  }
0x109: {  	[bflag:$0x3] =	sbarrier.arrive $0xFFFF  }
0x10a: {  	_ =	shalt  }

// kernel: kernel.7.cloned.1.call-start
scs
__scs_entry_jumppad:
0x0: {  	(pc) =	sbr.rel $0x88, $3  }
0x1: {  	(tag) =	ssettag $0x0;
	lr =	simm.s32 $0x1  }
0x2: {  	[smem:$0x3F9B] =	sst lr;
	_ =	strace $0xD0000000  }
0x3: {  	_ = 	snop  }
0x4: {  	_ = 	snop  }
0x5: {  	_ = 	snop  }
0x6: {  	_ = 	snop  }
0x7: {  	_ = 	snop  }
__scs_overlays_trampoline_lowered:
0x8: {  	[smem:$0x3FAA] =	sst s0  }
0x9: {  	[smem:$0x3FAB] =	sst s1  }
0xa: {  	[smem:$0x3FAC] =	sst s2  }
0xb: {  	[smem:$0x3FAD] =	sst s3  }
0xc: {  	[smem:$0x3FAE] =	sst s4  }
0xd: {  	[smem:$0x3FAF] =	sst s5  }
0xe: {  	[smem:$0x3FB0] =	sst s6  }
0xf: {  	[smem:$0x3FB1] =	sst s7  }
0x10: {  	[smem:$0x3FB2] =	sst s8  }
0x11: {  	[smem:$0x3FB3] =	sst s9;
	s0 =	simm.s32 @!p0 $0x0  }
0x12: {  	s1 =	sld [smem:$0x3F99];
	s0 =	simm.s32 @p0 $0x1  }
0x13: {  	[smem:$0x3FB4] =	sst s0;
	s0 =	simm.s32 @!p1 $0x0  }
0x14: {  	s2 =	sld [smem:$0x3F98];
	s0 =	simm.s32 @p1 $0x1  }
0x15: {  	[smem:$0x3FB5] =	sst s0;
	s0 =	simm.s32 @!p2 $0x0  }
0x16: {  	s3 =	sld [smem:$0x3FDB];
	s0 =	simm.s32 @p2 $0x1  }
0x17: {  	s4 =	simm.s32 $0x1BF5;
	[smem:$0x3FB7] =	sst s0  }
0x18: {  	s0 =	sld [smem:$0x3F9A];
	_ =	swait.ge [sflag:s4], $0x0  }
0x19: {  	s7 =	sld [smem:$0x3F9B]  }
0x1a: {  	s8 =	sadd.s32 $0xFFFFE003, lr  }
0x1b: {  	s9 =	sadd.s32 $0xFFFFFEF7, lr;
	s5 =	simm.s32 $0xFFFFFFFF;
	p2 =	slt.u32 s8, $0xFFFFF086  }
0x1c: {  	p1 =	slt.u32 s9, $0xF7A;
	s5 =	simm.s32 @!p2 $0x0  }
0x1d: {  	s5 =	simm.s32 @p1 $0x1;
	p0 =	seq.s32 s7, s2  }
0x1e: {  	s7 =	smul.u32 @!p0 $0xF7A, s2;
	p2 =	seq.s32 @!p0 s5, $0x0  }
0x1f: {  	s9 =	smul.u32 $0xF7A, s1;
	s8 =	simm.s32 @!p0 $0x1BF5;
	p2 =	por !p2, p0  }
0x20: {  	[sflag:s8] =	ssyncset.s32 @!p0 $0xFFFFF086;
	s6 =	sadd.s32 @!p0 s3, s7;
	s7 =	simm.s32 @!p0 $0x108  }
0x21: {  	s3 =	sadd.s32 s3, s9;
	s6 =	sadd.s32 @!p0 $0x88, s6;
	s7 =	simm.s32 @p2 $0x1082  }
0x22: {  	[simem:s7], [sflag:s8] =	dma.local @!p0 [hbm:s6], $0xF7A  }
0x23: {  	s9 =	sor.u32 $0xD0000000, s2;
	s6 =	simm.s32 $0x108;
	_ =	swait.ge @!p0 [sflag:s8], $0x0  }
0x24: {  	s3 =	sadd.s32 $0x88, s3;
	s6 =	simm.s32 @!p1 $0x1082;
	[sflag:s4] =	ssyncset.s32 $0xFFFFF086  }
0x25: {  	[simem:s6], [sflag:s4] =	dma.local [hbm:s3], $0xF7A  }
0x26: {  	[smem:$0x3F9B] =	sst s1;
	(tag) =	ssettag s2;
	_ =	strace s9  }
0x27: {  	s1 =	sld [smem:$0x3FAB]  }
0x28: {  	s2 =	sld [smem:$0x3FAC]  }
0x29: {  	s4 =	sld [smem:$0x3FAE]  }
0x2a: {  	p0 =	seq.s32 s5, $0x0;
	s5 =	sld [smem:$0x3FAF]  }
0x2b: {  	s6 =	sld [smem:$0x3FB0]  }
0x2c: {  	s7 =	sld [smem:$0x3FB1]  }
0x2d: {  	s3 =	simm.s32 $0x108;
	s8 =	sld [smem:$0x3FB2]  }
0x2e: {  	s3 =	simm.s32 @!p0 $0x1082;
	s9 =	sld [smem:$0x3FB3]  }
0x2f: {  	lr =	sadd.s32 s0, s3;
	s0 =	sld [smem:$0x3FAA]  }
0x30: {  	s3 =	sld [smem:$0x3FAD]  }
0x31: {  	[smem:$0x3FB6] =	sst s10  }
0x32: {  	s10 =	sld [smem:$0x3FB4];
	_ =	sdelay $0x3  }
0x33: {  	p0 =	seq.s32 s10, $0x1;
	s10 =	sld [smem:$0x3FB6];
	_ =	sdelay $0x3  }
0x34: {  	[smem:$0x3FB6] =	sst s10  }
0x35: {  	s10 =	sld [smem:$0x3FB5];
	_ =	sdelay $0x3  }
0x36: {  	p1 =	seq.s32 s10, $0x1;
	s10 =	sld [smem:$0x3FB6];
	_ =	sdelay $0x3  }
0x37: {  	[smem:$0x3FB6] =	sst s10  }
0x38: {  	s10 =	sld [smem:$0x3FB7]  }
0x39: {  	_ = 	snop;
	(pc) =	sbr.ind lr, $3  }
0x3a: {  	_ = 	snop  }
0x3b: {  	_ = 	snop  }
0x3c: {  	p2 =	seq.s32 s10, $0x1;
	s10 =	sld [smem:$0x3FB6]  }
0x3d: {  	_ =	shalt  }
0x3e: {  	_ =	shalt  }
0x3f: {  	_ =	shalt  }
0x40: {  	_ =	shalt  }
0x41: {  	_ =	shalt  }
0x42: {  	_ =	shalt  }
0x43: {  	_ =	shalt  }
0x44: {  	_ =	shalt  }
0x45: {  	_ =	shalt  }
0x46: {  	_ =	shalt  }
0x47: {  	_ =	shalt  }
0x48: {  	_ =	shalt  }
0x49: {  	_ =	shalt  }
0x4a: {  	_ =	shalt  }
0x4b: {  	_ =	shalt  }
0x4c: {  	_ =	shalt  }
0x4d: {  	_ =	shalt  }
0x4e: {  	_ =	shalt  }
0x4f: {  	_ =	shalt  }
0x50: {  	_ =	shalt  }
0x51: {  	_ =	shalt  }
0x52: {  	_ =	shalt  }
0x53: {  	_ =	shalt  }
0x54: {  	_ =	shalt  }
0x55: {  	_ =	shalt  }
0x56: {  	_ =	shalt  }
0x57: {  	_ =	shalt  }
0x58: {  	_ =	shalt  }
0x59: {  	_ =	shalt  }
0x5a: {  	_ =	shalt  }
0x5b: {  	_ =	shalt  }
0x5c: {  	_ =	shalt  }
0x5d: {  	_ =	shalt  }
0x5e: {  	_ =	shalt  }
0x5f: {  	_ =	shalt  }
0x60: {  	_ =	shalt  }
0x61: {  	_ =	shalt  }
0x62: {  	_ =	shalt  }
0x63: {  	_ =	shalt  }
0x64: {  	_ =	shalt  }
0x65: {  	_ =	shalt  }
0x66: {  	_ =	shalt  }
0x67: {  	_ =	shalt  }
0x68: {  	_ =	shalt  }
0x69: {  	_ =	shalt  }
0x6a: {  	_ =	shalt  }
0x6b: {  	_ =	shalt  }
0x6c: {  	_ =	shalt  }
0x6d: {  	_ =	shalt  }
0x6e: {  	_ =	shalt  }
0x6f: {  	_ =	shalt  }
0x70: {  	_ =	shalt  }
0x71: {  	_ =	shalt  }
0x72: {  	_ =	shalt  }
0x73: {  	_ =	shalt  }
0x74: {  	_ =	shalt  }
0x75: {  	_ =	shalt  }
0x76: {  	_ =	shalt  }
0x77: {  	_ =	shalt  }
0x78: {  	_ =	shalt  }
0x79: {  	_ =	shalt  }
0x7a: {  	_ =	shalt  }
0x7b: {  	_ =	shalt  }
0x7c: {  	_ =	shalt  }
0x7d: {  	_ =	shalt  }
0x7e: {  	_ =	shalt  }
0x7f: {  	_ =	shalt  }
0x80: {  	_ =	shalt  }
0x81: {  	_ =	shalt  }
0x82: {  	_ =	shalt  }
0x83: {  	_ =	shalt  }
0x84: {  	_ =	shalt  }
0x85: {  	_ =	shalt  }
0x86: {  	_ =	shalt  }
0x87: {  	_ =	shalt  }
.Lfunc_end0:
.L_simem_size_0:
called_computation_lowered:
.L_overlay_start_0:
0x88: {  	s2 =	sld [smem:$0x3FD9]  }
0x89: {  	s3 =	sld [smem:$0x3FFE];
	_ =	sdelay $0x1  }
0x8a: {  	s1 =	srdreg.scid  }
0x8b: {  	s0 =	sand.u32 $0x1, s1  }
0x8c: {  	s17 =	sshll.u32 s0, $0xA;
	s2 =	sadd.s32 s3, s2  }
0x8d: {  	s2 =	sadd.s32 s2, s17  }
0x8e: {  	[smem:$0x3FC2] =	sst s2  }
0x8f: {  	_ = 	snop  }
0x90: {  	s2 =	sld [smem:$0x3FD0];
	(tm) =	ssettm $0x1  }
0x91: {  	s18 =	sld [smem:$0x3FFB];
	_ =	sdelay $0x3  }
0x92: {  	_ =	strace s18  }
0x93: {  	s3 =	sld [smem:$0x3FFC];
	_ =	sdelay $0x3  }
0x94: {  	_ =	strace s3  }
0x95: {  	s3 =	sld [smem:$0x3FFD];
	_ =	sdelay $0x3  }
0x96: {  	_ =	strace s3  }
0x97: {  	_ =	strace $0x8FFFFFFF  }
0x98: {  	s19 =	sld [smem:$0x3FDB];
	_ =	sdelay $0x1  }
0x99: {  	s4 =	simm.s32 $_scs_section_size  }
0x9a: {  	s5 =	simm.s32 $_size__tile_overlayer_lowered;
	s6 =	simm.s32 $_tile_overlayer_lowered  }
0x9b: {  	s22 =	simm.s32 $0x1BFF;
	s21 =	sshll.u32 s6, $0x1;
	s3 =	sadd.s32 s4, s19  }
0x9c: {  	s7 =	simm.s32 $0x0;
	s20 =	sshll.u32 s5, $0x1;
	s5 =	sadd.s32 s21, s3  }
0x9d: {  	[timem:s7], [sflag:s22] =	dma.local [hbm:s5], s20  }
0x9e: {  	_ =	swait.ge [sflag:s22], s20  }
0x9f: {  	s4 =	ssub.s32 $0x0, s20;
	[sflag:s22] =	ssyncset.done $0x0  }
0xa0: {  	[sflag:s22] =	ssyncadd.s32 s4;
	_ =	sdelay $0x1  }
0xa1: {  	s23 =	simm.s32 $0x1B8B  }
0xa2: {  	_ =	swait.ge [sflag:s23], $0x1  }
0xa3: {  	[sflag:s23] =	ssyncset.done $0x0  }
0xa4: {  	s25 =	simm.s32 $0x1B8E;
	s24 =	sld [smem:$0x3FFE];
	[sflag:s23] =	ssyncadd.s32 $0xFFFFFFFF  }
0xa5: {  	s26 =	simm.s32 $execute0_lowered;
	[smem:$0x3FD2] =	sst s25  }
0xa6: {  	s5 =	sshll.u32 s26, $0x1;
	_ =	strace $0x80000046;
	[dreg:$0x1] =	wrdreg $0xFFFFFFFF  }
0xa7: {  	s28 =	simm.s32 $_size_execute0_lowered;
	s3 =	sadd.s32 s3, s5;
	[dreg:$0x0] =	wrdreg $0x0  }
0xa8: {  	s5 =	sshll.u32 s28, $0x1;
	[dreg:$0x2] =	wrdreg s3  }
0xa9: {  	[dreg:$0x3] =	wrdreg s5  }
0xaa: {  	[dreg:$0x4] =	wrdreg $0xC0  }
0xab: {  	_ =	task [dreg:s7], $0x5FFFF  }
0xac: {  	[dreg:$0x1] =	wrdreg $0xFFFFFFFF  }
0xad: {  	[dreg:$0x0] =	wrdreg $0x60  }
0xae: {  	[dreg:$0x2] =	wrdreg s2  }
0xaf: {  	[dreg:$0x3] =	wrdreg s24  }
0xb0: {  	[dreg:$0x4] =	wrdreg $0x2C100  }
0xb1: {  	[dreg:$0x5] =	wrdreg $0x9  }
0xb2: {  	_ =	task.clear_ibuf [dreg:s7], $0x6FFFF;
	_ =	strace $0x90000046  }
0xb3: {  	s29 =	simm.s32 $0x9;
	_ =	strace $0x80000048  }
0xb4: {  	_ =	swait.ge [sflag:s29], $0x1  }
0xb5: {  	[sflag:s29] =	ssyncadd.s32 $0xFFFFFFFF  }
0xb6: {  	_ =	strace $0x90000048  }
0xb7: {  	_ =	sfence  }
0xb8: {  	s30 =	sld [smem:$0x0];
	_ =	sdelay $0x2  }
0xb9: {  	s31 =	sshll.u32 s1, $0xD;
	s1 =	sshrl.u32 s1, $0x2  }
0xba: {  	s3 =	sand.u32 $0x4000, s31;
	s1 =	sadd.s32 s1, s30  }
0xbb: {  	s0 =	sor.u32 s3, s0;
	s1 =	sshll.u32 s1, $0x11  }
0xbc: {  	s0 =	sor.u32 s1, s0  }
0xbd: {  	s0 =	sadd.s32 $0x8F2B, s0  }
0xbe: {  	[sflag:s0] =	ssyncadd.remote.s32 $0x1  }
0xbf: {  	_ =	sfence.sel $0xFFFF  }
0xc0: {  	[dreg:$0x0] =	wrdreg $0xFFFFFFFF;
	(pc) =	sbr.abs _section_cstart, $3  }
0xc1: {  	[dreg:$0x1] =	wrdreg $0xFFFFFFFF  }
0xc2: {  	_ =	task.clear_ibuf [dreg:s7], $0x2FFFF;
	_ =	strace $0x9FFFFFFF  }
0xc3: {  	(tm) =	ssettm $0x7FFFFFFF  }
tec
execute0_lowered:
.L_overlay_start_1:
0x0: {  	(tag) =	ssettag $0x1  }
0x1: {  	s6 =	rddreg [dreg:$0x0]  }
0x2: {  	s7 =	rddreg [dreg:$0x1]  }
0x3: {  	s2 =	rddreg [dreg:$0x2]  }
0x4: {  	s0 =	rddreg [dreg:$0x3];
	s4 =	srdreg.scid  }
0x5: {  	s1 =	stileid.u32;
	s3 =	simm.s32 $0x0;
	s13 =	simm.s32 $0x50  }
0x6: {  	s14 =	simm.s32 $0x1;
	s15 =	simm.s32 $0x0;
	s5 =	sand.u32 $0x1, s4  }
0x7: {  	s8 =	smul.u32 $0x2710, s1;
	[smem:$0x7FF] =	sst s3;
	s4 =	sadd.s32 $0xB200, s7  }
0x8: {  	s10 =	sshll.u32 s1, $0x1;
	s31 =	sshll.u32 s1, $0x6;
	s9 =	smul.u32 $0x27100, s5  }
0x9: {  	_ =	strace $0x80000047;
	s11 =	ssub.s32 $0x2, s5;
	s5 =	sor.u32 s5, s10  }
0xa: {  	s10 =	sor.u32 $0x1C02, s31;
	s28 =	sshrl.u32 s11, $0x1;
	s12 =	smul.u32 $0x4E2, s5  }
0xb: {  	s5 =	sadd.s32 $0xB000, s7;
	s30 =	sadd.s32 s8, s2;
	s9 =	sadd.s32 s8, s9  }
0xc: {  	s29 =	ssub.s32 s11, s28;
	s11 =	sshrl.u32 s30, $0x3;
	s9 =	sshrl.u32 s9, $0x3  }
0xd: {  	s6 =	sadd.s32 s6, s12;
	s8 =	smax.u32 s29, $0x1;
	s7 =	sadd.s32 s9, s7  }
0xe: {  	s12 =	simm.s32 $0x2710;
	s9 =	simm.s32 $0x2;
	s7 =	sadd.s32 $0xB800, s7  }
.LBB2_1:
0xf: {  	[tilespmem:s3], [sflag:$0x2] =	stream.linear.gather [hbm4b:s6+s3], $0x2710, $0x38;
	[tilespmem:$0x5320] =	vst v63  }
0x10: {  	_ =	swait.ge [sflag:s9], $0x2710  }
0x11: {  	[sflag:s9] =	ssyncset.done $0x0  }
0x12: {  	[sflag:s9] =	ssyncadd.s32 $0xFFFFD8F0  }
0x13: {  	[spmem:s11], [sflag:s10] =	dma.local [hbm:s4], $0x4E2  }
0x14: {  	_ =	swait.ge [sflag:s9], $0x4E2  }
0x15: {  	[sflag:s9] =	ssyncset.done $0x0  }
0x16: {  	[sflag:s9] =	ssyncadd.s32 $0xFFFFFB1E  }
0x17: {  	[tilespmem:s12], [sflag:$0x2] =	stream.linear.gather [hbm4b:s5+s3], $0x500, $0x38;
	[tilespmem:$0x5320] =	vst v63  }
0x18: {  	_ =	swait.ge [sflag:s9], $0x500  }
0x19: {  	[sflag:s9] =	ssyncset.done $0x0  }
0x1a: {  	[sflag:s9] =	ssyncadd.s32 $0xFFFFFB00  }
0x1b: {  	s16 =	simm.s32 $0x0;
	[bflag:$0x0] =	sbarrier.arrive $0xFFFF  }
0x1c: {  	[spmem:s2] =	stream.indirect.scatter.add.f32 [tilespmem:s12], [sflag:$0x1], $0x10, s16, s13, $0xb8;
	[tilespmem:$0x5320] =	vst v63  }
0x1d: {  	s21 =	simm.s32 $0x50  }
0x1e: {  	[spmem:s2] =	stream.indirect.scatter.add.f32 [tilespmem:s12], [sflag:$0x1], $0x10, s21, s13, $0xb8;
	[tilespmem:$0x5320] =	vst v63  }
0x1f: {  	s22 =	simm.s32 $0xA0  }
0x20: {  	[spmem:s2] =	stream.indirect.scatter.add.f32 [tilespmem:s12], [sflag:$0x1], $0x10, s22, s13, $0xb8;
	[tilespmem:$0x5320] =	vst v63  }
0x21: {  	s23 =	simm.s32 $0xF0  }
0x22: {  	[spmem:s2] =	stream.indirect.scatter.add.f32 [tilespmem:s12], [sflag:$0x1], $0x10, s23, s13, $0xb8;
	[tilespmem:$0x5320] =	vst v63  }
0x23: {  	s24 =	simm.s32 $0x140  }
0x24: {  	[spmem:s2] =	stream.indirect.scatter.add.f32 [tilespmem:s12], [sflag:$0x1], $0x10, s24, s13, $0xb8;
	[tilespmem:$0x5320] =	vst v63  }
0x25: {  	s25 =	simm.s32 $0x190  }
0x26: {  	[spmem:s2] =	stream.indirect.scatter.add.f32 [tilespmem:s12], [sflag:$0x1], $0x10, s25, s13, $0xb8;
	[tilespmem:$0x5320] =	vst v63  }
0x27: {  	s26 =	simm.s32 $0x1E0  }
0x28: {  	[spmem:s2] =	stream.indirect.scatter.add.f32 [tilespmem:s12], [sflag:$0x1], $0x10, s26, s13, $0xb8;
	[tilespmem:$0x5320] =	vst v63  }
0x29: {  	s28 =	simm.s32 $0x230  }
0x2a: {  	[spmem:s2] =	stream.indirect.scatter.add.f32 [tilespmem:s12], [sflag:$0x1], $0x10, s28, s13, $0xb8;
	[tilespmem:$0x5320] =	vst v63  }
0x2b: {  	s29 =	simm.s32 $0x280  }
0x2c: {  	[spmem:s2] =	stream.indirect.scatter.add.f32 [tilespmem:s12], [sflag:$0x1], $0x10, s29, s13, $0xb8;
	[tilespmem:$0x5320] =	vst v63  }
0x2d: {  	s30 =	simm.s32 $0x2D0  }
0x2e: {  	[spmem:s2] =	stream.indirect.scatter.add.f32 [tilespmem:s12], [sflag:$0x1], $0x10, s30, s13, $0xb8;
	[tilespmem:$0x5320] =	vst v63  }
0x2f: {  	s31 =	simm.s32 $0x320  }
0x30: {  	[spmem:s2] =	stream.indirect.scatter.add.f32 [tilespmem:s12], [sflag:$0x1], $0x10, s31, s13, $0xb8;
	[tilespmem:$0x5320] =	vst v63  }
0x31: {  	s17 =	simm.s32 $0x370  }
0x32: {  	[spmem:s2] =	stream.indirect.scatter.add.f32 [tilespmem:s12], [sflag:$0x1], $0x10, s17, s13, $0xb8;
	[tilespmem:$0x5320] =	vst v63  }
0x33: {  	s18 =	simm.s32 $0x3C0  }
0x34: {  	[spmem:s2] =	stream.indirect.scatter.add.f32 [tilespmem:s12], [sflag:$0x1], $0x10, s18, s13, $0xb8;
	[tilespmem:$0x5320] =	vst v63  }
0x35: {  	s19 =	simm.s32 $0x410  }
0x36: {  	[spmem:s2] =	stream.indirect.scatter.add.f32 [tilespmem:s12], [sflag:$0x1], $0x10, s19, s13, $0xb8;
	[tilespmem:$0x5320] =	vst v63  }
0x37: {  	s20 =	simm.s32 $0x460  }
0x38: {  	[spmem:s2] =	stream.indirect.scatter.add.f32 [tilespmem:s12], [sflag:$0x1], $0x10, s20, s13, $0xb8;
	[tilespmem:$0x5320] =	vst v63  }
0x39: {  	s21 =	simm.s32 $0x4B0  }
0x3a: {  	[spmem:s2] =	stream.indirect.scatter.add.f32 [tilespmem:s12], [sflag:$0x1], $0x10, s21, s13, $0xb8;
	[tilespmem:$0x5320] =	vst v63  }
0x3b: {  	s22 =	simm.s32 $0x500  }
0x3c: {  	[spmem:s2] =	stream.indirect.scatter.add.f32 [tilespmem:s12], [sflag:$0x1], $0x10, s22, s13, $0xb8;
	[tilespmem:$0x5320] =	vst v63  }
0x3d: {  	s23 =	simm.s32 $0x550  }
0x3e: {  	[spmem:s2] =	stream.indirect.scatter.add.f32 [tilespmem:s12], [sflag:$0x1], $0x10, s23, s13, $0xb8;
	[tilespmem:$0x5320] =	vst v63  }
0x3f: {  	s24 =	simm.s32 $0x5A0  }
0x40: {  	[spmem:s2] =	stream.indirect.scatter.add.f32 [tilespmem:s12], [sflag:$0x1], $0x10, s24, s13, $0xb8;
	[tilespmem:$0x5320] =	vst v63  }
0x41: {  	s25 =	simm.s32 $0x5F0  }
0x42: {  	[spmem:s2] =	stream.indirect.scatter.add.f32 [tilespmem:s12], [sflag:$0x1], $0x10, s25, s13, $0xb8;
	[tilespmem:$0x5320] =	vst v63  }
0x43: {  	s26 =	simm.s32 $0x640  }
0x44: {  	[spmem:s2] =	stream.indirect.scatter.add.f32 [tilespmem:s12], [sflag:$0x1], $0x10, s26, s13, $0xb8;
	[tilespmem:$0x5320] =	vst v63  }
0x45: {  	s28 =	simm.s32 $0x690  }
0x46: {  	[spmem:s2] =	stream.indirect.scatter.add.f32 [tilespmem:s12], [sflag:$0x1], $0x10, s28, s13, $0xb8;
	[tilespmem:$0x5320] =	vst v63  }
0x47: {  	s29 =	simm.s32 $0x6E0  }
0x48: {  	[spmem:s2] =	stream.indirect.scatter.add.f32 [tilespmem:s12], [sflag:$0x1], $0x10, s29, s13, $0xb8;
	[tilespmem:$0x5320] =	vst v63  }
0x49: {  	s30 =	simm.s32 $0x730  }
0x4a: {  	[spmem:s2] =	stream.indirect.scatter.add.f32 [tilespmem:s12], [sflag:$0x1], $0x10, s30, s13, $0xb8;
	[tilespmem:$0x5320] =	vst v63  }
0x4b: {  	s31 =	simm.s32 $0x780  }
0x4c: {  	[spmem:s2] =	stream.indirect.scatter.add.f32 [tilespmem:s12], [sflag:$0x1], $0x10, s31, s13, $0xb8;
	[tilespmem:$0x5320] =	vst v63  }
0x4d: {  	_ =	swait.ge [sflag:s14], $0x500  }
0x4e: {  	[sflag:s14] =	ssyncset.done $0x0  }
0x4f: {  	[sflag:s14] =	ssyncadd.s32 $0xFFFFFB00  }
0x50: {  	_ =	swait.ge [sflag:s14], $0x500  }
0x51: {  	[sflag:s14] =	ssyncset.done $0x0  }
0x52: {  	[sflag:s14] =	ssyncadd.s32 $0xFFFFFB00  }
0x53: {  	_ =	swait.ge [sflag:s14], $0x500  }
0x54: {  	[sflag:s14] =	ssyncset.done $0x0  }
0x55: {  	[sflag:s14] =	ssyncadd.s32 $0xFFFFFB00  }
0x56: {  	_ =	swait.ge [sflag:s14], $0x500  }
0x57: {  	[sflag:s14] =	ssyncset.done $0x0  }
0x58: {  	[sflag:s14] =	ssyncadd.s32 $0xFFFFFB00  }
0x59: {  	_ =	swait.ge [sflag:s14], $0x500  }
0x5a: {  	[sflag:s14] =	ssyncset.done $0x0  }
0x5b: {  	[sflag:s14] =	ssyncadd.s32 $0xFFFFFB00  }
0x5c: {  	_ =	swait.ge [sflag:s14], $0x500  }
0x5d: {  	[sflag:s14] =	ssyncset.done $0x0  }
0x5e: {  	[sflag:s14] =	ssyncadd.s32 $0xFFFFFB00  }
0x5f: {  	_ =	swait.ge [sflag:s14], $0x500  }
0x60: {  	[sflag:s14] =	ssyncset.done $0x0  }
0x61: {  	[sflag:s14] =	ssyncadd.s32 $0xFFFFFB00  }
0x62: {  	_ =	swait.ge [sflag:s14], $0x500  }
0x63: {  	[sflag:s14] =	ssyncset.done $0x0  }
0x64: {  	[sflag:s14] =	ssyncadd.s32 $0xFFFFFB00  }
0x65: {  	_ =	swait.ge [sflag:s14], $0x500  }
0x66: {  	[sflag:s14] =	ssyncset.done $0x0  }
0x67: {  	[sflag:s14] =	ssyncadd.s32 $0xFFFFFB00  }
0x68: {  	_ =	swait.ge [sflag:s14], $0x500  }
0x69: {  	[sflag:s14] =	ssyncset.done $0x0  }
0x6a: {  	[sflag:s14] =	ssyncadd.s32 $0xFFFFFB00  }
0x6b: {  	_ =	swait.ge [sflag:s14], $0x500  }
0x6c: {  	[sflag:s14] =	ssyncset.done $0x0  }
0x6d: {  	[sflag:s14] =	ssyncadd.s32 $0xFFFFFB00  }
0x6e: {  	_ =	swait.ge [sflag:s14], $0x500  }
0x6f: {  	[sflag:s14] =	ssyncset.done $0x0  }
0x70: {  	[sflag:s14] =	ssyncadd.s32 $0xFFFFFB00  }
0x71: {  	_ =	swait.ge [sflag:s14], $0x500  }
0x72: {  	[sflag:s14] =	ssyncset.done $0x0  }
0x73: {  	[sflag:s14] =	ssyncadd.s32 $0xFFFFFB00  }
0x74: {  	_ =	swait.ge [sflag:s14], $0x500  }
0x75: {  	[sflag:s14] =	ssyncset.done $0x0  }
0x76: {  	[sflag:s14] =	ssyncadd.s32 $0xFFFFFB00  }
0x77: {  	_ =	swait.ge [sflag:s14], $0x500  }
0x78: {  	[sflag:s14] =	ssyncset.done $0x0  }
0x79: {  	[sflag:s14] =	ssyncadd.s32 $0xFFFFFB00  }
0x7a: {  	_ =	swait.ge [sflag:s14], $0x500  }
0x7b: {  	[sflag:s14] =	ssyncset.done $0x0  }
0x7c: {  	[sflag:s14] =	ssyncadd.s32 $0xFFFFFB00  }
0x7d: {  	_ =	swait.ge [sflag:s14], $0x500  }
0x7e: {  	[sflag:s14] =	ssyncset.done $0x0  }
0x7f: {  	[sflag:s14] =	ssyncadd.s32 $0xFFFFFB00  }
0x80: {  	_ =	swait.ge [sflag:s14], $0x500  }
0x81: {  	[sflag:s14] =	ssyncset.done $0x0  }
0x82: {  	[sflag:s14] =	ssyncadd.s32 $0xFFFFFB00  }
0x83: {  	_ =	swait.ge [sflag:s14], $0x500  }
0x84: {  	[sflag:s14] =	ssyncset.done $0x0  }
0x85: {  	[sflag:s14] =	ssyncadd.s32 $0xFFFFFB00  }
0x86: {  	_ =	swait.ge [sflag:s14], $0x500  }
0x87: {  	[sflag:s14] =	ssyncset.done $0x0  }
0x88: {  	[sflag:s14] =	ssyncadd.s32 $0xFFFFFB00  }
0x89: {  	_ =	swait.ge [sflag:s14], $0x500  }
0x8a: {  	[sflag:s14] =	ssyncset.done $0x0  }
0x8b: {  	[sflag:s14] =	ssyncadd.s32 $0xFFFFFB00  }
0x8c: {  	_ =	swait.ge [sflag:s14], $0x500  }
0x8d: {  	[sflag:s14] =	ssyncset.done $0x0  }
0x8e: {  	[sflag:s14] =	ssyncadd.s32 $0xFFFFFB00  }
0x8f: {  	_ =	swait.ge [sflag:s14], $0x500  }
0x90: {  	[sflag:s14] =	ssyncset.done $0x0  }
0x91: {  	[sflag:s14] =	ssyncadd.s32 $0xFFFFFB00  }
0x92: {  	_ =	swait.ge [sflag:s14], $0x500  }
0x93: {  	[sflag:s14] =	ssyncset.done $0x0  }
0x94: {  	[sflag:s14] =	ssyncadd.s32 $0xFFFFFB00  }
0x95: {  	_ =	swait.ge [sflag:s14], $0x500  }
0x96: {  	s16 =	simm.s32 $0x1F40;
	s19 =	simm.s32 $0x3E80;
	[sflag:s14] =	ssyncset.done $0x0  }
.LBB2_2:
0x97: {  	s18 =	sshra.s32 s16, $0x2  }
0x98: {  	[sflag:s14] =	ssyncadd.s32 $0xFFFFFB00;
	s16 =	smov.u32 s19;
	s17 =	sadd.s32 $0x1F40, s19  }
0x99: {  	[spmem:s2] =	stream.indirect.scatter.add.f32 [tilespmem:s12], [sflag:$0x1], $0x10, s18, s13, $0xb8;
	[tilespmem:$0x5320] =	vst v63  }
0x9a: {  	p0 =	sne.s32 s19, $0x7D00;
	s19 =	sadd.s32 $0x50, s18  }
0x9b: {  	[spmem:s2] =	stream.indirect.scatter.add.f32 [tilespmem:s12], [sflag:$0x1], $0x10, s19, s13, $0xb8;
	[tilespmem:$0x5320] =	vst v63  }
0x9c: {  	s19 =	sadd.s32 $0xA0, s18  }
0x9d: {  	[spmem:s2] =	stream.indirect.scatter.add.f32 [tilespmem:s12], [sflag:$0x1], $0x10, s19, s13, $0xb8;
	[tilespmem:$0x5320] =	vst v63  }
0x9e: {  	s19 =	sadd.s32 $0xF0, s18  }
0x9f: {  	[spmem:s2] =	stream.indirect.scatter.add.f32 [tilespmem:s12], [sflag:$0x1], $0x10, s19, s13, $0xb8;
	[tilespmem:$0x5320] =	vst v63  }
0xa0: {  	s19 =	sadd.s32 $0x140, s18  }
0xa1: {  	[spmem:s2] =	stream.indirect.scatter.add.f32 [tilespmem:s12], [sflag:$0x1], $0x10, s19, s13, $0xb8;
	[tilespmem:$0x5320] =	vst v63  }
0xa2: {  	s19 =	sadd.s32 $0x190, s18  }
0xa3: {  	[spmem:s2] =	stream.indirect.scatter.add.f32 [tilespmem:s12], [sflag:$0x1], $0x10, s19, s13, $0xb8;
	[tilespmem:$0x5320] =	vst v63  }
0xa4: {  	s19 =	sadd.s32 $0x1E0, s18  }
0xa5: {  	[spmem:s2] =	stream.indirect.scatter.add.f32 [tilespmem:s12], [sflag:$0x1], $0x10, s19, s13, $0xb8;
	[tilespmem:$0x5320] =	vst v63  }
0xa6: {  	s19 =	sadd.s32 $0x230, s18  }
0xa7: {  	[spmem:s2] =	stream.indirect.scatter.add.f32 [tilespmem:s12], [sflag:$0x1], $0x10, s19, s13, $0xb8;
	[tilespmem:$0x5320] =	vst v63  }
0xa8: {  	s19 =	sadd.s32 $0x280, s18  }
0xa9: {  	[spmem:s2] =	stream.indirect.scatter.add.f32 [tilespmem:s12], [sflag:$0x1], $0x10, s19, s13, $0xb8;
	[tilespmem:$0x5320] =	vst v63  }
0xaa: {  	s19 =	sadd.s32 $0x2D0, s18  }
0xab: {  	[spmem:s2] =	stream.indirect.scatter.add.f32 [tilespmem:s12], [sflag:$0x1], $0x10, s19, s13, $0xb8;
	[tilespmem:$0x5320] =	vst v63  }
0xac: {  	s19 =	sadd.s32 $0x320, s18  }
0xad: {  	[spmem:s2] =	stream.indirect.scatter.add.f32 [tilespmem:s12], [sflag:$0x1], $0x10, s19, s13, $0xb8;
	[tilespmem:$0x5320] =	vst v63  }
0xae: {  	s19 =	sadd.s32 $0x370, s18  }
0xaf: {  	[spmem:s2] =	stream.indirect.scatter.add.f32 [tilespmem:s12], [sflag:$0x1], $0x10, s19, s13, $0xb8;
	[tilespmem:$0x5320] =	vst v63  }
0xb0: {  	s19 =	sadd.s32 $0x3C0, s18  }
0xb1: {  	[spmem:s2] =	stream.indirect.scatter.add.f32 [tilespmem:s12], [sflag:$0x1], $0x10, s19, s13, $0xb8;
	[tilespmem:$0x5320] =	vst v63  }
0xb2: {  	s19 =	sadd.s32 $0x410, s18  }
0xb3: {  	[spmem:s2] =	stream.indirect.scatter.add.f32 [tilespmem:s12], [sflag:$0x1], $0x10, s19, s13, $0xb8;
	[tilespmem:$0x5320] =	vst v63  }
0xb4: {  	s19 =	sadd.s32 $0x460, s18  }
0xb5: {  	[spmem:s2] =	stream.indirect.scatter.add.f32 [tilespmem:s12], [sflag:$0x1], $0x10, s19, s13, $0xb8;
	[tilespmem:$0x5320] =	vst v63  }
0xb6: {  	s19 =	sadd.s32 $0x4B0, s18  }
0xb7: {  	[spmem:s2] =	stream.indirect.scatter.add.f32 [tilespmem:s12], [sflag:$0x1], $0x10, s19, s13, $0xb8;
	[tilespmem:$0x5320] =	vst v63  }
0xb8: {  	s19 =	sadd.s32 $0x500, s18  }
0xb9: {  	[spmem:s2] =	stream.indirect.scatter.add.f32 [tilespmem:s12], [sflag:$0x1], $0x10, s19, s13, $0xb8;
	[tilespmem:$0x5320] =	vst v63  }
0xba: {  	s19 =	sadd.s32 $0x550, s18  }
0xbb: {  	[spmem:s2] =	stream.indirect.scatter.add.f32 [tilespmem:s12], [sflag:$0x1], $0x10, s19, s13, $0xb8;
	[tilespmem:$0x5320] =	vst v63  }
0xbc: {  	s19 =	sadd.s32 $0x5A0, s18  }
0xbd: {  	[spmem:s2] =	stream.indirect.scatter.add.f32 [tilespmem:s12], [sflag:$0x1], $0x10, s19, s13, $0xb8;
	[tilespmem:$0x5320] =	vst v63  }
0xbe: {  	s19 =	sadd.s32 $0x5F0, s18  }
0xbf: {  	[spmem:s2] =	stream.indirect.scatter.add.f32 [tilespmem:s12], [sflag:$0x1], $0x10, s19, s13, $0xb8;
	[tilespmem:$0x5320] =	vst v63  }
0xc0: {  	s19 =	sadd.s32 $0x640, s18  }
0xc1: {  	[spmem:s2] =	stream.indirect.scatter.add.f32 [tilespmem:s12], [sflag:$0x1], $0x10, s19, s13, $0xb8;
	[tilespmem:$0x5320] =	vst v63  }
0xc2: {  	s19 =	sadd.s32 $0x690, s18  }
0xc3: {  	[spmem:s2] =	stream.indirect.scatter.add.f32 [tilespmem:s12], [sflag:$0x1], $0x10, s19, s13, $0xb8;
	[tilespmem:$0x5320] =	vst v63  }
0xc4: {  	s19 =	sadd.s32 $0x6E0, s18  }
0xc5: {  	[spmem:s2] =	stream.indirect.scatter.add.f32 [tilespmem:s12], [sflag:$0x1], $0x10, s19, s13, $0xb8;
	[tilespmem:$0x5320] =	vst v63  }
0xc6: {  	s19 =	sadd.s32 $0x730, s18  }
0xc7: {  	[spmem:s2] =	stream.indirect.scatter.add.f32 [tilespmem:s12], [sflag:$0x1], $0x10, s19, s13, $0xb8;
	[tilespmem:$0x5320] =	vst v63  }
0xc8: {  	s18 =	sadd.s32 $0x780, s18  }
0xc9: {  	[spmem:s2] =	stream.indirect.scatter.add.f32 [tilespmem:s12], [sflag:$0x1], $0x10, s18, s13, $0xb8;
	[tilespmem:$0x5320] =	vst v63  }
0xca: {  	_ =	swait.ge [sflag:s14], $0x500  }
0xcb: {  	[sflag:s14] =	ssyncset.done $0x0  }
0xcc: {  	[sflag:s14] =	ssyncadd.s32 $0xFFFFFB00  }
0xcd: {  	_ =	swait.ge [sflag:s14], $0x500  }
0xce: {  	[sflag:s14] =	ssyncset.done $0x0  }
0xcf: {  	[sflag:s14] =	ssyncadd.s32 $0xFFFFFB00  }
0xd0: {  	_ =	swait.ge [sflag:s14], $0x500  }
0xd1: {  	[sflag:s14] =	ssyncset.done $0x0  }
0xd2: {  	[sflag:s14] =	ssyncadd.s32 $0xFFFFFB00  }
0xd3: {  	_ =	swait.ge [sflag:s14], $0x500  }
0xd4: {  	[sflag:s14] =	ssyncset.done $0x0  }
0xd5: {  	[sflag:s14] =	ssyncadd.s32 $0xFFFFFB00  }
0xd6: {  	_ =	swait.ge [sflag:s14], $0x500  }
0xd7: {  	[sflag:s14] =	ssyncset.done $0x0  }
0xd8: {  	[sflag:s14] =	ssyncadd.s32 $0xFFFFFB00  }
0xd9: {  	_ =	swait.ge [sflag:s14], $0x500  }
0xda: {  	[sflag:s14] =	ssyncset.done $0x0  }
0xdb: {  	[sflag:s14] =	ssyncadd.s32 $0xFFFFFB00  }
0xdc: {  	_ =	swait.ge [sflag:s14], $0x500  }
0xdd: {  	[sflag:s14] =	ssyncset.done $0x0  }
0xde: {  	[sflag:s14] =	ssyncadd.s32 $0xFFFFFB00  }
0xdf: {  	_ =	swait.ge [sflag:s14], $0x500  }
0xe0: {  	[sflag:s14] =	ssyncset.done $0x0  }
0xe1: {  	[sflag:s14] =	ssyncadd.s32 $0xFFFFFB00  }
0xe2: {  	_ =	swait.ge [sflag:s14], $0x500  }
0xe3: {  	[sflag:s14] =	ssyncset.done $0x0  }
0xe4: {  	[sflag:s14] =	ssyncadd.s32 $0xFFFFFB00  }
0xe5: {  	_ =	swait.ge [sflag:s14], $0x500  }
0xe6: {  	[sflag:s14] =	ssyncset.done $0x0  }
0xe7: {  	[sflag:s14] =	ssyncadd.s32 $0xFFFFFB00  }
0xe8: {  	_ =	swait.ge [sflag:s14], $0x500  }
0xe9: {  	[sflag:s14] =	ssyncset.done $0x0  }
0xea: {  	[sflag:s14] =	ssyncadd.s32 $0xFFFFFB00  }
0xeb: {  	_ =	swait.ge [sflag:s14], $0x500  }
0xec: {  	[sflag:s14] =	ssyncset.done $0x0  }
0xed: {  	[sflag:s14] =	ssyncadd.s32 $0xFFFFFB00  }
0xee: {  	_ =	swait.ge [sflag:s14], $0x500  }
0xef: {  	[sflag:s14] =	ssyncset.done $0x0  }
0xf0: {  	[sflag:s14] =	ssyncadd.s32 $0xFFFFFB00  }
0xf1: {  	_ =	swait.ge [sflag:s14], $0x500  }
0xf2: {  	[sflag:s14] =	ssyncset.done $0x0  }
0xf3: {  	[sflag:s14] =	ssyncadd.s32 $0xFFFFFB00  }
0xf4: {  	_ =	swait.ge [sflag:s14], $0x500  }
0xf5: {  	[sflag:s14] =	ssyncset.done $0x0  }
0xf6: {  	[sflag:s14] =	ssyncadd.s32 $0xFFFFFB00  }
0xf7: {  	_ =	swait.ge [sflag:s14], $0x500  }
0xf8: {  	[sflag:s14] =	ssyncset.done $0x0  }
0xf9: {  	[sflag:s14] =	ssyncadd.s32 $0xFFFFFB00  }
0xfa: {  	_ =	swait.ge [sflag:s14], $0x500  }
0xfb: {  	[sflag:s14] =	ssyncset.done $0x0  }
0xfc: {  	[sflag:s14] =	ssyncadd.s32 $0xFFFFFB00  }
0xfd: {  	_ =	swait.ge [sflag:s14], $0x500  }
0xfe: {  	[sflag:s14] =	ssyncset.done $0x0  }
0xff: {  	[sflag:s14] =	ssyncadd.s32 $0xFFFFFB00  }
0x100: {  	_ =	swait.ge [sflag:s14], $0x500  }
0x101: {  	[sflag:s14] =	ssyncset.done $0x0  }
0x102: {  	[sflag:s14] =	ssyncadd.s32 $0xFFFFFB00  }
0x103: {  	_ =	swait.ge [sflag:s14], $0x500  }
0x104: {  	[sflag:s14] =	ssyncset.done $0x0  }
0x105: {  	[sflag:s14] =	ssyncadd.s32 $0xFFFFFB00  }
0x106: {  	_ =	swait.ge [sflag:s14], $0x500  }
0x107: {  	[sflag:s14] =	ssyncset.done $0x0  }
0x108: {  	[sflag:s14] =	ssyncadd.s32 $0xFFFFFB00  }
0x109: {  	_ =	swait.ge [sflag:s14], $0x500  }
0x10a: {  	[sflag:s14] =	ssyncset.done $0x0  }
0x10b: {  	[sflag:s14] =	ssyncadd.s32 $0xFFFFFB00  }
0x10c: {  	_ =	swait.ge [sflag:s14], $0x500  }
0x10d: {  	[sflag:s14] =	ssyncset.done $0x0  }
0x10e: {  	[sflag:s14] =	ssyncadd.s32 $0xFFFFFB00  }
.Ltmp0:
0x10f: {  	_ =	swait.ge [sflag:s14], $0x500;
	(pc) =	sbr.rel @p0 .LBB2_2-.Ltmp0, $4  }
0x110: {  	[sflag:s14] =	ssyncset.done $0x0  }
0x111: {  	[sflag:s14] =	ssyncadd.s32 $0xFFFFFB00  }
0x112: {  	_ =	swait.ge [sflag:s14], $0x500  }
0x113: {  	s19 =	smov.u32 s17;
	[sflag:s14] =	ssyncset.done $0x0  }
0x114: {  	s16 =	sshra.s32 s16, $0x2;
	[sflag:s14] =	ssyncadd.s32 $0xFFFFFB00  }
0x115: {  	[spmem:s2] =	stream.indirect.scatter.add.f32 [tilespmem:s12], [sflag:$0x1], $0x10, s16, s13, $0xb8;
	[tilespmem:$0x5320] =	vst v63  }
0x116: {  	s17 =	sadd.s32 $0x50, s16  }
0x117: {  	[spmem:s2] =	stream.indirect.scatter.add.f32 [tilespmem:s12], [sflag:$0x1], $0x10, s17, s13, $0xb8;
	[tilespmem:$0x5320] =	vst v63  }
0x118: {  	s22 =	sadd.s32 $0xA0, s16  }
0x119: {  	[spmem:s2] =	stream.indirect.scatter.add.f32 [tilespmem:s12], [sflag:$0x1], $0x10, s22, s13, $0xb8;
	[tilespmem:$0x5320] =	vst v63  }
0x11a: {  	s23 =	sadd.s32 $0xF0, s16  }
0x11b: {  	[spmem:s2] =	stream.indirect.scatter.add.f32 [tilespmem:s12], [sflag:$0x1], $0x10, s23, s13, $0xb8;
	[tilespmem:$0x5320] =	vst v63  }
0x11c: {  	s24 =	sadd.s32 $0x140, s16  }
0x11d: {  	[spmem:s2] =	stream.indirect.scatter.add.f32 [tilespmem:s12], [sflag:$0x1], $0x10, s24, s13, $0xb8;
	[tilespmem:$0x5320] =	vst v63  }
0x11e: {  	s25 =	sadd.s32 $0x190, s16  }
0x11f: {  	[spmem:s2] =	stream.indirect.scatter.add.f32 [tilespmem:s12], [sflag:$0x1], $0x10, s25, s13, $0xb8;
	[tilespmem:$0x5320] =	vst v63  }
0x120: {  	s26 =	sadd.s32 $0x1E0, s16  }
0x121: {  	[spmem:s2] =	stream.indirect.scatter.add.f32 [tilespmem:s12], [sflag:$0x1], $0x10, s26, s13, $0xb8;
	[tilespmem:$0x5320] =	vst v63  }
0x122: {  	s28 =	sadd.s32 $0x230, s16  }
0x123: {  	[spmem:s2] =	stream.indirect.scatter.add.f32 [tilespmem:s12], [sflag:$0x1], $0x10, s28, s13, $0xb8;
	[tilespmem:$0x5320] =	vst v63  }
0x124: {  	s29 =	sadd.s32 $0x280, s16  }
0x125: {  	[spmem:s2] =	stream.indirect.scatter.add.f32 [tilespmem:s12], [sflag:$0x1], $0x10, s29, s13, $0xb8;
	[tilespmem:$0x5320] =	vst v63  }
0x126: {  	s30 =	sadd.s32 $0x2D0, s16  }
0x127: {  	[spmem:s2] =	stream.indirect.scatter.add.f32 [tilespmem:s12], [sflag:$0x1], $0x10, s30, s13, $0xb8;
	[tilespmem:$0x5320] =	vst v63  }
0x128: {  	s31 =	sadd.s32 $0x320, s16  }
0x129: {  	[spmem:s2] =	stream.indirect.scatter.add.f32 [tilespmem:s12], [sflag:$0x1], $0x10, s31, s13, $0xb8;
	[tilespmem:$0x5320] =	vst v63  }
0x12a: {  	s18 =	sadd.s32 $0x370, s16  }
0x12b: {  	[spmem:s2] =	stream.indirect.scatter.add.f32 [tilespmem:s12], [sflag:$0x1], $0x10, s18, s13, $0xb8;
	[tilespmem:$0x5320] =	vst v63  }
0x12c: {  	s19 =	sadd.s32 $0x3C0, s16  }
0x12d: {  	[spmem:s2] =	stream.indirect.scatter.add.f32 [tilespmem:s12], [sflag:$0x1], $0x10, s19, s13, $0xb8;
	[tilespmem:$0x5320] =	vst v63  }
0x12e: {  	s20 =	sadd.s32 $0x410, s16  }
0x12f: {  	[spmem:s2] =	stream.indirect.scatter.add.f32 [tilespmem:s12], [sflag:$0x1], $0x10, s20, s13, $0xb8;
	[tilespmem:$0x5320] =	vst v63  }
0x130: {  	s21 =	sadd.s32 $0x460, s16  }
0x131: {  	[spmem:s2] =	stream.indirect.scatter.add.f32 [tilespmem:s12], [sflag:$0x1], $0x10, s21, s13, $0xb8;
	[tilespmem:$0x5320] =	vst v63  }
0x132: {  	s22 =	sadd.s32 $0x4B0, s16  }
0x133: {  	[spmem:s2] =	stream.indirect.scatter.add.f32 [tilespmem:s12], [sflag:$0x1], $0x10, s22, s13, $0xb8;
	[tilespmem:$0x5320] =	vst v63  }
0x134: {  	s23 =	sadd.s32 $0x500, s16  }
0x135: {  	[spmem:s2] =	stream.indirect.scatter.add.f32 [tilespmem:s12], [sflag:$0x1], $0x10, s23, s13, $0xb8;
	[tilespmem:$0x5320] =	vst v63  }
0x136: {  	s24 =	sadd.s32 $0x550, s16  }
0x137: {  	[spmem:s2] =	stream.indirect.scatter.add.f32 [tilespmem:s12], [sflag:$0x1], $0x10, s24, s13, $0xb8;
	[tilespmem:$0x5320] =	vst v63  }
0x138: {  	s25 =	sadd.s32 $0x5A0, s16  }
0x139: {  	[spmem:s2] =	stream.indirect.scatter.add.f32 [tilespmem:s12], [sflag:$0x1], $0x10, s25, s13, $0xb8;
	[tilespmem:$0x5320] =	vst v63  }
0x13a: {  	s26 =	sadd.s32 $0x5F0, s16  }
0x13b: {  	[spmem:s2] =	stream.indirect.scatter.add.f32 [tilespmem:s12], [sflag:$0x1], $0x10, s26, s13, $0xb8;
	[tilespmem:$0x5320] =	vst v63  }
0x13c: {  	s28 =	sadd.s32 $0x640, s16  }
0x13d: {  	[spmem:s2] =	stream.indirect.scatter.add.f32 [tilespmem:s12], [sflag:$0x1], $0x10, s28, s13, $0xb8;
	[tilespmem:$0x5320] =	vst v63  }
0x13e: {  	s29 =	sadd.s32 $0x690, s16  }
0x13f: {  	[spmem:s2] =	stream.indirect.scatter.add.f32 [tilespmem:s12], [sflag:$0x1], $0x10, s29, s13, $0xb8;
	[tilespmem:$0x5320] =	vst v63  }
0x140: {  	s30 =	sadd.s32 $0x6E0, s16  }
0x141: {  	[spmem:s2] =	stream.indirect.scatter.add.f32 [tilespmem:s12], [sflag:$0x1], $0x10, s30, s13, $0xb8;
	[tilespmem:$0x5320] =	vst v63  }
0x142: {  	s31 =	sadd.s32 $0x730, s16  }
0x143: {  	[spmem:s2] =	stream.indirect.scatter.add.f32 [tilespmem:s12], [sflag:$0x1], $0x10, s31, s13, $0xb8;
	[tilespmem:$0x5320] =	vst v63  }
0x144: {  	s16 =	sadd.s32 $0x780, s16  }
0x145: {  	[spmem:s2] =	stream.indirect.scatter.add.f32 [tilespmem:s12], [sflag:$0x1], $0x10, s16, s13, $0xb8;
	[tilespmem:$0x5320] =	vst v63  }
0x146: {  	_ =	swait.ge [sflag:s14], $0x500  }
0x147: {  	[sflag:s14] =	ssyncset.done $0x0  }
0x148: {  	[sflag:s14] =	ssyncadd.s32 $0xFFFFFB00  }
0x149: {  	_ =	swait.ge [sflag:s14], $0x500  }
0x14a: {  	[sflag:s14] =	ssyncset.done $0x0  }
0x14b: {  	[sflag:s14] =	ssyncadd.s32 $0xFFFFFB00  }
0x14c: {  	_ =	swait.ge [sflag:s14], $0x500  }
0x14d: {  	[sflag:s14] =	ssyncset.done $0x0  }
0x14e: {  	[sflag:s14] =	ssyncadd.s32 $0xFFFFFB00  }
0x14f: {  	_ =	swait.ge [sflag:s14], $0x500  }
0x150: {  	[sflag:s14] =	ssyncset.done $0x0  }
0x151: {  	[sflag:s14] =	ssyncadd.s32 $0xFFFFFB00  }
0x152: {  	_ =	swait.ge [sflag:s14], $0x500  }
0x153: {  	[sflag:s14] =	ssyncset.done $0x0  }
0x154: {  	[sflag:s14] =	ssyncadd.s32 $0xFFFFFB00  }
0x155: {  	_ =	swait.ge [sflag:s14], $0x500  }
0x156: {  	[sflag:s14] =	ssyncset.done $0x0  }
0x157: {  	[sflag:s14] =	ssyncadd.s32 $0xFFFFFB00  }
0x158: {  	_ =	swait.ge [sflag:s14], $0x500  }
0x159: {  	[sflag:s14] =	ssyncset.done $0x0  }
0x15a: {  	[sflag:s14] =	ssyncadd.s32 $0xFFFFFB00  }
0x15b: {  	_ =	swait.ge [sflag:s14], $0x500  }
0x15c: {  	[sflag:s14] =	ssyncset.done $0x0  }
0x15d: {  	[sflag:s14] =	ssyncadd.s32 $0xFFFFFB00  }
0x15e: {  	_ =	swait.ge [sflag:s14], $0x500  }
0x15f: {  	[sflag:s14] =	ssyncset.done $0x0  }
0x160: {  	[sflag:s14] =	ssyncadd.s32 $0xFFFFFB00  }
0x161: {  	_ =	swait.ge [sflag:s14], $0x500  }
0x162: {  	[sflag:s14] =	ssyncset.done $0x0  }
0x163: {  	[sflag:s14] =	ssyncadd.s32 $0xFFFFFB00  }
0x164: {  	_ =	swait.ge [sflag:s14], $0x500  }
0x165: {  	[sflag:s14] =	ssyncset.done $0x0  }
0x166: {  	[sflag:s14] =	ssyncadd.s32 $0xFFFFFB00  }
0x167: {  	_ =	swait.ge [sflag:s14], $0x500  }
0x168: {  	[sflag:s14] =	ssyncset.done $0x0  }
0x169: {  	[sflag:s14] =	ssyncadd.s32 $0xFFFFFB00  }
0x16a: {  	_ =	swait.ge [sflag:s14], $0x500  }
0x16b: {  	[sflag:s14] =	ssyncset.done $0x0  }
0x16c: {  	[sflag:s14] =	ssyncadd.s32 $0xFFFFFB00  }
0x16d: {  	_ =	swait.ge [sflag:s14], $0x500  }
0x16e: {  	[sflag:s14] =	ssyncset.done $0x0  }
0x16f: {  	[sflag:s14] =	ssyncadd.s32 $0xFFFFFB00  }
0x170: {  	_ =	swait.ge [sflag:s14], $0x500  }
0x171: {  	[sflag:s14] =	ssyncset.done $0x0  }
0x172: {  	[sflag:s14] =	ssyncadd.s32 $0xFFFFFB00  }
0x173: {  	_ =	swait.ge [sflag:s14], $0x500  }
0x174: {  	[sflag:s14] =	ssyncset.done $0x0  }
0x175: {  	[sflag:s14] =	ssyncadd.s32 $0xFFFFFB00  }
0x176: {  	_ =	swait.ge [sflag:s14], $0x500  }
0x177: {  	[sflag:s14] =	ssyncset.done $0x0  }
0x178: {  	[sflag:s14] =	ssyncadd.s32 $0xFFFFFB00  }
0x179: {  	_ =	swait.ge [sflag:s14], $0x500  }
0x17a: {  	[sflag:s14] =	ssyncset.done $0x0  }
0x17b: {  	[sflag:s14] =	ssyncadd.s32 $0xFFFFFB00  }
0x17c: {  	_ =	swait.ge [sflag:s14], $0x500  }
0x17d: {  	[sflag:s14] =	ssyncset.done $0x0  }
0x17e: {  	[sflag:s14] =	ssyncadd.s32 $0xFFFFFB00  }
0x17f: {  	_ =	swait.ge [sflag:s14], $0x500  }
0x180: {  	[sflag:s14] =	ssyncset.done $0x0  }
0x181: {  	[sflag:s14] =	ssyncadd.s32 $0xFFFFFB00  }
0x182: {  	_ =	swait.ge [sflag:s14], $0x500  }
0x183: {  	[sflag:s14] =	ssyncset.done $0x0  }
0x184: {  	[sflag:s14] =	ssyncadd.s32 $0xFFFFFB00  }
0x185: {  	_ =	swait.ge [sflag:s14], $0x500  }
0x186: {  	[sflag:s14] =	ssyncset.done $0x0  }
0x187: {  	[sflag:s14] =	ssyncadd.s32 $0xFFFFFB00  }
0x188: {  	_ =	swait.ge [sflag:s14], $0x500  }
0x189: {  	[sflag:s14] =	ssyncset.done $0x0  }
0x18a: {  	[sflag:s14] =	ssyncadd.s32 $0xFFFFFB00  }
0x18b: {  	_ =	swait.ge [sflag:s14], $0x500  }
0x18c: {  	[sflag:s14] =	ssyncset.done $0x0  }
0x18d: {  	[sflag:s14] =	ssyncadd.s32 $0xFFFFFB00  }
0x18e: {  	_ =	swait.ge [sflag:s14], $0x500  }
0x18f: {  	s15 =	sadd.s32 $0x1, s15;
	[sflag:s14] =	ssyncset.done $0x0  }
0x190: {  	p0 =	sne.s32 s15, s8;
	[sflag:s14] =	ssyncadd.s32 $0xFFFFFB00  }
.Ltmp1:
0x191: {  	[bflag:$0x0] =	sbarrier.arrive $0xFFFF;
	(pc) =	sbr.rel @p0 .LBB2_1-.Ltmp1, $4  }
0x192: {  	[hbm:s7], [sflag:s10] =	dma.local [spmem:s11], $0x4E2  }
0x193: {  	_ =	swait.ge [sflag:s9], $0x4E2  }
0x194: {  	[sflag:s9] =	ssyncset.done $0x0  }
0x195: {  	[sflag:s9] =	ssyncadd.s32 $0xFFFFFB1E  }
0x196: {  	_ =	sfence.sel $0x180000  }
0x197: {  	[bflag:$0x0] =	sbarrier.arrive $0xFFFF  }
0x198: {  	p0 =	sne.s32 s1, $0x0;
	_ =	strace $0x90000047  }
0x199: {  	s0 =	sadd.s32 @!p0 $0x100000, s0;
	[bflag:$0x2] =	sbarrier.arrive $0xFFFF  }
0x19a: {  	[sflag:s0] =	ssyncadd.tile.s32 @!p0 $0x1;
	_ =	shalt  }
.Lfunc_end2:
_tile_overlayer_lowered:
.L_overlay_start_2:
0x19b: {  	(tag) =	ssettag $0x2  }
0x19c: {  	s0 =	rddreg [dreg:$0x0];
	s2 =	stileid.u32  }
0x19d: {  	s1 =	rddreg [dreg:$0x1];
	p0 =	sne.s32 s2, $0x0  }
0x19e: {  	s3 =	rddreg [dreg:$0x2];
	[bflag:$0x3] =	sbarrier.arrive $0xFFFF;
	s2 =	simm.s32 @!p0 $0x1C02  }
0x19f: {  	[timem:s3], [sflag:s2] =	dma.local @!p0 [hbm:s0], s1  }
0x1a0: {  	s0 =	simm.s32 @!p0 $0x2  }
0x1a1: {  	_ =	swait.ge @!p0 [sflag:s0], s1  }
0x1a2: {  	s1 =	ssub.s32 @!p0 $0x0, s1;
	[sflag:s0] =	ssyncset.done @!p0 $0x0  }
0x1a3: {  	[sflag:s0] =	ssyncadd.s32 @!p0 s1  }
0x1a4: {  	[bflag:$0x3] =	sbarrier.arrive $0xFFFF  }
0x1a5: {  	_ =	shalt  }

</sc_bundles>
